<compile_context>
chip_gen: v7x
topology: tpu7x:2x2x1
jax: 0.10.2.dev20260603
libtpu: 0.0.44.dev20260713+nightly
codegen_flags: <defaults>
</compile_context>

<pallas_src>
import jax
import jax.numpy as jnp
from jax import lax
from jax.experimental import pallas as pl
from jax.experimental.pallas import tpu as pltpu
from jax.experimental.pallas import tpu_sc as plsc

NC, NS, L = 2, 16, 16
NW = NC * NS
SEQ = 200
D = 64
B, T = 4096, 200
TOTAL = B * T
PER_W = TOTAL // NW
NSEQ = 2
CHUNK = NSEQ * SEQ
CHUNKS = PER_W // CHUNK


def _positional_encoding(nb_words, nb_dimensions):
    pos = jnp.arange(nb_words, dtype=jnp.float32)[:, None]
    dim = jnp.arange(nb_dimensions, dtype=jnp.float32)[None, :]
    ang = pos / jnp.power(10000.0, 2.0 * dim / nb_dimensions)
    temp1 = jnp.sin(ang)
    temp2 = jnp.cos(ang)
    Z = jnp.zeros((nb_words, nb_dimensions), dtype=jnp.float32)
    Z = Z.at[:, 0::2].set(temp1[:, 0::2])
    Z = Z.at[:, 1::2].set(temp2[:, 1::2])
    return Z


def _body(idx_hbm, table_hbm, pe_hbm, out_hbm,
          idx_all, rows0, rows1, pe_v,
          gsem0, gsem1, osem0, osem1):
    wid = lax.axis_index("c") * NS + lax.axis_index("s")
    base = wid * PER_W
    pltpu.sync_copy(pe_hbm, pe_v)
    pltpu.sync_copy(idx_hbm.at[pl.ds(base, PER_W)], idx_all)

    bufs = [(rows0, gsem0, osem0), (rows1, gsem1, osem1)]

    def idx_slice(ci):
        return idx_all.at[pl.ds(ci * CHUNK, CHUNK)]

    def fire_gather(ci, b):
        rows_v, gsem, _ = bufs[b]
        pltpu.async_copy(table_hbm.at[idx_slice(ci)], rows_v, gsem)

    def wait_gather(ci, b):
        rows_v, gsem, _ = bufs[b]
        pltpu.make_async_copy(table_hbm.at[idx_slice(ci)], rows_v, gsem).wait()

    def add_pe(b):
        rows_v = bufs[b][0]

        def row_body(r, _):
            for cc in range(D // L):
                sl = pl.ds(cc * L, L)
                pv = pe_v[r, sl]
                for s in range(NSEQ):
                    plsc.addupdate(rows_v.at[s * SEQ + r, sl], pv)
            return 0

        lax.fori_loop(0, SEQ, row_body, 0, unroll=4)

    def fire_out(ci, b):
        rows_v, _, osem = bufs[b]
        pltpu.async_copy(rows_v, out_hbm.at[pl.ds(base + ci * CHUNK, CHUNK)],
                         osem)

    def wait_out(ci, b):
        rows_v, _, osem = bufs[b]
        pltpu.make_async_copy(rows_v,
                              out_hbm.at[pl.ds(base + ci * CHUNK, CHUNK)],
                              osem).wait()

    def step(ci, b, wait_prev_out):
        if wait_prev_out:
            wait_out(ci - 1, b ^ 1)
        fire_gather(ci + 1, b ^ 1)
        wait_gather(ci, b)
        add_pe(b)
        fire_out(ci, b)

    fire_gather(0, 0)
    step(0, 0, wait_prev_out=False)
    step(1, 1, wait_prev_out=True)

    def pair(ci2, _):
        e = 2 * ci2
        step(e, 0, wait_prev_out=True)
        step(e + 1, 1, wait_prev_out=True)
        return 0

    lax.fori_loop(1, CHUNKS // 2 - 1, pair, 0, unroll=False)

    step(CHUNKS - 2, 0, wait_prev_out=True)
    wait_out(CHUNKS - 2, 0)
    wait_gather(CHUNKS - 1, 1)
    add_pe(1)
    fire_out(CHUNKS - 1, 1)
    wait_out(CHUNKS - 1, 1)


@jax.jit
def _embed(X, table):
    pe = _positional_encoding(T, D)
    Xf = X.reshape(TOTAL)
    k = pl.kernel(
        _body,
        out_type=jax.ShapeDtypeStruct((TOTAL, D), jnp.float32),
        mesh=plsc.VectorSubcoreMesh(core_axis_name="c", subcore_axis_name="s"),
        scratch_types=[
            pltpu.VMEM((PER_W,), jnp.int32),
            pltpu.VMEM((CHUNK, D), jnp.float32),
            pltpu.VMEM((CHUNK, D), jnp.float32),
            pltpu.VMEM((SEQ, D), jnp.float32),
            pltpu.SemaphoreType.DMA,
            pltpu.SemaphoreType.DMA,
            pltpu.SemaphoreType.DMA,
            pltpu.SemaphoreType.DMA,
        ],
        compiler_params=pltpu.CompilerParams(use_tc_tiling_on_sc=False),
    )
    return k(Xf, table, pe)


def kernel(X, table):
    return _embed(X, table).reshape(B, T, D)

# --- scband reference (transcript-rebuilt; emitter-appended) ---
"""Pipeline reference for scband-embedding-51419348468281 (READ-ONLY COPY).

The authoritative reference and input builder live on the scoring server;
editing this copy changes nothing except your own understanding.
"""

import jax, jax.numpy as jnp
import numpy as np

VOCAB = 1000000
D_MODEL = 64
PADDING_IDX = 0


def positional_encoding(nb_words, nb_dimensions):
    pos = jnp.arange(nb_words, dtype=jnp.float32)[:, None]
    dim = jnp.arange(nb_dimensions, dtype=jnp.float32)[None, :]
    TEMP = 10000.0
    ang = pos / jnp.power(TEMP, 2.0 * dim / nb_dimensions)
    temp1 = jnp.sin(ang)
    temp2 = jnp.cos(ang)
    Z = jnp.zeros((nb_words, nb_dimensions), dtype=jnp.float32)
    Z = Z.at[:, 0::2].set(temp1[:, 0::2])
    Z = Z.at[:, 1::2].set(temp2[:, 1::2])
    return Z


def setup_inputs(seed: int = 0) -> dict:
    key = jax.random.key(seed)
    k1, k2 = jax.random.split(key)
    X = jax.random.randint(k1, (4096, 200), 0, VOCAB, dtype=jnp.int64) if jax.config.jax_enable_x64 else jax.random.randint(k1, (4096, 200), 0, VOCAB, dtype=jnp.int32)
    table = jax.random.normal(k2, (VOCAB, D_MODEL), dtype=jnp.float32)
    # nn.Embedding with padding_idx zeroes that row
    table = table.at[PADDING_IDX].set(0.0)
    return {"X": X, "table": table}


def reference(X, table):
    # embedding lookup (gather); padding_idx row contributes zeros
    vectors = jnp.take(table, X, axis=0)
    vectors = jnp.where((X == PADDING_IDX)[..., None], 0.0, vectors)
    # add positional encoding over the token dimension
    pe = positional_encoding(X.shape[1], table.shape[1])
    return vectors + pe

if __name__ == "__main__":
    import jax
    _d = setup_inputs()
    print(jax.jit(kernel)(*tuple(_d.values())))

</pallas_src>

<mosaic_0001>
#map = affine_map<(d0, d1) -> (0)>
#map1 = affine_map<(d0, d1) -> (0, 0)>
module attributes {stable_mosaic.version = 14 : i64} {
  func.func @_body(%arg0: i32, %arg1: i32, %arg2: memref<819200xi32, #tpu.memory_space<hbm>>, %arg3: memref<1000000x64xf32, #tpu.memory_space<hbm>>, %arg4: memref<200x64xf32, #tpu.memory_space<hbm>>, %arg5: memref<819200x64xf32, #tpu.memory_space<hbm>>, %arg6: memref<25600xi32, #tpu.memory_space<vmem>>, %arg7: memref<400x64xf32, #tpu.memory_space<vmem>>, %arg8: memref<400x64xf32, #tpu.memory_space<vmem>>, %arg9: memref<200x64xf32, #tpu.memory_space<vmem>>, %arg10: memref<!tpu.dma_semaphore, #tpu.memory_space<semaphore_mem>>, %arg11: memref<!tpu.dma_semaphore, #tpu.memory_space<semaphore_mem>>, %arg12: memref<!tpu.dma_semaphore, #tpu.memory_space<semaphore_mem>>, %arg13: memref<!tpu.dma_semaphore, #tpu.memory_space<semaphore_mem>>) attributes {dimension_semantics = [#tpu.dimension_semantics<core_parallel>, #tpu.dimension_semantics<subcore_parallel>], iteration_bounds = array<i64: 2, 16>, scalar_prefetch = 0 : i64, scratch_operands = 8 : i64, tpu.core_type = #tpu.core_type<sc_vector_subcore>, window_params = [{transform_indices = #map}, {transform_indices = #map1}, {transform_indices = #map1}, {transform_indices = #map1}]} {
    %mul3A = arith.constant 16 : i32
    %mul3A_0 = arith.muli %arg0, %mul3A : i32
    %add3A = arith.addi %mul3A_0, %arg1 : i32
    %mul3A_1 = arith.constant 25600 : i32
    %mul3A_2 = arith.muli %add3A, %mul3A_1 : i32
    "tpu.region"() ({
      %run_scoped3A = tpu.sem_alloc : memref<!tpu.dma_semaphore, #tpu.memory_space<semaphore_mem>>
      tpu.enqueue_dma source(%arg4 : memref<200x64xf32, #tpu.memory_space<hbm>>) target(%arg9 : memref<200x64xf32, #tpu.memory_space<vmem>>) target_semaphore(%run_scoped3A : memref<!tpu.dma_semaphore, #tpu.memory_space<semaphore_mem>>)
      tpu.wait_dma2 semaphore(%run_scoped3A : memref<!tpu.dma_semaphore, #tpu.memory_space<semaphore_mem>>) src(%arg4 : memref<200x64xf32, #tpu.memory_space<hbm>>) dst(%arg9 : memref<200x64xf32, #tpu.memory_space<vmem>>)
      tpu.yield
    }) : () -> ()
    "tpu.region"() ({
      %run_scoped3A = tpu.sem_alloc : memref<!tpu.dma_semaphore, #tpu.memory_space<semaphore_mem>>
      %dma_start3A_123 = tpu.memref_slice %arg2[%mul3A_2] : memref<819200xi32, #tpu.memory_space<hbm>> -> memref<25600xi32, #tpu.memory_space<hbm>>
      %dma_start3A_124 = tpu.memref_slice %arg2[%mul3A_2] : memref<819200xi32, #tpu.memory_space<hbm>> -> memref<25600xi32, #tpu.memory_space<hbm>>
      tpu.enqueue_dma source(%dma_start3A_124 : memref<25600xi32, #tpu.memory_space<hbm>>) target(%arg6 : memref<25600xi32, #tpu.memory_space<vmem>>) target_semaphore(%run_scoped3A : memref<!tpu.dma_semaphore, #tpu.memory_space<semaphore_mem>>)
      %dma_wait3A_125 = tpu.memref_slice %arg2[%mul3A_2] : memref<819200xi32, #tpu.memory_space<hbm>> -> memref<25600xi32, #tpu.memory_space<hbm>>
      %dma_wait3A_126 = tpu.memref_slice %arg2[%mul3A_2] : memref<819200xi32, #tpu.memory_space<hbm>> -> memref<25600xi32, #tpu.memory_space<hbm>>
      tpu.wait_dma2 semaphore(%run_scoped3A : memref<!tpu.dma_semaphore, #tpu.memory_space<semaphore_mem>>) src(%dma_wait3A_126 : memref<25600xi32, #tpu.memory_space<hbm>>) dst(%arg6 : memref<25600xi32, #tpu.memory_space<vmem>>)
      tpu.yield
    }) : () -> ()
    %dma_start3A = arith.constant 0 : i32
    %dma_start3A_3 = tpu.memref_slice %arg6[%dma_start3A] : memref<25600xi32, #tpu.memory_space<vmem>> -> memref<400xi32, #tpu.memory_space<vmem>>
    %dma_start3A_4 = arith.constant 0 : i32
    %dma_start3A_5 = arith.constant 0 : i32
    %dma_start3A_6 = tpu.memref_slice %arg3[%dma_start3A_4, %dma_start3A_5] : memref<1000000x64xf32, #tpu.memory_space<hbm>> -> memref<1000000x64xf32, #tpu.memory_space<hbm>>
    tpu.enqueue_indirect_dma source(%dma_start3A_6 : memref<1000000x64xf32, #tpu.memory_space<hbm>>) target(%arg7 : memref<400x64xf32, #tpu.memory_space<vmem>>) offsets(%dma_start3A_3 : memref<400xi32, #tpu.memory_space<vmem>>) semaphore(%arg10 : memref<!tpu.dma_semaphore, #tpu.memory_space<semaphore_mem>>)
    %dma_start3A_7 = arith.constant 400 : i32
    %dma_start3A_8 = tpu.memref_slice %arg6[%dma_start3A_7] : memref<25600xi32, #tpu.memory_space<vmem>> -> memref<400xi32, #tpu.memory_space<vmem>>
    %dma_start3A_9 = arith.constant 0 : i32
    %dma_start3A_10 = arith.constant 0 : i32
    %dma_start3A_11 = tpu.memref_slice %arg3[%dma_start3A_9, %dma_start3A_10] : memref<1000000x64xf32, #tpu.memory_space<hbm>> -> memref<1000000x64xf32, #tpu.memory_space<hbm>>
    tpu.enqueue_indirect_dma source(%dma_start3A_11 : memref<1000000x64xf32, #tpu.memory_space<hbm>>) target(%arg8 : memref<400x64xf32, #tpu.memory_space<vmem>>) offsets(%dma_start3A_8 : memref<400xi32, #tpu.memory_space<vmem>>) semaphore(%arg11 : memref<!tpu.dma_semaphore, #tpu.memory_space<semaphore_mem>>)
    %dma_wait3A = arith.constant 0 : i32
    %dma_wait3A_12 = tpu.memref_slice %arg6[%dma_wait3A] : memref<25600xi32, #tpu.memory_space<vmem>> -> memref<400xi32, #tpu.memory_space<vmem>>
    %dma_wait3A_13 = arith.constant 0 : i32
    %dma_wait3A_14 = arith.constant 0 : i32
    %dma_wait3A_15 = tpu.memref_slice %arg3[%dma_wait3A_13, %dma_wait3A_14] : memref<1000000x64xf32, #tpu.memory_space<hbm>> -> memref<1000000x64xf32, #tpu.memory_space<hbm>>
    tpu.wait_indirect_dma semaphore(%arg10 : memref<!tpu.dma_semaphore, #tpu.memory_space<semaphore_mem>>) src(%dma_wait3A_15 : memref<1000000x64xf32, #tpu.memory_space<hbm>>) dst(%arg7 : memref<400x64xf32, #tpu.memory_space<vmem>>)
    %scan3A = arith.constant 0 : i32
    %scan3A_16 = arith.constant 0 : i32
    %scan3A_17 = arith.constant 200 : i32
    %scan3A_18 = arith.addi %scan3A_16, %scan3A_17 : i32
    %scan3A_19 = arith.constant 4 : i32
    %scan3A_20 = scf.for %scan3A_123 = %scan3A_16 to %scan3A_18 step %scan3A_19 iter_args(%scan3A_124 = %scan3A) -> (i32)  : i32 {
      %get3A = arith.index_cast %scan3A_123 : i32 to index
      %get3A_125 = arith.constant 0 : index
      %get3A_126 = tpu.vector_load %arg9[%get3A, %get3A_125] {strides = array<i32>} : memref<200x64xf32, #tpu.memory_space<vmem>>, vector<1x16xf32>,
      %get3A_127 = vector.shape_cast %get3A_126 : vector<1x16xf32> to vector<16xf32>
      %add3A_128 = arith.constant 0 : i32
      %add3A_129 = arith.addi %add3A_128, %scan3A_123 : i32
      %swap3A = arith.index_cast %add3A_129 : i32 to index
      %swap3A_130 = arith.constant 0 : index
      %swap3A_131 = tpu.vector_load %arg7[%swap3A, %swap3A_130] {strides = array<i32>} : memref<400x64xf32, #tpu.memory_space<vmem>>, vector<1x16xf32>,
      %swap3A_132 = vector.shape_cast %swap3A_131 : vector<1x16xf32> to vector<16xf32>
      %swap3A_133 = vector.shape_cast %get3A_127 : vector<16xf32> to vector<1x16xf32>
      tpu.vector_store %arg7[%swap3A, %swap3A_130], %swap3A_133 {add = true, strides = array<i32>} : memref<400x64xf32, #tpu.memory_space<vmem>>, vector<1x16xf32>,
      %add3A_134 = arith.constant 200 : i32
      %add3A_135 = arith.addi %add3A_134, %scan3A_123 : i32
      %swap3A_136 = arith.index_cast %add3A_135 : i32 to index
      %swap3A_137 = arith.constant 0 : index
      %swap3A_138 = tpu.vector_load %arg7[%swap3A_136, %swap3A_137] {strides = array<i32>} : memref<400x64xf32, #tpu.memory_space<vmem>>, vector<1x16xf32>,
      %swap3A_139 = vector.shape_cast %swap3A_138 : vector<1x16xf32> to vector<16xf32>
      %swap3A_140 = vector.shape_cast %get3A_127 : vector<16xf32> to vector<1x16xf32>
      tpu.vector_store %arg7[%swap3A_136, %swap3A_137], %swap3A_140 {add = true, strides = array<i32>} : memref<400x64xf32, #tpu.memory_space<vmem>>, vector<1x16xf32>,
      %get3A_141 = arith.index_cast %scan3A_123 : i32 to index
      %get3A_142 = arith.constant 16 : index
      %get3A_143 = tpu.vector_load %arg9[%get3A_141, %get3A_142] {strides = array<i32>} : memref<200x64xf32, #tpu.memory_space<vmem>>, vector<1x16xf32>,
      %get3A_144 = vector.shape_cast %get3A_143 : vector<1x16xf32> to vector<16xf32>
      %add3A_145 = arith.constant 0 : i32
      %add3A_146 = arith.addi %add3A_145, %scan3A_123 : i32
      %swap3A_147 = arith.index_cast %add3A_146 : i32 to index
      %swap3A_148 = arith.constant 16 : index
      %swap3A_149 = tpu.vector_load %arg7[%swap3A_147, %swap3A_148] {strides = array<i32>} : memref<400x64xf32, #tpu.memory_space<vmem>>, vector<1x16xf32>,
      %swap3A_150 = vector.shape_cast %swap3A_149 : vector<1x16xf32> to vector<16xf32>
      %swap3A_151 = vector.shape_cast %get3A_144 : vector<16xf32> to vector<1x16xf32>
      tpu.vector_store %arg7[%swap3A_147, %swap3A_148], %swap3A_151 {add = true, strides = array<i32>} : memref<400x64xf32, #tpu.memory_space<vmem>>, vector<1x16xf32>,
      %add3A_152 = arith.constant 200 : i32
      %add3A_153 = arith.addi %add3A_152, %scan3A_123 : i32
      %swap3A_154 = arith.index_cast %add3A_153 : i32 to index
      %swap3A_155 = arith.constant 16 : index
      %swap3A_156 = tpu.vector_load %arg7[%swap3A_154, %swap3A_155] {strides = array<i32>} : memref<400x64xf32, #tpu.memory_space<vmem>>, vector<1x16xf32>,
      %swap3A_157 = vector.shape_cast %swap3A_156 : vector<1x16xf32> to vector<16xf32>
      %swap3A_158 = vector.shape_cast %get3A_144 : vector<16xf32> to vector<1x16xf32>
      tpu.vector_store %arg7[%swap3A_154, %swap3A_155], %swap3A_158 {add = true, strides = array<i32>} : memref<400x64xf32, #tpu.memory_space<vmem>>, vector<1x16xf32>,
      %get3A_159 = arith.index_cast %scan3A_123 : i32 to index
      %get3A_160 = arith.constant 32 : index
      %get3A_161 = tpu.vector_load %arg9[%get3A_159, %get3A_160] {strides = array<i32>} : memref<200x64xf32, #tpu.memory_space<vmem>>, vector<1x16xf32>,
      %get3A_162 = vector.shape_cast %get3A_161 : vector<1x16xf32> to vector<16xf32>
      %add3A_163 = arith.constant 0 : i32
      %add3A_164 = arith.addi %add3A_163, %scan3A_123 : i32
      %swap3A_165 = arith.index_cast %add3A_164 : i32 to index
      %swap3A_166 = arith.constant 32 : index
      %swap3A_167 = tpu.vector_load %arg7[%swap3A_165, %swap3A_166] {strides = array<i32>} : memref<400x64xf32, #tpu.memory_space<vmem>>, vector<1x16xf32>,
      %swap3A_168 = vector.shape_cast %swap3A_167 : vector<1x16xf32> to vector<16xf32>
      %swap3A_169 = vector.shape_cast %get3A_162 : vector<16xf32> to vector<1x16xf32>
      tpu.vector_store %arg7[%swap3A_165, %swap3A_166], %swap3A_169 {add = true, strides = array<i32>} : memref<400x64xf32, #tpu.memory_space<vmem>>, vector<1x16xf32>,
      %add3A_170 = arith.constant 200 : i32
      %add3A_171 = arith.addi %add3A_170, %scan3A_123 : i32
      %swap3A_172 = arith.index_cast %add3A_171 : i32 to index
      %swap3A_173 = arith.constant 32 : index
      %swap3A_174 = tpu.vector_load %arg7[%swap3A_172, %swap3A_173] {strides = array<i32>} : memref<400x64xf32, #tpu.memory_space<vmem>>, vector<1x16xf32>,
      %swap3A_175 = vector.shape_cast %swap3A_174 : vector<1x16xf32> to vector<16xf32>
      %swap3A_176 = vector.shape_cast %get3A_162 : vector<16xf32> to vector<1x16xf32>
      tpu.vector_store %arg7[%swap3A_172, %swap3A_173], %swap3A_176 {add = true, strides = array<i32>} : memref<400x64xf32, #tpu.memory_space<vmem>>, vector<1x16xf32>,
      %get3A_177 = arith.index_cast %scan3A_123 : i32 to index
      %get3A_178 = arith.constant 48 : index
      %get3A_179 = tpu.vector_load %arg9[%get3A_177, %get3A_178] {strides = array<i32>} : memref<200x64xf32, #tpu.memory_space<vmem>>, vector<1x16xf32>,
      %get3A_180 = vector.shape_cast %get3A_179 : vector<1x16xf32> to vector<16xf32>
      %add3A_181 = arith.constant 0 : i32
      %add3A_182 = arith.addi %add3A_181, %scan3A_123 : i32
      %swap3A_183 = arith.index_cast %add3A_182 : i32 to index
      %swap3A_184 = arith.constant 48 : index
      %swap3A_185 = tpu.vector_load %arg7[%swap3A_183, %swap3A_184] {strides = array<i32>} : memref<400x64xf32, #tpu.memory_space<vmem>>, vector<1x16xf32>,
      %swap3A_186 = vector.shape_cast %swap3A_185 : vector<1x16xf32> to vector<16xf32>
      %swap3A_187 = vector.shape_cast %get3A_180 : vector<16xf32> to vector<1x16xf32>
      tpu.vector_store %arg7[%swap3A_183, %swap3A_184], %swap3A_187 {add = true, strides = array<i32>} : memref<400x64xf32, #tpu.memory_space<vmem>>, vector<1x16xf32>,
      %add3A_188 = arith.constant 200 : i32
      %add3A_189 = arith.addi %add3A_188, %scan3A_123 : i32
      %swap3A_190 = arith.index_cast %add3A_189 : i32 to index
      %swap3A_191 = arith.constant 48 : index
      %swap3A_192 = tpu.vector_load %arg7[%swap3A_190, %swap3A_191] {strides = array<i32>} : memref<400x64xf32, #tpu.memory_space<vmem>>, vector<1x16xf32>,
      %swap3A_193 = vector.shape_cast %swap3A_192 : vector<1x16xf32> to vector<16xf32>
      %swap3A_194 = vector.shape_cast %get3A_180 : vector<16xf32> to vector<1x16xf32>
      tpu.vector_store %arg7[%swap3A_190, %swap3A_191], %swap3A_194 {add = true, strides = array<i32>} : memref<400x64xf32, #tpu.memory_space<vmem>>, vector<1x16xf32>,
      %scan3A_195 = arith.constant 0 : i32
      %scan3A_196 = arith.constant 1 : i32
      %scan3A_197 = arith.addi %scan3A_123, %scan3A_196 : i32
      %get3A_198 = arith.index_cast %scan3A_197 : i32 to index
      %get3A_199 = arith.constant 0 : index
      %get3A_200 = tpu.vector_load %arg9[%get3A_198, %get3A_199] {strides = array<i32>} : memref<200x64xf32, #tpu.memory_space<vmem>>, vector<1x16xf32>,
      %get3A_201 = vector.shape_cast %get3A_200 : vector<1x16xf32> to vector<16xf32>
      %add3A_202 = arith.constant 0 : i32
      %add3A_203 = arith.addi %add3A_202, %scan3A_197 : i32
      %swap3A_204 = arith.index_cast %add3A_203 : i32 to index
      %swap3A_205 = arith.constant 0 : index
      %swap3A_206 = tpu.vector_load %arg7[%swap3A_204, %swap3A_205] {strides = array<i32>} : memref<400x64xf32, #tpu.memory_space<vmem>>, vector<1x16xf32>,
      %swap3A_207 = vector.shape_cast %swap3A_206 : vector<1x16xf32> to vector<16xf32>
      %swap3A_208 = vector.shape_cast %get3A_201 : vector<16xf32> to vector<1x16xf32>
      tpu.vector_store %arg7[%swap3A_204, %swap3A_205], %swap3A_208 {add = true, strides = array<i32>} : memref<400x64xf32, #tpu.memory_space<vmem>>, vector<1x16xf32>,
      %add3A_209 = arith.constant 200 : i32
      %add3A_210 = arith.addi %add3A_209, %scan3A_197 : i32
      %swap3A_211 = arith.index_cast %add3A_210 : i32 to index
      %swap3A_212 = arith.constant 0 : index
      %swap3A_213 = tpu.vector_load %arg7[%swap3A_211, %swap3A_212] {strides = array<i32>} : memref<400x64xf32, #tpu.memory_space<vmem>>, vector<1x16xf32>,
      %swap3A_214 = vector.shape_cast %swap3A_213 : vector<1x16xf32> to vector<16xf32>
      %swap3A_215 = vector.shape_cast %get3A_201 : vector<16xf32> to vector<1x16xf32>
      tpu.vector_store %arg7[%swap3A_211, %swap3A_212], %swap3A_215 {add = true, strides = array<i32>} : memref<400x64xf32, #tpu.memory_space<vmem>>, vector<1x16xf32>,
      %get3A_216 = arith.index_cast %scan3A_197 : i32 to index
      %get3A_217 = arith.constant 16 : index
      %get3A_218 = tpu.vector_load %arg9[%get3A_216, %get3A_217] {strides = array<i32>} : memref<200x64xf32, #tpu.memory_space<vmem>>, vector<1x16xf32>,
      %get3A_219 = vector.shape_cast %get3A_218 : vector<1x16xf32> to vector<16xf32>
      %add3A_220 = arith.constant 0 : i32
      %add3A_221 = arith.addi %add3A_220, %scan3A_197 : i32
      %swap3A_222 = arith.index_cast %add3A_221 : i32 to index
      %swap3A_223 = arith.constant 16 : index
      %swap3A_224 = tpu.vector_load %arg7[%swap3A_222, %swap3A_223] {strides = array<i32>} : memref<400x64xf32, #tpu.memory_space<vmem>>, vector<1x16xf32>,
      %swap3A_225 = vector.shape_cast %swap3A_224 : vector<1x16xf32> to vector<16xf32>
      %swap3A_226 = vector.shape_cast %get3A_219 : vector<16xf32> to vector<1x16xf32>
      tpu.vector_store %arg7[%swap3A_222, %swap3A_223], %swap3A_226 {add = true, strides = array<i32>} : memref<400x64xf32, #tpu.memory_space<vmem>>, vector<1x16xf32>,
      %add3A_227 = arith.constant 200 : i32
      %add3A_228 = arith.addi %add3A_227, %scan3A_197 : i32
      %swap3A_229 = arith.index_cast %add3A_228 : i32 to index
      %swap3A_230 = arith.constant 16 : index
      %swap3A_231 = tpu.vector_load %arg7[%swap3A_229, %swap3A_230] {strides = array<i32>} : memref<400x64xf32, #tpu.memory_space<vmem>>, vector<1x16xf32>,
      %swap3A_232 = vector.shape_cast %swap3A_231 : vector<1x16xf32> to vector<16xf32>
      %swap3A_233 = vector.shape_cast %get3A_219 : vector<16xf32> to vector<1x16xf32>
      tpu.vector_store %arg7[%swap3A_229, %swap3A_230], %swap3A_233 {add = true, strides = array<i32>} : memref<400x64xf32, #tpu.memory_space<vmem>>, vector<1x16xf32>,
      %get3A_234 = arith.index_cast %scan3A_197 : i32 to index
      %get3A_235 = arith.constant 32 : index
      %get3A_236 = tpu.vector_load %arg9[%get3A_234, %get3A_235] {strides = array<i32>} : memref<200x64xf32, #tpu.memory_space<vmem>>, vector<1x16xf32>,
      %get3A_237 = vector.shape_cast %get3A_236 : vector<1x16xf32> to vector<16xf32>
      %add3A_238 = arith.constant 0 : i32
      %add3A_239 = arith.addi %add3A_238, %scan3A_197 : i32
      %swap3A_240 = arith.index_cast %add3A_239 : i32 to index
      %swap3A_241 = arith.constant 32 : index
      %swap3A_242 = tpu.vector_load %arg7[%swap3A_240, %swap3A_241] {strides = array<i32>} : memref<400x64xf32, #tpu.memory_space<vmem>>, vector<1x16xf32>,
      %swap3A_243 = vector.shape_cast %swap3A_242 : vector<1x16xf32> to vector<16xf32>
      %swap3A_244 = vector.shape_cast %get3A_237 : vector<16xf32> to vector<1x16xf32>
      tpu.vector_store %arg7[%swap3A_240, %swap3A_241], %swap3A_244 {add = true, strides = array<i32>} : memref<400x64xf32, #tpu.memory_space<vmem>>, vector<1x16xf32>,
      %add3A_245 = arith.constant 200 : i32
      %add3A_246 = arith.addi %add3A_245, %scan3A_197 : i32
      %swap3A_247 = arith.index_cast %add3A_246 : i32 to index
      %swap3A_248 = arith.constant 32 : index
      %swap3A_249 = tpu.vector_load %arg7[%swap3A_247, %swap3A_248] {strides = array<i32>} : memref<400x64xf32, #tpu.memory_space<vmem>>, vector<1x16xf32>,
      %swap3A_250 = vector.shape_cast %swap3A_249 : vector<1x16xf32> to vector<16xf32>
      %swap3A_251 = vector.shape_cast %get3A_237 : vector<16xf32> to vector<1x16xf32>
      tpu.vector_store %arg7[%swap3A_247, %swap3A_248], %swap3A_251 {add = true, strides = array<i32>} : memref<400x64xf32, #tpu.memory_space<vmem>>, vector<1x16xf32>,
      %get3A_252 = arith.index_cast %scan3A_197 : i32 to index
      %get3A_253 = arith.constant 48 : index
      %get3A_254 = tpu.vector_load %arg9[%get3A_252, %get3A_253] {strides = array<i32>} : memref<200x64xf32, #tpu.memory_space<vmem>>, vector<1x16xf32>,
      %get3A_255 = vector.shape_cast %get3A_254 : vector<1x16xf32> to vector<16xf32>
      %add3A_256 = arith.constant 0 : i32
      %add3A_257 = arith.addi %add3A_256, %scan3A_197 : i32
      %swap3A_258 = arith.index_cast %add3A_257 : i32 to index
      %swap3A_259 = arith.constant 48 : index
      %swap3A_260 = tpu.vector_load %arg7[%swap3A_258, %swap3A_259] {strides = array<i32>} : memref<400x64xf32, #tpu.memory_space<vmem>>, vector<1x16xf32>,
      %swap3A_261 = vector.shape_cast %swap3A_260 : vector<1x16xf32> to vector<16xf32>
      %swap3A_262 = vector.shape_cast %get3A_255 : vector<16xf32> to vector<1x16xf32>
      tpu.vector_store %arg7[%swap3A_258, %swap3A_259], %swap3A_262 {add = true, strides = array<i32>} : memref<400x64xf32, #tpu.memory_space<vmem>>, vector<1x16xf32>,
      %add3A_263 = arith.constant 200 : i32
      %add3A_264 = arith.addi %add3A_263, %scan3A_197 : i32
      %swap3A_265 = arith.index_cast %add3A_264 : i32 to index
      %swap3A_266 = arith.constant 48 : index
      %swap3A_267 = tpu.vector_load %arg7[%swap3A_265, %swap3A_266] {strides = array<i32>} : memref<400x64xf32, #tpu.memory_space<vmem>>, vector<1x16xf32>,
      %swap3A_268 = vector.shape_cast %swap3A_267 : vector<1x16xf32> to vector<16xf32>
      %swap3A_269 = vector.shape_cast %get3A_255 : vector<16xf32> to vector<1x16xf32>
      tpu.vector_store %arg7[%swap3A_265, %swap3A_266], %swap3A_269 {add = true, strides = array<i32>} : memref<400x64xf32, #tpu.memory_space<vmem>>, vector<1x16xf32>,
      %scan3A_270 = arith.constant 0 : i32
      %scan3A_271 = arith.constant 2 : i32
      %scan3A_272 = arith.addi %scan3A_123, %scan3A_271 : i32
      %get3A_273 = arith.index_cast %scan3A_272 : i32 to index
      %get3A_274 = arith.constant 0 : index
      %get3A_275 = tpu.vector_load %arg9[%get3A_273, %get3A_274] {strides = array<i32>} : memref<200x64xf32, #tpu.memory_space<vmem>>, vector<1x16xf32>,
      %get3A_276 = vector.shape_cast %get3A_275 : vector<1x16xf32> to vector<16xf32>
      %add3A_277 = arith.constant 0 : i32
      %add3A_278 = arith.addi %add3A_277, %scan3A_272 : i32
      %swap3A_279 = arith.index_cast %add3A_278 : i32 to index
      %swap3A_280 = arith.constant 0 : index
      %swap3A_281 = tpu.vector_load %arg7[%swap3A_279, %swap3A_280] {strides = array<i32>} : memref<400x64xf32, #tpu.memory_space<vmem>>, vector<1x16xf32>,
      %swap3A_282 = vector.shape_cast %swap3A_281 : vector<1x16xf32> to vector<16xf32>
      %swap3A_283 = vector.shape_cast %get3A_276 : vector<16xf32> to vector<1x16xf32>
      tpu.vector_store %arg7[%swap3A_279, %swap3A_280], %swap3A_283 {add = true, strides = array<i32>} : memref<400x64xf32, #tpu.memory_space<vmem>>, vector<1x16xf32>,
      %add3A_284 = arith.constant 200 : i32
      %add3A_285 = arith.addi %add3A_284, %scan3A_272 : i32
      %swap3A_286 = arith.index_cast %add3A_285 : i32 to index
      %swap3A_287 = arith.constant 0 : index
      %swap3A_288 = tpu.vector_load %arg7[%swap3A_286, %swap3A_287] {strides = array<i32>} : memref<400x64xf32, #tpu.memory_space<vmem>>, vector<1x16xf32>,
      %swap3A_289 = vector.shape_cast %swap3A_288 : vector<1x16xf32> to vector<16xf32>
      %swap3A_290 = vector.shape_cast %get3A_276 : vector<16xf32> to vector<1x16xf32>
      tpu.vector_store %arg7[%swap3A_286, %swap3A_287], %swap3A_290 {add = true, strides = array<i32>} : memref<400x64xf32, #tpu.memory_space<vmem>>, vector<1x16xf32>,
      %get3A_291 = arith.index_cast %scan3A_272 : i32 to index
      %get3A_292 = arith.constant 16 : index
      %get3A_293 = tpu.vector_load %arg9[%get3A_291, %get3A_292] {strides = array<i32>} : memref<200x64xf32, #tpu.memory_space<vmem>>, vector<1x16xf32>,
      %get3A_294 = vector.shape_cast %get3A_293 : vector<1x16xf32> to vector<16xf32>
      %add3A_295 = arith.constant 0 : i32
      %add3A_296 = arith.addi %add3A_295, %scan3A_272 : i32
      %swap3A_297 = arith.index_cast %add3A_296 : i32 to index
      %swap3A_298 = arith.constant 16 : index
      %swap3A_299 = tpu.vector_load %arg7[%swap3A_297, %swap3A_298] {strides = array<i32>} : memref<400x64xf32, #tpu.memory_space<vmem>>, vector<1x16xf32>,
      %swap3A_300 = vector.shape_cast %swap3A_299 : vector<1x16xf32> to vector<16xf32>
      %swap3A_301 = vector.shape_cast %get3A_294 : vector<16xf32> to vector<1x16xf32>
      tpu.vector_store %arg7[%swap3A_297, %swap3A_298], %swap3A_301 {add = true, strides = array<i32>} : memref<400x64xf32, #tpu.memory_space<vmem>>, vector<1x16xf32>,
      %add3A_302 = arith.constant 200 : i32
      %add3A_303 = arith.addi %add3A_302, %scan3A_272 : i32
      %swap3A_304 = arith.index_cast %add3A_303 : i32 to index
      %swap3A_305 = arith.constant 16 : index
      %swap3A_306 = tpu.vector_load %arg7[%swap3A_304, %swap3A_305] {strides = array<i32>} : memref<400x64xf32, #tpu.memory_space<vmem>>, vector<1x16xf32>,
      %swap3A_307 = vector.shape_cast %swap3A_306 : vector<1x16xf32> to vector<16xf32>
      %swap3A_308 = vector.shape_cast %get3A_294 : vector<16xf32> to vector<1x16xf32>
      tpu.vector_store %arg7[%swap3A_304, %swap3A_305], %swap3A_308 {add = true, strides = array<i32>} : memref<400x64xf32, #tpu.memory_space<vmem>>, vector<1x16xf32>,
      %get3A_309 = arith.index_cast %scan3A_272 : i32 to index
      %get3A_310 = arith.constant 32 : index
      %get3A_311 = tpu.vector_load %arg9[%get3A_309, %get3A_310] {strides = array<i32>} : memref<200x64xf32, #tpu.memory_space<vmem>>, vector<1x16xf32>,
      %get3A_312 = vector.shape_cast %get3A_311 : vector<1x16xf32> to vector<16xf32>
      %add3A_313 = arith.constant 0 : i32
      %add3A_314 = arith.addi %add3A_313, %scan3A_272 : i32
      %swap3A_315 = arith.index_cast %add3A_314 : i32 to index
      %swap3A_316 = arith.constant 32 : index
      %swap3A_317 = tpu.vector_load %arg7[%swap3A_315, %swap3A_316] {strides = array<i32>} : memref<400x64xf32, #tpu.memory_space<vmem>>, vector<1x16xf32>,
      %swap3A_318 = vector.shape_cast %swap3A_317 : vector<1x16xf32> to vector<16xf32>
      %swap3A_319 = vector.shape_cast %get3A_312 : vector<16xf32> to vector<1x16xf32>
      tpu.vector_store %arg7[%swap3A_315, %swap3A_316], %swap3A_319 {add = true, strides = array<i32>} : memref<400x64xf32, #tpu.memory_space<vmem>>, vector<1x16xf32>,
      %add3A_320 = arith.constant 200 : i32
      %add3A_321 = arith.addi %add3A_320, %scan3A_272 : i32
      %swap3A_322 = arith.index_cast %add3A_321 : i32 to index
      %swap3A_323 = arith.constant 32 : index
      %swap3A_324 = tpu.vector_load %arg7[%swap3A_322, %swap3A_323] {strides = array<i32>} : memref<400x64xf32, #tpu.memory_space<vmem>>, vector<1x16xf32>,
      %swap3A_325 = vector.shape_cast %swap3A_324 : vector<1x16xf32> to vector<16xf32>
      %swap3A_326 = vector.shape_cast %get3A_312 : vector<16xf32> to vector<1x16xf32>
      tpu.vector_store %arg7[%swap3A_322, %swap3A_323], %swap3A_326 {add = true, strides = array<i32>} : memref<400x64xf32, #tpu.memory_space<vmem>>, vector<1x16xf32>,
      %get3A_327 = arith.index_cast %scan3A_272 : i32 to index
      %get3A_328 = arith.constant 48 : index
      %get3A_329 = tpu.vector_load %arg9[%get3A_327, %get3A_328] {strides = array<i32>} : memref<200x64xf32, #tpu.memory_space<vmem>>, vector<1x16xf32>,
      %get3A_330 = vector.shape_cast %get3A_329 : vector<1x16xf32> to vector<16xf32>
      %add3A_331 = arith.constant 0 : i32
      %add3A_332 = arith.addi %add3A_331, %scan3A_272 : i32
      %swap3A_333 = arith.index_cast %add3A_332 : i32 to index
      %swap3A_334 = arith.constant 48 : index
      %swap3A_335 = tpu.vector_load %arg7[%swap3A_333, %swap3A_334] {strides = array<i32>} : memref<400x64xf32, #tpu.memory_space<vmem>>, vector<1x16xf32>,
      %swap3A_336 = vector.shape_cast %swap3A_335 : vector<1x16xf32> to vector<16xf32>
      %swap3A_337 = vector.shape_cast %get3A_330 : vector<16xf32> to vector<1x16xf32>
      tpu.vector_store %arg7[%swap3A_333, %swap3A_334], %swap3A_337 {add = true, strides = array<i32>} : memref<400x64xf32, #tpu.memory_space<vmem>>, vector<1x16xf32>,
      %add3A_338 = arith.constant 200 : i32
      %add3A_339 = arith.addi %add3A_338, %scan3A_272 : i32
      %swap3A_340 = arith.index_cast %add3A_339 : i32 to index
      %swap3A_341 = arith.constant 48 : index
      %swap3A_342 = tpu.vector_load %arg7[%swap3A_340, %swap3A_341] {strides = array<i32>} : memref<400x64xf32, #tpu.memory_space<vmem>>, vector<1x16xf32>,
      %swap3A_343 = vector.shape_cast %swap3A_342 : vector<1x16xf32> to vector<16xf32>
      %swap3A_344 = vector.shape_cast %get3A_330 : vector<16xf32> to vector<1x16xf32>
      tpu.vector_store %arg7[%swap3A_340, %swap3A_341], %swap3A_344 {add = true, strides = array<i32>} : memref<400x64xf32, #tpu.memory_space<vmem>>, vector<1x16xf32>,
      %scan3A_345 = arith.constant 0 : i32
      %scan3A_346 = arith.constant 3 : i32
      %scan3A_347 = arith.addi %scan3A_123, %scan3A_346 : i32
      %get3A_348 = arith.index_cast %scan3A_347 : i32 to index
      %get3A_349 = arith.constant 0 : index
      %get3A_350 = tpu.vector_load %arg9[%get3A_348, %get3A_349] {strides = array<i32>} : memref<200x64xf32, #tpu.memory_space<vmem>>, vector<1x16xf32>,
      %get3A_351 = vector.shape_cast %get3A_350 : vector<1x16xf32> to vector<16xf32>
      %add3A_352 = arith.constant 0 : i32
      %add3A_353 = arith.addi %add3A_352, %scan3A_347 : i32
      %swap3A_354 = arith.index_cast %add3A_353 : i32 to index
      %swap3A_355 = arith.constant 0 : index
      %swap3A_356 = tpu.vector_load %arg7[%swap3A_354, %swap3A_355] {strides = array<i32>} : memref<400x64xf32, #tpu.memory_space<vmem>>, vector<1x16xf32>,
      %swap3A_357 = vector.shape_cast %swap3A_356 : vector<1x16xf32> to vector<16xf32>
      %swap3A_358 = vector.shape_cast %get3A_351 : vector<16xf32> to vector<1x16xf32>
      tpu.vector_store %arg7[%swap3A_354, %swap3A_355], %swap3A_358 {add = true, strides = array<i32>} : memref<400x64xf32, #tpu.memory_space<vmem>>, vector<1x16xf32>,
      %add3A_359 = arith.constant 200 : i32
      %add3A_360 = arith.addi %add3A_359, %scan3A_347 : i32
      %swap3A_361 = arith.index_cast %add3A_360 : i32 to index
      %swap3A_362 = arith.constant 0 : index
      %swap3A_363 = tpu.vector_load %arg7[%swap3A_361, %swap3A_362] {strides = array<i32>} : memref<400x64xf32, #tpu.memory_space<vmem>>, vector<1x16xf32>,
      %swap3A_364 = vector.shape_cast %swap3A_363 : vector<1x16xf32> to vector<16xf32>
      %swap3A_365 = vector.shape_cast %get3A_351 : vector<16xf32> to vector<1x16xf32>
      tpu.vector_store %arg7[%swap3A_361, %swap3A_362], %swap3A_365 {add = true, strides = array<i32>} : memref<400x64xf32, #tpu.memory_space<vmem>>, vector<1x16xf32>,
      %get3A_366 = arith.index_cast %scan3A_347 : i32 to index
      %get3A_367 = arith.constant 16 : index
      %get3A_368 = tpu.vector_load %arg9[%get3A_366, %get3A_367] {strides = array<i32>} : memref<200x64xf32, #tpu.memory_space<vmem>>, vector<1x16xf32>,
      %get3A_369 = vector.shape_cast %get3A_368 : vector<1x16xf32> to vector<16xf32>
      %add3A_370 = arith.constant 0 : i32
      %add3A_371 = arith.addi %add3A_370, %scan3A_347 : i32
      %swap3A_372 = arith.index_cast %add3A_371 : i32 to index
      %swap3A_373 = arith.constant 16 : index
      %swap3A_374 = tpu.vector_load %arg7[%swap3A_372, %swap3A_373] {strides = array<i32>} : memref<400x64xf32, #tpu.memory_space<vmem>>, vector<1x16xf32>,
      %swap3A_375 = vector.shape_cast %swap3A_374 : vector<1x16xf32> to vector<16xf32>
      %swap3A_376 = vector.shape_cast %get3A_369 : vector<16xf32> to vector<1x16xf32>
      tpu.vector_store %arg7[%swap3A_372, %swap3A_373], %swap3A_376 {add = true, strides = array<i32>} : memref<400x64xf32, #tpu.memory_space<vmem>>, vector<1x16xf32>,
      %add3A_377 = arith.constant 200 : i32
      %add3A_378 = arith.addi %add3A_377, %scan3A_347 : i32
      %swap3A_379 = arith.index_cast %add3A_378 : i32 to index
      %swap3A_380 = arith.constant 16 : index
      %swap3A_381 = tpu.vector_load %arg7[%swap3A_379, %swap3A_380] {strides = array<i32>} : memref<400x64xf32, #tpu.memory_space<vmem>>, vector<1x16xf32>,
      %swap3A_382 = vector.shape_cast %swap3A_381 : vector<1x16xf32> to vector<16xf32>
      %swap3A_383 = vector.shape_cast %get3A_369 : vector<16xf32> to vector<1x16xf32>
      tpu.vector_store %arg7[%swap3A_379, %swap3A_380], %swap3A_383 {add = true, strides = array<i32>} : memref<400x64xf32, #tpu.memory_space<vmem>>, vector<1x16xf32>,
      %get3A_384 = arith.index_cast %scan3A_347 : i32 to index
      %get3A_385 = arith.constant 32 : index
      %get3A_386 = tpu.vector_load %arg9[%get3A_384, %get3A_385] {strides = array<i32>} : memref<200x64xf32, #tpu.memory_space<vmem>>, vector<1x16xf32>,
      %get3A_387 = vector.shape_cast %get3A_386 : vector<1x16xf32> to vector<16xf32>
      %add3A_388 = arith.constant 0 : i32
      %add3A_389 = arith.addi %add3A_388, %scan3A_347 : i32
      %swap3A_390 = arith.index_cast %add3A_389 : i32 to index
      %swap3A_391 = arith.constant 32 : index
      %swap3A_392 = tpu.vector_load %arg7[%swap3A_390, %swap3A_391] {strides = array<i32>} : memref<400x64xf32, #tpu.memory_space<vmem>>, vector<1x16xf32>,
      %swap3A_393 = vector.shape_cast %swap3A_392 : vector<1x16xf32> to vector<16xf32>
      %swap3A_394 = vector.shape_cast %get3A_387 : vector<16xf32> to vector<1x16xf32>
      tpu.vector_store %arg7[%swap3A_390, %swap3A_391], %swap3A_394 {add = true, strides = array<i32>} : memref<400x64xf32, #tpu.memory_space<vmem>>, vector<1x16xf32>,
      %add3A_395 = arith.constant 200 : i32
      %add3A_396 = arith.addi %add3A_395, %scan3A_347 : i32
      %swap3A_397 = arith.index_cast %add3A_396 : i32 to index
      %swap3A_398 = arith.constant 32 : index
      %swap3A_399 = tpu.vector_load %arg7[%swap3A_397, %swap3A_398] {strides = array<i32>} : memref<400x64xf32, #tpu.memory_space<vmem>>, vector<1x16xf32>,
      %swap3A_400 = vector.shape_cast %swap3A_399 : vector<1x16xf32> to vector<16xf32>
      %swap3A_401 = vector.shape_cast %get3A_387 : vector<16xf32> to vector<1x16xf32>
      tpu.vector_store %arg7[%swap3A_397, %swap3A_398], %swap3A_401 {add = true, strides = array<i32>} : memref<400x64xf32, #tpu.memory_space<vmem>>, vector<1x16xf32>,
      %get3A_402 = arith.index_cast %scan3A_347 : i32 to index
      %get3A_403 = arith.constant 48 : index
      %get3A_404 = tpu.vector_load %arg9[%get3A_402, %get3A_403] {strides = array<i32>} : memref<200x64xf32, #tpu.memory_space<vmem>>, vector<1x16xf32>,
      %get3A_405 = vector.shape_cast %get3A_404 : vector<1x16xf32> to vector<16xf32>
      %add3A_406 = arith.constant 0 : i32
      %add3A_407 = arith.addi %add3A_406, %scan3A_347 : i32
      %swap3A_408 = arith.index_cast %add3A_407 : i32 to index
      %swap3A_409 = arith.constant 48 : index
      %swap3A_410 = tpu.vector_load %arg7[%swap3A_408, %swap3A_409] {strides = array<i32>} : memref<400x64xf32, #tpu.memory_space<vmem>>, vector<1x16xf32>,
      %swap3A_411 = vector.shape_cast %swap3A_410 : vector<1x16xf32> to vector<16xf32>
      %swap3A_412 = vector.shape_cast %get3A_405 : vector<16xf32> to vector<1x16xf32>
      tpu.vector_store %arg7[%swap3A_408, %swap3A_409], %swap3A_412 {add = true, strides = array<i32>} : memref<400x64xf32, #tpu.memory_space<vmem>>, vector<1x16xf32>,
      %add3A_413 = arith.constant 200 : i32
      %add3A_414 = arith.addi %add3A_413, %scan3A_347 : i32
      %swap3A_415 = arith.index_cast %add3A_414 : i32 to index
      %swap3A_416 = arith.constant 48 : index
      %swap3A_417 = tpu.vector_load %arg7[%swap3A_415, %swap3A_416] {strides = array<i32>} : memref<400x64xf32, #tpu.memory_space<vmem>>, vector<1x16xf32>,
      %swap3A_418 = vector.shape_cast %swap3A_417 : vector<1x16xf32> to vector<16xf32>
      %swap3A_419 = vector.shape_cast %get3A_405 : vector<16xf32> to vector<1x16xf32>
      tpu.vector_store %arg7[%swap3A_415, %swap3A_416], %swap3A_419 {add = true, strides = array<i32>} : memref<400x64xf32, #tpu.memory_space<vmem>>, vector<1x16xf32>,
      %scan3A_420 = arith.constant 0 : i32
      scf.yield %scan3A_420 : i32
    }
    %scan3A_21 = arith.constant 200 : i32
    %add3A_22 = arith.constant 0 : i32
    %add3A_23 = arith.addi %mul3A_2, %add3A_22 : i32
    %dma_start3A_24 = arith.constant 0 : i32
    %dma_start3A_25 = tpu.memref_slice %arg5[%add3A_23, %dma_start3A_24] : memref<819200x64xf32, #tpu.memory_space<hbm>> -> memref<400x64xf32, #tpu.memory_space<hbm>>
    %dma_start3A_26 = arith.constant 0 : i32
    %dma_start3A_27 = tpu.memref_slice %arg5[%add3A_23, %dma_start3A_26] : memref<819200x64xf32, #tpu.memory_space<hbm>> -> memref<400x64xf32, #tpu.memory_space<hbm>>
    tpu.enqueue_dma source(%arg7 : memref<400x64xf32, #tpu.memory_space<vmem>>) target(%dma_start3A_27 : memref<400x64xf32, #tpu.memory_space<hbm>>) target_semaphore(%arg12 : memref<!tpu.dma_semaphore, #tpu.memory_space<semaphore_mem>>)
    %add3A_28 = arith.constant 0 : i32
    %add3A_29 = arith.addi %mul3A_2, %add3A_28 : i32
    %dma_wait3A_30 = arith.constant 0 : i32
    %dma_wait3A_31 = tpu.memref_slice %arg5[%add3A_29, %dma_wait3A_30] : memref<819200x64xf32, #tpu.memory_space<hbm>> -> memref<400x64xf32, #tpu.memory_space<hbm>>
    %dma_wait3A_32 = arith.constant 0 : i32
    %dma_wait3A_33 = tpu.memref_slice %arg5[%add3A_29, %dma_wait3A_32] : memref<819200x64xf32, #tpu.memory_space<hbm>> -> memref<400x64xf32, #tpu.memory_space<hbm>>
    tpu.wait_dma2 semaphore(%arg12 : memref<!tpu.dma_semaphore, #tpu.memory_space<semaphore_mem>>) src(%arg7 : memref<400x64xf32, #tpu.memory_space<vmem>>) dst(%dma_wait3A_33 : memref<400x64xf32, #tpu.memory_space<hbm>>)
    %dma_start3A_34 = arith.constant 800 : i32
    %dma_start3A_35 = tpu.memref_slice %arg6[%dma_start3A_34] : memref<25600xi32, #tpu.memory_space<vmem>> -> memref<400xi32, #tpu.memory_space<vmem>>
    %dma_start3A_36 = arith.constant 0 : i32
    %dma_start3A_37 = arith.constant 0 : i32
    %dma_start3A_38 = tpu.memref_slice %arg3[%dma_start3A_36, %dma_start3A_37] : memref<1000000x64xf32, #tpu.memory_space<hbm>> -> memref<1000000x64xf32, #tpu.memory_space<hbm>>
    tpu.enqueue_indirect_dma source(%dma_start3A_38 : memref<1000000x64xf32, #tpu.memory_space<hbm>>) target(%arg7 : memref<400x64xf32, #tpu.memory_space<vmem>>) offsets(%dma_start3A_35 : memref<400xi32, #tpu.memory_space<vmem>>) semaphore(%arg10 : memref<!tpu.dma_semaphore, #tpu.memory_space<semaphore_mem>>)
    %dma_wait3A_39 = arith.constant 400 : i32
    %dma_wait3A_40 = tpu.memref_slice %arg6[%dma_wait3A_39] : memref<25600xi32, #tpu.memory_space<vmem>> -> memref<400xi32, #tpu.memory_space<vmem>>
    %dma_wait3A_41 = arith.constant 0 : i32
    %dma_wait3A_42 = arith.constant 0 : i32
    %dma_wait3A_43 = tpu.memref_slice %arg3[%dma_wait3A_41, %dma_wait3A_42] : memref<1000000x64xf32, #tpu.memory_space<hbm>> -> memref<1000000x64xf32, #tpu.memory_space<hbm>>
    tpu.wait_indirect_dma semaphore(%arg11 : memref<!tpu.dma_semaphore, #tpu.memory_space<semaphore_mem>>) src(%dma_wait3A_43 : memref<1000000x64xf32, #tpu.memory_space<hbm>>) dst(%arg8 : memref<400x64xf32, #tpu.memory_space<vmem>>)
    %scan3A_44 = arith.constant 0 : i32
    %scan3A_45 = arith.constant 0 : i32
    %scan3A_46 = arith.constant 200 : i32
    %scan3A_47 = arith.addi %scan3A_45, %scan3A_46 : i32
    %scan3A_48 = arith.constant 4 : i32
    %scan3A_49 = scf.for %scan3A_123 = %scan3A_45 to %scan3A_47 step %scan3A_48 iter_args(%scan3A_124 = %scan3A_44) -> (i32)  : i32 {
      %get3A = arith.index_cast %scan3A_123 : i32 to index
      %get3A_125 = arith.constant 0 : index
      %get3A_126 = tpu.vector_load %arg9[%get3A, %get3A_125] {strides = array<i32>} : memref<200x64xf32, #tpu.memory_space<vmem>>, vector<1x16xf32>,
      %get3A_127 = vector.shape_cast %get3A_126 : vector<1x16xf32> to vector<16xf32>
      %add3A_128 = arith.constant 0 : i32
      %add3A_129 = arith.addi %add3A_128, %scan3A_123 : i32
      %swap3A = arith.index_cast %add3A_129 : i32 to index
      %swap3A_130 = arith.constant 0 : index
      %swap3A_131 = tpu.vector_load %arg8[%swap3A, %swap3A_130] {strides = array<i32>} : memref<400x64xf32, #tpu.memory_space<vmem>>, vector<1x16xf32>,
      %swap3A_132 = vector.shape_cast %swap3A_131 : vector<1x16xf32> to vector<16xf32>
      %swap3A_133 = vector.shape_cast %get3A_127 : vector<16xf32> to vector<1x16xf32>
      tpu.vector_store %arg8[%swap3A, %swap3A_130], %swap3A_133 {add = true, strides = array<i32>} : memref<400x64xf32, #tpu.memory_space<vmem>>, vector<1x16xf32>,
      %add3A_134 = arith.constant 200 : i32
      %add3A_135 = arith.addi %add3A_134, %scan3A_123 : i32
      %swap3A_136 = arith.index_cast %add3A_135 : i32 to index
      %swap3A_137 = arith.constant 0 : index
      %swap3A_138 = tpu.vector_load %arg8[%swap3A_136, %swap3A_137] {strides = array<i32>} : memref<400x64xf32, #tpu.memory_space<vmem>>, vector<1x16xf32>,
      %swap3A_139 = vector.shape_cast %swap3A_138 : vector<1x16xf32> to vector<16xf32>
      %swap3A_140 = vector.shape_cast %get3A_127 : vector<16xf32> to vector<1x16xf32>
      tpu.vector_store %arg8[%swap3A_136, %swap3A_137], %swap3A_140 {add = true, strides = array<i32>} : memref<400x64xf32, #tpu.memory_space<vmem>>, vector<1x16xf32>,
      %get3A_141 = arith.index_cast %scan3A_123 : i32 to index
      %get3A_142 = arith.constant 16 : index
      %get3A_143 = tpu.vector_load %arg9[%get3A_141, %get3A_142] {strides = array<i32>} : memref<200x64xf32, #tpu.memory_space<vmem>>, vector<1x16xf32>,
      %get3A_144 = vector.shape_cast %get3A_143 : vector<1x16xf32> to vector<16xf32>
      %add3A_145 = arith.constant 0 : i32
      %add3A_146 = arith.addi %add3A_145, %scan3A_123 : i32
      %swap3A_147 = arith.index_cast %add3A_146 : i32 to index
      %swap3A_148 = arith.constant 16 : index
      %swap3A_149 = tpu.vector_load %arg8[%swap3A_147, %swap3A_148] {strides = array<i32>} : memref<400x64xf32, #tpu.memory_space<vmem>>, vector<1x16xf32>,
      %swap3A_150 = vector.shape_cast %swap3A_149 : vector<1x16xf32> to vector<16xf32>
      %swap3A_151 = vector.shape_cast %get3A_144 : vector<16xf32> to vector<1x16xf32>
      tpu.vector_store %arg8[%swap3A_147, %swap3A_148], %swap3A_151 {add = true, strides = array<i32>} : memref<400x64xf32, #tpu.memory_space<vmem>>, vector<1x16xf32>,
      %add3A_152 = arith.constant 200 : i32
      %add3A_153 = arith.addi %add3A_152, %scan3A_123 : i32
      %swap3A_154 = arith.index_cast %add3A_153 : i32 to index
      %swap3A_155 = arith.constant 16 : index
      %swap3A_156 = tpu.vector_load %arg8[%swap3A_154, %swap3A_155] {strides = array<i32>} : memref<400x64xf32, #tpu.memory_space<vmem>>, vector<1x16xf32>,
      %swap3A_157 = vector.shape_cast %swap3A_156 : vector<1x16xf32> to vector<16xf32>
      %swap3A_158 = vector.shape_cast %get3A_144 : vector<16xf32> to vector<1x16xf32>
      tpu.vector_store %arg8[%swap3A_154, %swap3A_155], %swap3A_158 {add = true, strides = array<i32>} : memref<400x64xf32, #tpu.memory_space<vmem>>, vector<1x16xf32>,
      %get3A_159 = arith.index_cast %scan3A_123 : i32 to index
      %get3A_160 = arith.constant 32 : index
      %get3A_161 = tpu.vector_load %arg9[%get3A_159, %get3A_160] {strides = array<i32>} : memref<200x64xf32, #tpu.memory_space<vmem>>, vector<1x16xf32>,
      %get3A_162 = vector.shape_cast %get3A_161 : vector<1x16xf32> to vector<16xf32>
      %add3A_163 = arith.constant 0 : i32
      %add3A_164 = arith.addi %add3A_163, %scan3A_123 : i32
      %swap3A_165 = arith.index_cast %add3A_164 : i32 to index
      %swap3A_166 = arith.constant 32 : index
      %swap3A_167 = tpu.vector_load %arg8[%swap3A_165, %swap3A_166] {strides = array<i32>} : memref<400x64xf32, #tpu.memory_space<vmem>>, vector<1x16xf32>,
      %swap3A_168 = vector.shape_cast %swap3A_167 : vector<1x16xf32> to vector<16xf32>
      %swap3A_169 = vector.shape_cast %get3A_162 : vector<16xf32> to vector<1x16xf32>
      tpu.vector_store %arg8[%swap3A_165, %swap3A_166], %swap3A_169 {add = true, strides = array<i32>} : memref<400x64xf32, #tpu.memory_space<vmem>>, vector<1x16xf32>,
      %add3A_170 = arith.constant 200 : i32
      %add3A_171 = arith.addi %add3A_170, %scan3A_123 : i32
      %swap3A_172 = arith.index_cast %add3A_171 : i32 to index
      %swap3A_173 = arith.constant 32 : index
      %swap3A_174 = tpu.vector_load %arg8[%swap3A_172, %swap3A_173] {strides = array<i32>} : memref<400x64xf32, #tpu.memory_space<vmem>>, vector<1x16xf32>,
      %swap3A_175 = vector.shape_cast %swap3A_174 : vector<1x16xf32> to vector<16xf32>
      %swap3A_176 = vector.shape_cast %get3A_162 : vector<16xf32> to vector<1x16xf32>
      tpu.vector_store %arg8[%swap3A_172, %swap3A_173], %swap3A_176 {add = true, strides = array<i32>} : memref<400x64xf32, #tpu.memory_space<vmem>>, vector<1x16xf32>,
      %get3A_177 = arith.index_cast %scan3A_123 : i32 to index
      %get3A_178 = arith.constant 48 : index
      %get3A_179 = tpu.vector_load %arg9[%get3A_177, %get3A_178] {strides = array<i32>} : memref<200x64xf32, #tpu.memory_space<vmem>>, vector<1x16xf32>,
      %get3A_180 = vector.shape_cast %get3A_179 : vector<1x16xf32> to vector<16xf32>
      %add3A_181 = arith.constant 0 : i32
      %add3A_182 = arith.addi %add3A_181, %scan3A_123 : i32
      %swap3A_183 = arith.index_cast %add3A_182 : i32 to index
      %swap3A_184 = arith.constant 48 : index
      %swap3A_185 = tpu.vector_load %arg8[%swap3A_183, %swap3A_184] {strides = array<i32>} : memref<400x64xf32, #tpu.memory_space<vmem>>, vector<1x16xf32>,
      %swap3A_186 = vector.shape_cast %swap3A_185 : vector<1x16xf32> to vector<16xf32>
      %swap3A_187 = vector.shape_cast %get3A_180 : vector<16xf32> to vector<1x16xf32>
      tpu.vector_store %arg8[%swap3A_183, %swap3A_184], %swap3A_187 {add = true, strides = array<i32>} : memref<400x64xf32, #tpu.memory_space<vmem>>, vector<1x16xf32>,
      %add3A_188 = arith.constant 200 : i32
      %add3A_189 = arith.addi %add3A_188, %scan3A_123 : i32
      %swap3A_190 = arith.index_cast %add3A_189 : i32 to index
      %swap3A_191 = arith.constant 48 : index
      %swap3A_192 = tpu.vector_load %arg8[%swap3A_190, %swap3A_191] {strides = array<i32>} : memref<400x64xf32, #tpu.memory_space<vmem>>, vector<1x16xf32>,
      %swap3A_193 = vector.shape_cast %swap3A_192 : vector<1x16xf32> to vector<16xf32>
      %swap3A_194 = vector.shape_cast %get3A_180 : vector<16xf32> to vector<1x16xf32>
      tpu.vector_store %arg8[%swap3A_190, %swap3A_191], %swap3A_194 {add = true, strides = array<i32>} : memref<400x64xf32, #tpu.memory_space<vmem>>, vector<1x16xf32>,
      %scan3A_195 = arith.constant 0 : i32
      %scan3A_196 = arith.constant 1 : i32
      %scan3A_197 = arith.addi %scan3A_123, %scan3A_196 : i32
      %get3A_198 = arith.index_cast %scan3A_197 : i32 to index
      %get3A_199 = arith.constant 0 : index
      %get3A_200 = tpu.vector_load %arg9[%get3A_198, %get3A_199] {strides = array<i32>} : memref<200x64xf32, #tpu.memory_space<vmem>>, vector<1x16xf32>,
      %get3A_201 = vector.shape_cast %get3A_200 : vector<1x16xf32> to vector<16xf32>
      %add3A_202 = arith.constant 0 : i32
      %add3A_203 = arith.addi %add3A_202, %scan3A_197 : i32
      %swap3A_204 = arith.index_cast %add3A_203 : i32 to index
      %swap3A_205 = arith.constant 0 : index
      %swap3A_206 = tpu.vector_load %arg8[%swap3A_204, %swap3A_205] {strides = array<i32>} : memref<400x64xf32, #tpu.memory_space<vmem>>, vector<1x16xf32>,
      %swap3A_207 = vector.shape_cast %swap3A_206 : vector<1x16xf32> to vector<16xf32>
      %swap3A_208 = vector.shape_cast %get3A_201 : vector<16xf32> to vector<1x16xf32>
      tpu.vector_store %arg8[%swap3A_204, %swap3A_205], %swap3A_208 {add = true, strides = array<i32>} : memref<400x64xf32, #tpu.memory_space<vmem>>, vector<1x16xf32>,
      %add3A_209 = arith.constant 200 : i32
      %add3A_210 = arith.addi %add3A_209, %scan3A_197 : i32
      %swap3A_211 = arith.index_cast %add3A_210 : i32 to index
      %swap3A_212 = arith.constant 0 : index
      %swap3A_213 = tpu.vector_load %arg8[%swap3A_211, %swap3A_212] {strides = array<i32>} : memref<400x64xf32, #tpu.memory_space<vmem>>, vector<1x16xf32>,
      %swap3A_214 = vector.shape_cast %swap3A_213 : vector<1x16xf32> to vector<16xf32>
      %swap3A_215 = vector.shape_cast %get3A_201 : vector<16xf32> to vector<1x16xf32>
      tpu.vector_store %arg8[%swap3A_211, %swap3A_212], %swap3A_215 {add = true, strides = array<i32>} : memref<400x64xf32, #tpu.memory_space<vmem>>, vector<1x16xf32>,
      %get3A_216 = arith.index_cast %scan3A_197 : i32 to index
      %get3A_217 = arith.constant 16 : index
      %get3A_218 = tpu.vector_load %arg9[%get3A_216, %get3A_217] {strides = array<i32>} : memref<200x64xf32, #tpu.memory_space<vmem>>, vector<1x16xf32>,
      %get3A_219 = vector.shape_cast %get3A_218 : vector<1x16xf32> to vector<16xf32>
      %add3A_220 = arith.constant 0 : i32
      %add3A_221 = arith.addi %add3A_220, %scan3A_197 : i32
      %swap3A_222 = arith.index_cast %add3A_221 : i32 to index
      %swap3A_223 = arith.constant 16 : index
      %swap3A_224 = tpu.vector_load %arg8[%swap3A_222, %swap3A_223] {strides = array<i32>} : memref<400x64xf32, #tpu.memory_space<vmem>>, vector<1x16xf32>,
      %swap3A_225 = vector.shape_cast %swap3A_224 : vector<1x16xf32> to vector<16xf32>
      %swap3A_226 = vector.shape_cast %get3A_219 : vector<16xf32> to vector<1x16xf32>
      tpu.vector_store %arg8[%swap3A_222, %swap3A_223], %swap3A_226 {add = true, strides = array<i32>} : memref<400x64xf32, #tpu.memory_space<vmem>>, vector<1x16xf32>,
      %add3A_227 = arith.constant 200 : i32
      %add3A_228 = arith.addi %add3A_227, %scan3A_197 : i32
      %swap3A_229 = arith.index_cast %add3A_228 : i32 to index
      %swap3A_230 = arith.constant 16 : index
      %swap3A_231 = tpu.vector_load %arg8[%swap3A_229, %swap3A_230] {strides = array<i32>} : memref<400x64xf32, #tpu.memory_space<vmem>>, vector<1x16xf32>,
      %swap3A_232 = vector.shape_cast %swap3A_231 : vector<1x16xf32> to vector<16xf32>
      %swap3A_233 = vector.shape_cast %get3A_219 : vector<16xf32> to vector<1x16xf32>
      tpu.vector_store %arg8[%swap3A_229, %swap3A_230], %swap3A_233 {add = true, strides = array<i32>} : memref<400x64xf32, #tpu.memory_space<vmem>>, vector<1x16xf32>,
      %get3A_234 = arith.index_cast %scan3A_197 : i32 to index
      %get3A_235 = arith.constant 32 : index
      %get3A_236 = tpu.vector_load %arg9[%get3A_234, %get3A_235] {strides = array<i32>} : memref<200x64xf32, #tpu.memory_space<vmem>>, vector<1x16xf32>,
      %get3A_237 = vector.shape_cast %get3A_236 : vector<1x16xf32> to vector<16xf32>
      %add3A_238 = arith.constant 0 : i32
      %add3A_239 = arith.addi %add3A_238, %scan3A_197 : i32
      %swap3A_240 = arith.index_cast %add3A_239 : i32 to index
      %swap3A_241 = arith.constant 32 : index
      %swap3A_242 = tpu.vector_load %arg8[%swap3A_240, %swap3A_241] {strides = array<i32>} : memref<400x64xf32, #tpu.memory_space<vmem>>, vector<1x16xf32>,
      %swap3A_243 = vector.shape_cast %swap3A_242 : vector<1x16xf32> to vector<16xf32>
      %swap3A_244 = vector.shape_cast %get3A_237 : vector<16xf32> to vector<1x16xf32>
      tpu.vector_store %arg8[%swap3A_240, %swap3A_241], %swap3A_244 {add = true, strides = array<i32>} : memref<400x64xf32, #tpu.memory_space<vmem>>, vector<1x16xf32>,
      %add3A_245 = arith.constant 200 : i32
      %add3A_246 = arith.addi %add3A_245, %scan3A_197 : i32
      %swap3A_247 = arith.index_cast %add3A_246 : i32 to index
      %swap3A_248 = arith.constant 32 : index
      %swap3A_249 = tpu.vector_load %arg8[%swap3A_247, %swap3A_248] {strides = array<i32>} : memref<400x64xf32, #tpu.memory_space<vmem>>, vector<1x16xf32>,
      %swap3A_250 = vector.shape_cast %swap3A_249 : vector<1x16xf32> to vector<16xf32>
      %swap3A_251 = vector.shape_cast %get3A_237 : vector<16xf32> to vector<1x16xf32>
      tpu.vector_store %arg8[%swap3A_247, %swap3A_248], %swap3A_251 {add = true, strides = array<i32>} : memref<400x64xf32, #tpu.memory_space<vmem>>, vector<1x16xf32>,
      %get3A_252 = arith.index_cast %scan3A_197 : i32 to index
      %get3A_253 = arith.constant 48 : index
      %get3A_254 = tpu.vector_load %arg9[%get3A_252, %get3A_253] {strides = array<i32>} : memref<200x64xf32, #tpu.memory_space<vmem>>, vector<1x16xf32>,
      %get3A_255 = vector.shape_cast %get3A_254 : vector<1x16xf32> to vector<16xf32>
      %add3A_256 = arith.constant 0 : i32
      %add3A_257 = arith.addi %add3A_256, %scan3A_197 : i32
      %swap3A_258 = arith.index_cast %add3A_257 : i32 to index
      %swap3A_259 = arith.constant 48 : index
      %swap3A_260 = tpu.vector_load %arg8[%swap3A_258, %swap3A_259] {strides = array<i32>} : memref<400x64xf32, #tpu.memory_space<vmem>>, vector<1x16xf32>,
      %swap3A_261 = vector.shape_cast %swap3A_260 : vector<1x16xf32> to vector<16xf32>
      %swap3A_262 = vector.shape_cast %get3A_255 : vector<16xf32> to vector<1x16xf32>
      tpu.vector_store %arg8[%swap3A_258, %swap3A_259], %swap3A_262 {add = true, strides = array<i32>} : memref<400x64xf32, #tpu.memory_space<vmem>>, vector<1x16xf32>,
      %add3A_263 = arith.constant 200 : i32
      %add3A_264 = arith.addi %add3A_263, %scan3A_197 : i32
      %swap3A_265 = arith.index_cast %add3A_264 : i32 to index
      %swap3A_266 = arith.constant 48 : index
      %swap3A_267 = tpu.vector_load %arg8[%swap3A_265, %swap3A_266] {strides = array<i32>} : memref<400x64xf32, #tpu.memory_space<vmem>>, vector<1x16xf32>,
      %swap3A_268 = vector.shape_cast %swap3A_267 : vector<1x16xf32> to vector<16xf32>
      %swap3A_269 = vector.shape_cast %get3A_255 : vector<16xf32> to vector<1x16xf32>
      tpu.vector_store %arg8[%swap3A_265, %swap3A_266], %swap3A_269 {add = true, strides = array<i32>} : memref<400x64xf32, #tpu.memory_space<vmem>>, vector<1x16xf32>,
      %scan3A_270 = arith.constant 0 : i32
      %scan3A_271 = arith.constant 2 : i32
      %scan3A_272 = arith.addi %scan3A_123, %scan3A_271 : i32
      %get3A_273 = arith.index_cast %scan3A_272 : i32 to index
      %get3A_274 = arith.constant 0 : index
      %get3A_275 = tpu.vector_load %arg9[%get3A_273, %get3A_274] {strides = array<i32>} : memref<200x64xf32, #tpu.memory_space<vmem>>, vector<1x16xf32>,
      %get3A_276 = vector.shape_cast %get3A_275 : vector<1x16xf32> to vector<16xf32>
      %add3A_277 = arith.constant 0 : i32
      %add3A_278 = arith.addi %add3A_277, %scan3A_272 : i32
      %swap3A_279 = arith.index_cast %add3A_278 : i32 to index
      %swap3A_280 = arith.constant 0 : index
      %swap3A_281 = tpu.vector_load %arg8[%swap3A_279, %swap3A_280] {strides = array<i32>} : memref<400x64xf32, #tpu.memory_space<vmem>>, vector<1x16xf32>,
      %swap3A_282 = vector.shape_cast %swap3A_281 : vector<1x16xf32> to vector<16xf32>
      %swap3A_283 = vector.shape_cast %get3A_276 : vector<16xf32> to vector<1x16xf32>
      tpu.vector_store %arg8[%swap3A_279, %swap3A_280], %swap3A_283 {add = true, strides = array<i32>} : memref<400x64xf32, #tpu.memory_space<vmem>>, vector<1x16xf32>,
      %add3A_284 = arith.constant 200 : i32
      %add3A_285 = arith.addi %add3A_284, %scan3A_272 : i32
      %swap3A_286 = arith.index_cast %add3A_285 : i32 to index
      %swap3A_287 = arith.constant 0 : index
      %swap3A_288 = tpu.vector_load %arg8[%swap3A_286, %swap3A_287] {strides = array<i32>} : memref<400x64xf32, #tpu.memory_space<vmem>>, vector<1x16xf32>,
      %swap3A_289 = vector.shape_cast %swap3A_288 : vector<1x16xf32> to vector<16xf32>
      %swap3A_290 = vector.shape_cast %get3A_276 : vector<16xf32> to vector<1x16xf32>
      tpu.vector_store %arg8[%swap3A_286, %swap3A_287], %swap3A_290 {add = true, strides = array<i32>} : memref<400x64xf32, #tpu.memory_space<vmem>>, vector<1x16xf32>,
      %get3A_291 = arith.index_cast %scan3A_272 : i32 to index
      %get3A_292 = arith.constant 16 : index
      %get3A_293 = tpu.vector_load %arg9[%get3A_291, %get3A_292] {strides = array<i32>} : memref<200x64xf32, #tpu.memory_space<vmem>>, vector<1x16xf32>,
      %get3A_294 = vector.shape_cast %get3A_293 : vector<1x16xf32> to vector<16xf32>
      %add3A_295 = arith.constant 0 : i32
      %add3A_296 = arith.addi %add3A_295, %scan3A_272 : i32
      %swap3A_297 = arith.index_cast %add3A_296 : i32 to index
      %swap3A_298 = arith.constant 16 : index
      %swap3A_299 = tpu.vector_load %arg8[%swap3A_297, %swap3A_298] {strides = array<i32>} : memref<400x64xf32, #tpu.memory_space<vmem>>, vector<1x16xf32>,
      %swap3A_300 = vector.shape_cast %swap3A_299 : vector<1x16xf32> to vector<16xf32>
      %swap3A_301 = vector.shape_cast %get3A_294 : vector<16xf32> to vector<1x16xf32>
      tpu.vector_store %arg8[%swap3A_297, %swap3A_298], %swap3A_301 {add = true, strides = array<i32>} : memref<400x64xf32, #tpu.memory_space<vmem>>, vector<1x16xf32>,
      %add3A_302 = arith.constant 200 : i32
      %add3A_303 = arith.addi %add3A_302, %scan3A_272 : i32
      %swap3A_304 = arith.index_cast %add3A_303 : i32 to index
      %swap3A_305 = arith.constant 16 : index
      %swap3A_306 = tpu.vector_load %arg8[%swap3A_304, %swap3A_305] {strides = array<i32>} : memref<400x64xf32, #tpu.memory_space<vmem>>, vector<1x16xf32>,
      %swap3A_307 = vector.shape_cast %swap3A_306 : vector<1x16xf32> to vector<16xf32>
      %swap3A_308 = vector.shape_cast %get3A_294 : vector<16xf32> to vector<1x16xf32>
      tpu.vector_store %arg8[%swap3A_304, %swap3A_305], %swap3A_308 {add = true, strides = array<i32>} : memref<400x64xf32, #tpu.memory_space<vmem>>, vector<1x16xf32>,
      %get3A_309 = arith.index_cast %scan3A_272 : i32 to index
      %get3A_310 = arith.constant 32 : index
      %get3A_311 = tpu.vector_load %arg9[%get3A_309, %get3A_310] {strides = array<i32>} : memref<200x64xf32, #tpu.memory_space<vmem>>, vector<1x16xf32>,
      %get3A_312 = vector.shape_cast %get3A_311 : vector<1x16xf32> to vector<16xf32>
      %add3A_313 = arith.constant 0 : i32
      %add3A_314 = arith.addi %add3A_313, %scan3A_272 : i32
      %swap3A_315 = arith.index_cast %add3A_314 : i32 to index
      %swap3A_316 = arith.constant 32 : index
      %swap3A_317 = tpu.vector_load %arg8[%swap3A_315, %swap3A_316] {strides = array<i32>} : memref<400x64xf32, #tpu.memory_space<vmem>>, vector<1x16xf32>,
      %swap3A_318 = vector.shape_cast %swap3A_317 : vector<1x16xf32> to vector<16xf32>
      %swap3A_319 = vector.shape_cast %get3A_312 : vector<16xf32> to vector<1x16xf32>
      tpu.vector_store %arg8[%swap3A_315, %swap3A_316], %swap3A_319 {add = true, strides = array<i32>} : memref<400x64xf32, #tpu.memory_space<vmem>>, vector<1x16xf32>,
      %add3A_320 = arith.constant 200 : i32
      %add3A_321 = arith.addi %add3A_320, %scan3A_272 : i32
      %swap3A_322 = arith.index_cast %add3A_321 : i32 to index
      %swap3A_323 = arith.constant 32 : index
      %swap3A_324 = tpu.vector_load %arg8[%swap3A_322, %swap3A_323] {strides = array<i32>} : memref<400x64xf32, #tpu.memory_space<vmem>>, vector<1x16xf32>,
      %swap3A_325 = vector.shape_cast %swap3A_324 : vector<1x16xf32> to vector<16xf32>
      %swap3A_326 = vector.shape_cast %get3A_312 : vector<16xf32> to vector<1x16xf32>
      tpu.vector_store %arg8[%swap3A_322, %swap3A_323], %swap3A_326 {add = true, strides = array<i32>} : memref<400x64xf32, #tpu.memory_space<vmem>>, vector<1x16xf32>,
      %get3A_327 = arith.index_cast %scan3A_272 : i32 to index
      %get3A_328 = arith.constant 48 : index
      %get3A_329 = tpu.vector_load %arg9[%get3A_327, %get3A_328] {strides = array<i32>} : memref<200x64xf32, #tpu.memory_space<vmem>>, vector<1x16xf32>,
      %get3A_330 = vector.shape_cast %get3A_329 : vector<1x16xf32> to vector<16xf32>
      %add3A_331 = arith.constant 0 : i32
      %add3A_332 = arith.addi %add3A_331, %scan3A_272 : i32
      %swap3A_333 = arith.index_cast %add3A_332 : i32 to index
      %swap3A_334 = arith.constant 48 : index
      %swap3A_335 = tpu.vector_load %arg8[%swap3A_333, %swap3A_334] {strides = array<i32>} : memref<400x64xf32, #tpu.memory_space<vmem>>, vector<1x16xf32>,
      %swap3A_336 = vector.shape_cast %swap3A_335 : vector<1x16xf32> to vector<16xf32>
      %swap3A_337 = vector.shape_cast %get3A_330 : vector<16xf32> to vector<1x16xf32>
      tpu.vector_store %arg8[%swap3A_333, %swap3A_334], %swap3A_337 {add = true, strides = array<i32>} : memref<400x64xf32, #tpu.memory_space<vmem>>, vector<1x16xf32>,
      %add3A_338 = arith.constant 200 : i32
      %add3A_339 = arith.addi %add3A_338, %scan3A_272 : i32
      %swap3A_340 = arith.index_cast %add3A_339 : i32 to index
      %swap3A_341 = arith.constant 48 : index
      %swap3A_342 = tpu.vector_load %arg8[%swap3A_340, %swap3A_341] {strides = array<i32>} : memref<400x64xf32, #tpu.memory_space<vmem>>, vector<1x16xf32>,
      %swap3A_343 = vector.shape_cast %swap3A_342 : vector<1x16xf32> to vector<16xf32>
      %swap3A_344 = vector.shape_cast %get3A_330 : vector<16xf32> to vector<1x16xf32>
      tpu.vector_store %arg8[%swap3A_340, %swap3A_341], %swap3A_344 {add = true, strides = array<i32>} : memref<400x64xf32, #tpu.memory_space<vmem>>, vector<1x16xf32>,
      %scan3A_345 = arith.constant 0 : i32
      %scan3A_346 = arith.constant 3 : i32
      %scan3A_347 = arith.addi %scan3A_123, %scan3A_346 : i32
      %get3A_348 = arith.index_cast %scan3A_347 : i32 to index
      %get3A_349 = arith.constant 0 : index
      %get3A_350 = tpu.vector_load %arg9[%get3A_348, %get3A_349] {strides = array<i32>} : memref<200x64xf32, #tpu.memory_space<vmem>>, vector<1x16xf32>,
      %get3A_351 = vector.shape_cast %get3A_350 : vector<1x16xf32> to vector<16xf32>
      %add3A_352 = arith.constant 0 : i32
      %add3A_353 = arith.addi %add3A_352, %scan3A_347 : i32
      %swap3A_354 = arith.index_cast %add3A_353 : i32 to index
      %swap3A_355 = arith.constant 0 : index
      %swap3A_356 = tpu.vector_load %arg8[%swap3A_354, %swap3A_355] {strides = array<i32>} : memref<400x64xf32, #tpu.memory_space<vmem>>, vector<1x16xf32>,
      %swap3A_357 = vector.shape_cast %swap3A_356 : vector<1x16xf32> to vector<16xf32>
      %swap3A_358 = vector.shape_cast %get3A_351 : vector<16xf32> to vector<1x16xf32>
      tpu.vector_store %arg8[%swap3A_354, %swap3A_355], %swap3A_358 {add = true, strides = array<i32>} : memref<400x64xf32, #tpu.memory_space<vmem>>, vector<1x16xf32>,
      %add3A_359 = arith.constant 200 : i32
      %add3A_360 = arith.addi %add3A_359, %scan3A_347 : i32
      %swap3A_361 = arith.index_cast %add3A_360 : i32 to index
      %swap3A_362 = arith.constant 0 : index
      %swap3A_363 = tpu.vector_load %arg8[%swap3A_361, %swap3A_362] {strides = array<i32>} : memref<400x64xf32, #tpu.memory_space<vmem>>, vector<1x16xf32>,
      %swap3A_364 = vector.shape_cast %swap3A_363 : vector<1x16xf32> to vector<16xf32>
      %swap3A_365 = vector.shape_cast %get3A_351 : vector<16xf32> to vector<1x16xf32>
      tpu.vector_store %arg8[%swap3A_361, %swap3A_362], %swap3A_365 {add = true, strides = array<i32>} : memref<400x64xf32, #tpu.memory_space<vmem>>, vector<1x16xf32>,
      %get3A_366 = arith.index_cast %scan3A_347 : i32 to index
      %get3A_367 = arith.constant 16 : index
      %get3A_368 = tpu.vector_load %arg9[%get3A_366, %get3A_367] {strides = array<i32>} : memref<200x64xf32, #tpu.memory_space<vmem>>, vector<1x16xf32>,
      %get3A_369 = vector.shape_cast %get3A_368 : vector<1x16xf32> to vector<16xf32>
      %add3A_370 = arith.constant 0 : i32
      %add3A_371 = arith.addi %add3A_370, %scan3A_347 : i32
      %swap3A_372 = arith.index_cast %add3A_371 : i32 to index
      %swap3A_373 = arith.constant 16 : index
      %swap3A_374 = tpu.vector_load %arg8[%swap3A_372, %swap3A_373] {strides = array<i32>} : memref<400x64xf32, #tpu.memory_space<vmem>>, vector<1x16xf32>,
      %swap3A_375 = vector.shape_cast %swap3A_374 : vector<1x16xf32> to vector<16xf32>
      %swap3A_376 = vector.shape_cast %get3A_369 : vector<16xf32> to vector<1x16xf32>
      tpu.vector_store %arg8[%swap3A_372, %swap3A_373], %swap3A_376 {add = true, strides = array<i32>} : memref<400x64xf32, #tpu.memory_space<vmem>>, vector<1x16xf32>,
      %add3A_377 = arith.constant 200 : i32
      %add3A_378 = arith.addi %add3A_377, %scan3A_347 : i32
      %swap3A_379 = arith.index_cast %add3A_378 : i32 to index
      %swap3A_380 = arith.constant 16 : index
      %swap3A_381 = tpu.vector_load %arg8[%swap3A_379, %swap3A_380] {strides = array<i32>} : memref<400x64xf32, #tpu.memory_space<vmem>>, vector<1x16xf32>,
      %swap3A_382 = vector.shape_cast %swap3A_381 : vector<1x16xf32> to vector<16xf32>
      %swap3A_383 = vector.shape_cast %get3A_369 : vector<16xf32> to vector<1x16xf32>
      tpu.vector_store %arg8[%swap3A_379, %swap3A_380], %swap3A_383 {add = true, strides = array<i32>} : memref<400x64xf32, #tpu.memory_space<vmem>>, vector<1x16xf32>,
      %get3A_384 = arith.index_cast %scan3A_347 : i32 to index
      %get3A_385 = arith.constant 32 : index
      %get3A_386 = tpu.vector_load %arg9[%get3A_384, %get3A_385] {strides = array<i32>} : memref<200x64xf32, #tpu.memory_space<vmem>>, vector<1x16xf32>,
      %get3A_387 = vector.shape_cast %get3A_386 : vector<1x16xf32> to vector<16xf32>
      %add3A_388 = arith.constant 0 : i32
      %add3A_389 = arith.addi %add3A_388, %scan3A_347 : i32
      %swap3A_390 = arith.index_cast %add3A_389 : i32 to index
      %swap3A_391 = arith.constant 32 : index
      %swap3A_392 = tpu.vector_load %arg8[%swap3A_390, %swap3A_391] {strides = array<i32>} : memref<400x64xf32, #tpu.memory_space<vmem>>, vector<1x16xf32>,
      %swap3A_393 = vector.shape_cast %swap3A_392 : vector<1x16xf32> to vector<16xf32>
      %swap3A_394 = vector.shape_cast %get3A_387 : vector<16xf32> to vector<1x16xf32>
      tpu.vector_store %arg8[%swap3A_390, %swap3A_391], %swap3A_394 {add = true, strides = array<i32>} : memref<400x64xf32, #tpu.memory_space<vmem>>, vector<1x16xf32>,
      %add3A_395 = arith.constant 200 : i32
      %add3A_396 = arith.addi %add3A_395, %scan3A_347 : i32
      %swap3A_397 = arith.index_cast %add3A_396 : i32 to index
      %swap3A_398 = arith.constant 32 : index
      %swap3A_399 = tpu.vector_load %arg8[%swap3A_397, %swap3A_398] {strides = array<i32>} : memref<400x64xf32, #tpu.memory_space<vmem>>, vector<1x16xf32>,
      %swap3A_400 = vector.shape_cast %swap3A_399 : vector<1x16xf32> to vector<16xf32>
      %swap3A_401 = vector.shape_cast %get3A_387 : vector<16xf32> to vector<1x16xf32>
      tpu.vector_store %arg8[%swap3A_397, %swap3A_398], %swap3A_401 {add = true, strides = array<i32>} : memref<400x64xf32, #tpu.memory_space<vmem>>, vector<1x16xf32>,
      %get3A_402 = arith.index_cast %scan3A_347 : i32 to index
      %get3A_403 = arith.constant 48 : index
      %get3A_404 = tpu.vector_load %arg9[%get3A_402, %get3A_403] {strides = array<i32>} : memref<200x64xf32, #tpu.memory_space<vmem>>, vector<1x16xf32>,
      %get3A_405 = vector.shape_cast %get3A_404 : vector<1x16xf32> to vector<16xf32>
      %add3A_406 = arith.constant 0 : i32
      %add3A_407 = arith.addi %add3A_406, %scan3A_347 : i32
      %swap3A_408 = arith.index_cast %add3A_407 : i32 to index
      %swap3A_409 = arith.constant 48 : index
      %swap3A_410 = tpu.vector_load %arg8[%swap3A_408, %swap3A_409] {strides = array<i32>} : memref<400x64xf32, #tpu.memory_space<vmem>>, vector<1x16xf32>,
      %swap3A_411 = vector.shape_cast %swap3A_410 : vector<1x16xf32> to vector<16xf32>
      %swap3A_412 = vector.shape_cast %get3A_405 : vector<16xf32> to vector<1x16xf32>
      tpu.vector_store %arg8[%swap3A_408, %swap3A_409], %swap3A_412 {add = true, strides = array<i32>} : memref<400x64xf32, #tpu.memory_space<vmem>>, vector<1x16xf32>,
      %add3A_413 = arith.constant 200 : i32
      %add3A_414 = arith.addi %add3A_413, %scan3A_347 : i32
      %swap3A_415 = arith.index_cast %add3A_414 : i32 to index
      %swap3A_416 = arith.constant 48 : index
      %swap3A_417 = tpu.vector_load %arg8[%swap3A_415, %swap3A_416] {strides = array<i32>} : memref<400x64xf32, #tpu.memory_space<vmem>>, vector<1x16xf32>,
      %swap3A_418 = vector.shape_cast %swap3A_417 : vector<1x16xf32> to vector<16xf32>
      %swap3A_419 = vector.shape_cast %get3A_405 : vector<16xf32> to vector<1x16xf32>
      tpu.vector_store %arg8[%swap3A_415, %swap3A_416], %swap3A_419 {add = true, strides = array<i32>} : memref<400x64xf32, #tpu.memory_space<vmem>>, vector<1x16xf32>,
      %scan3A_420 = arith.constant 0 : i32
      scf.yield %scan3A_420 : i32
    }
    %scan3A_50 = arith.constant 200 : i32
    %add3A_51 = arith.constant 400 : i32
    %add3A_52 = arith.addi %mul3A_2, %add3A_51 : i32
    %dma_start3A_53 = arith.constant 0 : i32
    %dma_start3A_54 = tpu.memref_slice %arg5[%add3A_52, %dma_start3A_53] : memref<819200x64xf32, #tpu.memory_space<hbm>> -> memref<400x64xf32, #tpu.memory_space<hbm>>
    %dma_start3A_55 = arith.constant 0 : i32
    %dma_start3A_56 = tpu.memref_slice %arg5[%add3A_52, %dma_start3A_55] : memref<819200x64xf32, #tpu.memory_space<hbm>> -> memref<400x64xf32, #tpu.memory_space<hbm>>
    tpu.enqueue_dma source(%arg8 : memref<400x64xf32, #tpu.memory_space<vmem>>) target(%dma_start3A_56 : memref<400x64xf32, #tpu.memory_space<hbm>>) target_semaphore(%arg13 : memref<!tpu.dma_semaphore, #tpu.memory_space<semaphore_mem>>)
    %scan3A_57 = arith.constant 0 : i32
    %scan3A_58 = arith.constant 1 : i32
    %scan3A_59 = arith.constant 30 : i32
    %scan3A_60 = arith.addi %scan3A_58, %scan3A_59 : i32
    %scan3A_61 = arith.constant 1 : i32
    %scan3A_62 = scf.for %scan3A_123 = %scan3A_58 to %scan3A_60 step %scan3A_61 iter_args(%scan3A_124 = %scan3A_57) -> (i32)  : i32 {
      %mul3A_125 = arith.constant 2 : i32
      %mul3A_126 = arith.muli %mul3A_125, %scan3A_123 : i32
      %sub3A = arith.constant 1 : i32
      %sub3A_127 = arith.subi %mul3A_126, %sub3A : i32
      %mul3A_128 = arith.constant 400 : i32
      %mul3A_129 = arith.muli %sub3A_127, %mul3A_128 : i32
      %add3A_130 = arith.addi %mul3A_2, %mul3A_129 : i32
      %dma_wait3A_131 = arith.constant 0 : i32
      %dma_wait3A_132 = tpu.memref_slice %arg5[%add3A_130, %dma_wait3A_131] : memref<819200x64xf32, #tpu.memory_space<hbm>> -> memref<400x64xf32, #tpu.memory_space<hbm>>
      %dma_wait3A_133 = arith.constant 0 : i32
      %dma_wait3A_134 = tpu.memref_slice %arg5[%add3A_130, %dma_wait3A_133] : memref<819200x64xf32, #tpu.memory_space<hbm>> -> memref<400x64xf32, #tpu.memory_space<hbm>>
      tpu.wait_dma2 semaphore(%arg13 : memref<!tpu.dma_semaphore, #tpu.memory_space<semaphore_mem>>) src(%arg8 : memref<400x64xf32, #tpu.memory_space<vmem>>) dst(%dma_wait3A_134 : memref<400x64xf32, #tpu.memory_space<hbm>>)
      %add3A_135 = arith.constant 1 : i32
      %add3A_136 = arith.addi %mul3A_126, %add3A_135 : i32
      %mul3A_137 = arith.constant 400 : i32
      %mul3A_138 = arith.muli %add3A_136, %mul3A_137 : i32
      %dma_start3A_139 = tpu.memref_slice %arg6[%mul3A_138] : memref<25600xi32, #tpu.memory_space<vmem>> -> memref<400xi32, #tpu.memory_space<vmem>>
      %dma_start3A_140 = arith.constant 0 : i32
      %dma_start3A_141 = arith.constant 0 : i32
      %dma_start3A_142 = tpu.memref_slice %arg3[%dma_start3A_140, %dma_start3A_141] : memref<1000000x64xf32, #tpu.memory_space<hbm>> -> memref<1000000x64xf32, #tpu.memory_space<hbm>>
      tpu.enqueue_indirect_dma source(%dma_start3A_142 : memref<1000000x64xf32, #tpu.memory_space<hbm>>) target(%arg8 : memref<400x64xf32, #tpu.memory_space<vmem>>) offsets(%dma_start3A_139 : memref<400xi32, #tpu.memory_space<vmem>>) semaphore(%arg11 : memref<!tpu.dma_semaphore, #tpu.memory_space<semaphore_mem>>)
      %mul3A_143 = arith.constant 400 : i32
      %mul3A_144 = arith.muli %mul3A_126, %mul3A_143 : i32
      %dma_wait3A_145 = tpu.memref_slice %arg6[%mul3A_144] : memref<25600xi32, #tpu.memory_space<vmem>> -> memref<400xi32, #tpu.memory_space<vmem>>
      %dma_wait3A_146 = arith.constant 0 : i32
      %dma_wait3A_147 = arith.constant 0 : i32
      %dma_wait3A_148 = tpu.memref_slice %arg3[%dma_wait3A_146, %dma_wait3A_147] : memref<1000000x64xf32, #tpu.memory_space<hbm>> -> memref<1000000x64xf32, #tpu.memory_space<hbm>>
      tpu.wait_indirect_dma semaphore(%arg10 : memref<!tpu.dma_semaphore, #tpu.memory_space<semaphore_mem>>) src(%dma_wait3A_148 : memref<1000000x64xf32, #tpu.memory_space<hbm>>) dst(%arg7 : memref<400x64xf32, #tpu.memory_space<vmem>>)
      %scan3A_149 = arith.constant 0 : i32
      %scan3A_150 = arith.constant 0 : i32
      %scan3A_151 = arith.constant 200 : i32
      %scan3A_152 = arith.addi %scan3A_150, %scan3A_151 : i32
      %scan3A_153 = arith.constant 4 : i32
      %scan3A_154 = scf.for %scan3A_203 = %scan3A_150 to %scan3A_152 step %scan3A_153 iter_args(%scan3A_204 = %scan3A_149) -> (i32)  : i32 {
        %get3A = arith.index_cast %scan3A_203 : i32 to index
        %get3A_205 = arith.constant 0 : index
        %get3A_206 = tpu.vector_load %arg9[%get3A, %get3A_205] {strides = array<i32>} : memref<200x64xf32, #tpu.memory_space<vmem>>, vector<1x16xf32>,
        %get3A_207 = vector.shape_cast %get3A_206 : vector<1x16xf32> to vector<16xf32>
        %add3A_208 = arith.constant 0 : i32
        %add3A_209 = arith.addi %add3A_208, %scan3A_203 : i32
        %swap3A = arith.index_cast %add3A_209 : i32 to index
        %swap3A_210 = arith.constant 0 : index
        %swap3A_211 = tpu.vector_load %arg7[%swap3A, %swap3A_210] {strides = array<i32>} : memref<400x64xf32, #tpu.memory_space<vmem>>, vector<1x16xf32>,
        %swap3A_212 = vector.shape_cast %swap3A_211 : vector<1x16xf32> to vector<16xf32>
        %swap3A_213 = vector.shape_cast %get3A_207 : vector<16xf32> to vector<1x16xf32>
        tpu.vector_store %arg7[%swap3A, %swap3A_210], %swap3A_213 {add = true, strides = array<i32>} : memref<400x64xf32, #tpu.memory_space<vmem>>, vector<1x16xf32>,
        %add3A_214 = arith.constant 200 : i32
        %add3A_215 = arith.addi %add3A_214, %scan3A_203 : i32
        %swap3A_216 = arith.index_cast %add3A_215 : i32 to index
        %swap3A_217 = arith.constant 0 : index
        %swap3A_218 = tpu.vector_load %arg7[%swap3A_216, %swap3A_217] {strides = array<i32>} : memref<400x64xf32, #tpu.memory_space<vmem>>, vector<1x16xf32>,
        %swap3A_219 = vector.shape_cast %swap3A_218 : vector<1x16xf32> to vector<16xf32>
        %swap3A_220 = vector.shape_cast %get3A_207 : vector<16xf32> to vector<1x16xf32>
        tpu.vector_store %arg7[%swap3A_216, %swap3A_217], %swap3A_220 {add = true, strides = array<i32>} : memref<400x64xf32, #tpu.memory_space<vmem>>, vector<1x16xf32>,
        %get3A_221 = arith.index_cast %scan3A_203 : i32 to index
        %get3A_222 = arith.constant 16 : index
        %get3A_223 = tpu.vector_load %arg9[%get3A_221, %get3A_222] {strides = array<i32>} : memref<200x64xf32, #tpu.memory_space<vmem>>, vector<1x16xf32>,
        %get3A_224 = vector.shape_cast %get3A_223 : vector<1x16xf32> to vector<16xf32>
        %add3A_225 = arith.constant 0 : i32
        %add3A_226 = arith.addi %add3A_225, %scan3A_203 : i32
        %swap3A_227 = arith.index_cast %add3A_226 : i32 to index
        %swap3A_228 = arith.constant 16 : index
        %swap3A_229 = tpu.vector_load %arg7[%swap3A_227, %swap3A_228] {strides = array<i32>} : memref<400x64xf32, #tpu.memory_space<vmem>>, vector<1x16xf32>,
        %swap3A_230 = vector.shape_cast %swap3A_229 : vector<1x16xf32> to vector<16xf32>
        %swap3A_231 = vector.shape_cast %get3A_224 : vector<16xf32> to vector<1x16xf32>
        tpu.vector_store %arg7[%swap3A_227, %swap3A_228], %swap3A_231 {add = true, strides = array<i32>} : memref<400x64xf32, #tpu.memory_space<vmem>>, vector<1x16xf32>,
        %add3A_232 = arith.constant 200 : i32
        %add3A_233 = arith.addi %add3A_232, %scan3A_203 : i32
        %swap3A_234 = arith.index_cast %add3A_233 : i32 to index
        %swap3A_235 = arith.constant 16 : index
        %swap3A_236 = tpu.vector_load %arg7[%swap3A_234, %swap3A_235] {strides = array<i32>} : memref<400x64xf32, #tpu.memory_space<vmem>>, vector<1x16xf32>,
        %swap3A_237 = vector.shape_cast %swap3A_236 : vector<1x16xf32> to vector<16xf32>
        %swap3A_238 = vector.shape_cast %get3A_224 : vector<16xf32> to vector<1x16xf32>
        tpu.vector_store %arg7[%swap3A_234, %swap3A_235], %swap3A_238 {add = true, strides = array<i32>} : memref<400x64xf32, #tpu.memory_space<vmem>>, vector<1x16xf32>,
        %get3A_239 = arith.index_cast %scan3A_203 : i32 to index
        %get3A_240 = arith.constant 32 : index
        %get3A_241 = tpu.vector_load %arg9[%get3A_239, %get3A_240] {strides = array<i32>} : memref<200x64xf32, #tpu.memory_space<vmem>>, vector<1x16xf32>,
        %get3A_242 = vector.shape_cast %get3A_241 : vector<1x16xf32> to vector<16xf32>
        %add3A_243 = arith.constant 0 : i32
        %add3A_244 = arith.addi %add3A_243, %scan3A_203 : i32
        %swap3A_245 = arith.index_cast %add3A_244 : i32 to index
        %swap3A_246 = arith.constant 32 : index
        %swap3A_247 = tpu.vector_load %arg7[%swap3A_245, %swap3A_246] {strides = array<i32>} : memref<400x64xf32, #tpu.memory_space<vmem>>, vector<1x16xf32>,
        %swap3A_248 = vector.shape_cast %swap3A_247 : vector<1x16xf32> to vector<16xf32>
        %swap3A_249 = vector.shape_cast %get3A_242 : vector<16xf32> to vector<1x16xf32>
        tpu.vector_store %arg7[%swap3A_245, %swap3A_246], %swap3A_249 {add = true, strides = array<i32>} : memref<400x64xf32, #tpu.memory_space<vmem>>, vector<1x16xf32>,
        %add3A_250 = arith.constant 200 : i32
        %add3A_251 = arith.addi %add3A_250, %scan3A_203 : i32
        %swap3A_252 = arith.index_cast %add3A_251 : i32 to index
        %swap3A_253 = arith.constant 32 : index
        %swap3A_254 = tpu.vector_load %arg7[%swap3A_252, %swap3A_253] {strides = array<i32>} : memref<400x64xf32, #tpu.memory_space<vmem>>, vector<1x16xf32>,
        %swap3A_255 = vector.shape_cast %swap3A_254 : vector<1x16xf32> to vector<16xf32>
        %swap3A_256 = vector.shape_cast %get3A_242 : vector<16xf32> to vector<1x16xf32>
        tpu.vector_store %arg7[%swap3A_252, %swap3A_253], %swap3A_256 {add = true, strides = array<i32>} : memref<400x64xf32, #tpu.memory_space<vmem>>, vector<1x16xf32>,
        %get3A_257 = arith.index_cast %scan3A_203 : i32 to index
        %get3A_258 = arith.constant 48 : index
        %get3A_259 = tpu.vector_load %arg9[%get3A_257, %get3A_258] {strides = array<i32>} : memref<200x64xf32, #tpu.memory_space<vmem>>, vector<1x16xf32>,
        %get3A_260 = vector.shape_cast %get3A_259 : vector<1x16xf32> to vector<16xf32>
        %add3A_261 = arith.constant 0 : i32
        %add3A_262 = arith.addi %add3A_261, %scan3A_203 : i32
        %swap3A_263 = arith.index_cast %add3A_262 : i32 to index
        %swap3A_264 = arith.constant 48 : index
        %swap3A_265 = tpu.vector_load %arg7[%swap3A_263, %swap3A_264] {strides = array<i32>} : memref<400x64xf32, #tpu.memory_space<vmem>>, vector<1x16xf32>,
        %swap3A_266 = vector.shape_cast %swap3A_265 : vector<1x16xf32> to vector<16xf32>
        %swap3A_267 = vector.shape_cast %get3A_260 : vector<16xf32> to vector<1x16xf32>
        tpu.vector_store %arg7[%swap3A_263, %swap3A_264], %swap3A_267 {add = true, strides = array<i32>} : memref<400x64xf32, #tpu.memory_space<vmem>>, vector<1x16xf32>,
        %add3A_268 = arith.constant 200 : i32
        %add3A_269 = arith.addi %add3A_268, %scan3A_203 : i32
        %swap3A_270 = arith.index_cast %add3A_269 : i32 to index
        %swap3A_271 = arith.constant 48 : index
        %swap3A_272 = tpu.vector_load %arg7[%swap3A_270, %swap3A_271] {strides = array<i32>} : memref<400x64xf32, #tpu.memory_space<vmem>>, vector<1x16xf32>,
        %swap3A_273 = vector.shape_cast %swap3A_272 : vector<1x16xf32> to vector<16xf32>
        %swap3A_274 = vector.shape_cast %get3A_260 : vector<16xf32> to vector<1x16xf32>
        tpu.vector_store %arg7[%swap3A_270, %swap3A_271], %swap3A_274 {add = true, strides = array<i32>} : memref<400x64xf32, #tpu.memory_space<vmem>>, vector<1x16xf32>,
        %scan3A_275 = arith.constant 0 : i32
        %scan3A_276 = arith.constant 1 : i32
        %scan3A_277 = arith.addi %scan3A_203, %scan3A_276 : i32
        %get3A_278 = arith.index_cast %scan3A_277 : i32 to index
        %get3A_279 = arith.constant 0 : index
        %get3A_280 = tpu.vector_load %arg9[%get3A_278, %get3A_279] {strides = array<i32>} : memref<200x64xf32, #tpu.memory_space<vmem>>, vector<1x16xf32>,
        %get3A_281 = vector.shape_cast %get3A_280 : vector<1x16xf32> to vector<16xf32>
        %add3A_282 = arith.constant 0 : i32
        %add3A_283 = arith.addi %add3A_282, %scan3A_277 : i32
        %swap3A_284 = arith.index_cast %add3A_283 : i32 to index
        %swap3A_285 = arith.constant 0 : index
        %swap3A_286 = tpu.vector_load %arg7[%swap3A_284, %swap3A_285] {strides = array<i32>} : memref<400x64xf32, #tpu.memory_space<vmem>>, vector<1x16xf32>,
        %swap3A_287 = vector.shape_cast %swap3A_286 : vector<1x16xf32> to vector<16xf32>
        %swap3A_288 = vector.shape_cast %get3A_281 : vector<16xf32> to vector<1x16xf32>
        tpu.vector_store %arg7[%swap3A_284, %swap3A_285], %swap3A_288 {add = true, strides = array<i32>} : memref<400x64xf32, #tpu.memory_space<vmem>>, vector<1x16xf32>,
        %add3A_289 = arith.constant 200 : i32
        %add3A_290 = arith.addi %add3A_289, %scan3A_277 : i32
        %swap3A_291 = arith.index_cast %add3A_290 : i32 to index
        %swap3A_292 = arith.constant 0 : index
        %swap3A_293 = tpu.vector_load %arg7[%swap3A_291, %swap3A_292] {strides = array<i32>} : memref<400x64xf32, #tpu.memory_space<vmem>>, vector<1x16xf32>,
        %swap3A_294 = vector.shape_cast %swap3A_293 : vector<1x16xf32> to vector<16xf32>
        %swap3A_295 = vector.shape_cast %get3A_281 : vector<16xf32> to vector<1x16xf32>
        tpu.vector_store %arg7[%swap3A_291, %swap3A_292], %swap3A_295 {add = true, strides = array<i32>} : memref<400x64xf32, #tpu.memory_space<vmem>>, vector<1x16xf32>,
        %get3A_296 = arith.index_cast %scan3A_277 : i32 to index
        %get3A_297 = arith.constant 16 : index
        %get3A_298 = tpu.vector_load %arg9[%get3A_296, %get3A_297] {strides = array<i32>} : memref<200x64xf32, #tpu.memory_space<vmem>>, vector<1x16xf32>,
        %get3A_299 = vector.shape_cast %get3A_298 : vector<1x16xf32> to vector<16xf32>
        %add3A_300 = arith.constant 0 : i32
        %add3A_301 = arith.addi %add3A_300, %scan3A_277 : i32
        %swap3A_302 = arith.index_cast %add3A_301 : i32 to index
        %swap3A_303 = arith.constant 16 : index
        %swap3A_304 = tpu.vector_load %arg7[%swap3A_302, %swap3A_303] {strides = array<i32>} : memref<400x64xf32, #tpu.memory_space<vmem>>, vector<1x16xf32>,
        %swap3A_305 = vector.shape_cast %swap3A_304 : vector<1x16xf32> to vector<16xf32>
        %swap3A_306 = vector.shape_cast %get3A_299 : vector<16xf32> to vector<1x16xf32>
        tpu.vector_store %arg7[%swap3A_302, %swap3A_303], %swap3A_306 {add = true, strides = array<i32>} : memref<400x64xf32, #tpu.memory_space<vmem>>, vector<1x16xf32>,
        %add3A_307 = arith.constant 200 : i32
        %add3A_308 = arith.addi %add3A_307, %scan3A_277 : i32
        %swap3A_309 = arith.index_cast %add3A_308 : i32 to index
        %swap3A_310 = arith.constant 16 : index
        %swap3A_311 = tpu.vector_load %arg7[%swap3A_309, %swap3A_310] {strides = array<i32>} : memref<400x64xf32, #tpu.memory_space<vmem>>, vector<1x16xf32>,
        %swap3A_312 = vector.shape_cast %swap3A_311 : vector<1x16xf32> to vector<16xf32>
        %swap3A_313 = vector.shape_cast %get3A_299 : vector<16xf32> to vector<1x16xf32>
        tpu.vector_store %arg7[%swap3A_309, %swap3A_310], %swap3A_313 {add = true, strides = array<i32>} : memref<400x64xf32, #tpu.memory_space<vmem>>, vector<1x16xf32>,
        %get3A_314 = arith.index_cast %scan3A_277 : i32 to index
        %get3A_315 = arith.constant 32 : index
        %get3A_316 = tpu.vector_load %arg9[%get3A_314, %get3A_315] {strides = array<i32>} : memref<200x64xf32, #tpu.memory_space<vmem>>, vector<1x16xf32>,
        %get3A_317 = vector.shape_cast %get3A_316 : vector<1x16xf32> to vector<16xf32>
        %add3A_318 = arith.constant 0 : i32
        %add3A_319 = arith.addi %add3A_318, %scan3A_277 : i32
        %swap3A_320 = arith.index_cast %add3A_319 : i32 to index
        %swap3A_321 = arith.constant 32 : index
        %swap3A_322 = tpu.vector_load %arg7[%swap3A_320, %swap3A_321] {strides = array<i32>} : memref<400x64xf32, #tpu.memory_space<vmem>>, vector<1x16xf32>,
        %swap3A_323 = vector.shape_cast %swap3A_322 : vector<1x16xf32> to vector<16xf32>
        %swap3A_324 = vector.shape_cast %get3A_317 : vector<16xf32> to vector<1x16xf32>
        tpu.vector_store %arg7[%swap3A_320, %swap3A_321], %swap3A_324 {add = true, strides = array<i32>} : memref<400x64xf32, #tpu.memory_space<vmem>>, vector<1x16xf32>,
        %add3A_325 = arith.constant 200 : i32
        %add3A_326 = arith.addi %add3A_325, %scan3A_277 : i32
        %swap3A_327 = arith.index_cast %add3A_326 : i32 to index
        %swap3A_328 = arith.constant 32 : index
        %swap3A_329 = tpu.vector_load %arg7[%swap3A_327, %swap3A_328] {strides = array<i32>} : memref<400x64xf32, #tpu.memory_space<vmem>>, vector<1x16xf32>,
        %swap3A_330 = vector.shape_cast %swap3A_329 : vector<1x16xf32> to vector<16xf32>
        %swap3A_331 = vector.shape_cast %get3A_317 : vector<16xf32> to vector<1x16xf32>
        tpu.vector_store %arg7[%swap3A_327, %swap3A_328], %swap3A_331 {add = true, strides = array<i32>} : memref<400x64xf32, #tpu.memory_space<vmem>>, vector<1x16xf32>,
        %get3A_332 = arith.index_cast %scan3A_277 : i32 to index
        %get3A_333 = arith.constant 48 : index
        %get3A_334 = tpu.vector_load %arg9[%get3A_332, %get3A_333] {strides = array<i32>} : memref<200x64xf32, #tpu.memory_space<vmem>>, vector<1x16xf32>,
        %get3A_335 = vector.shape_cast %get3A_334 : vector<1x16xf32> to vector<16xf32>
        %add3A_336 = arith.constant 0 : i32
        %add3A_337 = arith.addi %add3A_336, %scan3A_277 : i32
        %swap3A_338 = arith.index_cast %add3A_337 : i32 to index
        %swap3A_339 = arith.constant 48 : index
        %swap3A_340 = tpu.vector_load %arg7[%swap3A_338, %swap3A_339] {strides = array<i32>} : memref<400x64xf32, #tpu.memory_space<vmem>>, vector<1x16xf32>,
        %swap3A_341 = vector.shape_cast %swap3A_340 : vector<1x16xf32> to vector<16xf32>
        %swap3A_342 = vector.shape_cast %get3A_335 : vector<16xf32> to vector<1x16xf32>
        tpu.vector_store %arg7[%swap3A_338, %swap3A_339], %swap3A_342 {add = true, strides = array<i32>} : memref<400x64xf32, #tpu.memory_space<vmem>>, vector<1x16xf32>,
        %add3A_343 = arith.constant 200 : i32
        %add3A_344 = arith.addi %add3A_343, %scan3A_277 : i32
        %swap3A_345 = arith.index_cast %add3A_344 : i32 to index
        %swap3A_346 = arith.constant 48 : index
        %swap3A_347 = tpu.vector_load %arg7[%swap3A_345, %swap3A_346] {strides = array<i32>} : memref<400x64xf32, #tpu.memory_space<vmem>>, vector<1x16xf32>,
        %swap3A_348 = vector.shape_cast %swap3A_347 : vector<1x16xf32> to vector<16xf32>
        %swap3A_349 = vector.shape_cast %get3A_335 : vector<16xf32> to vector<1x16xf32>
        tpu.vector_store %arg7[%swap3A_345, %swap3A_346], %swap3A_349 {add = true, strides = array<i32>} : memref<400x64xf32, #tpu.memory_space<vmem>>, vector<1x16xf32>,
        %scan3A_350 = arith.constant 0 : i32
        %scan3A_351 = arith.constant 2 : i32
        %scan3A_352 = arith.addi %scan3A_203, %scan3A_351 : i32
        %get3A_353 = arith.index_cast %scan3A_352 : i32 to index
        %get3A_354 = arith.constant 0 : index
        %get3A_355 = tpu.vector_load %arg9[%get3A_353, %get3A_354] {strides = array<i32>} : memref<200x64xf32, #tpu.memory_space<vmem>>, vector<1x16xf32>,
        %get3A_356 = vector.shape_cast %get3A_355 : vector<1x16xf32> to vector<16xf32>
        %add3A_357 = arith.constant 0 : i32
        %add3A_358 = arith.addi %add3A_357, %scan3A_352 : i32
        %swap3A_359 = arith.index_cast %add3A_358 : i32 to index
        %swap3A_360 = arith.constant 0 : index
        %swap3A_361 = tpu.vector_load %arg7[%swap3A_359, %swap3A_360] {strides = array<i32>} : memref<400x64xf32, #tpu.memory_space<vmem>>, vector<1x16xf32>,
        %swap3A_362 = vector.shape_cast %swap3A_361 : vector<1x16xf32> to vector<16xf32>
        %swap3A_363 = vector.shape_cast %get3A_356 : vector<16xf32> to vector<1x16xf32>
        tpu.vector_store %arg7[%swap3A_359, %swap3A_360], %swap3A_363 {add = true, strides = array<i32>} : memref<400x64xf32, #tpu.memory_space<vmem>>, vector<1x16xf32>,
        %add3A_364 = arith.constant 200 : i32
        %add3A_365 = arith.addi %add3A_364, %scan3A_352 : i32
        %swap3A_366 = arith.index_cast %add3A_365 : i32 to index
        %swap3A_367 = arith.constant 0 : index
        %swap3A_368 = tpu.vector_load %arg7[%swap3A_366, %swap3A_367] {strides = array<i32>} : memref<400x64xf32, #tpu.memory_space<vmem>>, vector<1x16xf32>,
        %swap3A_369 = vector.shape_cast %swap3A_368 : vector<1x16xf32> to vector<16xf32>
        %swap3A_370 = vector.shape_cast %get3A_356 : vector<16xf32> to vector<1x16xf32>
        tpu.vector_store %arg7[%swap3A_366, %swap3A_367], %swap3A_370 {add = true, strides = array<i32>} : memref<400x64xf32, #tpu.memory_space<vmem>>, vector<1x16xf32>,
        %get3A_371 = arith.index_cast %scan3A_352 : i32 to index
        %get3A_372 = arith.constant 16 : index
        %get3A_373 = tpu.vector_load %arg9[%get3A_371, %get3A_372] {strides = array<i32>} : memref<200x64xf32, #tpu.memory_space<vmem>>, vector<1x16xf32>,
        %get3A_374 = vector.shape_cast %get3A_373 : vector<1x16xf32> to vector<16xf32>
        %add3A_375 = arith.constant 0 : i32
        %add3A_376 = arith.addi %add3A_375, %scan3A_352 : i32
        %swap3A_377 = arith.index_cast %add3A_376 : i32 to index
        %swap3A_378 = arith.constant 16 : index
        %swap3A_379 = tpu.vector_load %arg7[%swap3A_377, %swap3A_378] {strides = array<i32>} : memref<400x64xf32, #tpu.memory_space<vmem>>, vector<1x16xf32>,
        %swap3A_380 = vector.shape_cast %swap3A_379 : vector<1x16xf32> to vector<16xf32>
        %swap3A_381 = vector.shape_cast %get3A_374 : vector<16xf32> to vector<1x16xf32>
        tpu.vector_store %arg7[%swap3A_377, %swap3A_378], %swap3A_381 {add = true, strides = array<i32>} : memref<400x64xf32, #tpu.memory_space<vmem>>, vector<1x16xf32>,
        %add3A_382 = arith.constant 200 : i32
        %add3A_383 = arith.addi %add3A_382, %scan3A_352 : i32
        %swap3A_384 = arith.index_cast %add3A_383 : i32 to index
        %swap3A_385 = arith.constant 16 : index
        %swap3A_386 = tpu.vector_load %arg7[%swap3A_384, %swap3A_385] {strides = array<i32>} : memref<400x64xf32, #tpu.memory_space<vmem>>, vector<1x16xf32>,
        %swap3A_387 = vector.shape_cast %swap3A_386 : vector<1x16xf32> to vector<16xf32>
        %swap3A_388 = vector.shape_cast %get3A_374 : vector<16xf32> to vector<1x16xf32>
        tpu.vector_store %arg7[%swap3A_384, %swap3A_385], %swap3A_388 {add = true, strides = array<i32>} : memref<400x64xf32, #tpu.memory_space<vmem>>, vector<1x16xf32>,
        %get3A_389 = arith.index_cast %scan3A_352 : i32 to index
        %get3A_390 = arith.constant 32 : index
        %get3A_391 = tpu.vector_load %arg9[%get3A_389, %get3A_390] {strides = array<i32>} : memref<200x64xf32, #tpu.memory_space<vmem>>, vector<1x16xf32>,
        %get3A_392 = vector.shape_cast %get3A_391 : vector<1x16xf32> to vector<16xf32>
        %add3A_393 = arith.constant 0 : i32
        %add3A_394 = arith.addi %add3A_393, %scan3A_352 : i32
        %swap3A_395 = arith.index_cast %add3A_394 : i32 to index
        %swap3A_396 = arith.constant 32 : index
        %swap3A_397 = tpu.vector_load %arg7[%swap3A_395, %swap3A_396] {strides = array<i32>} : memref<400x64xf32, #tpu.memory_space<vmem>>, vector<1x16xf32>,
        %swap3A_398 = vector.shape_cast %swap3A_397 : vector<1x16xf32> to vector<16xf32>
        %swap3A_399 = vector.shape_cast %get3A_392 : vector<16xf32> to vector<1x16xf32>
        tpu.vector_store %arg7[%swap3A_395, %swap3A_396], %swap3A_399 {add = true, strides = array<i32>} : memref<400x64xf32, #tpu.memory_space<vmem>>, vector<1x16xf32>,
        %add3A_400 = arith.constant 200 : i32
        %add3A_401 = arith.addi %add3A_400, %scan3A_352 : i32
        %swap3A_402 = arith.index_cast %add3A_401 : i32 to index
        %swap3A_403 = arith.constant 32 : index
        %swap3A_404 = tpu.vector_load %arg7[%swap3A_402, %swap3A_403] {strides = array<i32>} : memref<400x64xf32, #tpu.memory_space<vmem>>, vector<1x16xf32>,
        %swap3A_405 = vector.shape_cast %swap3A_404 : vector<1x16xf32> to vector<16xf32>
        %swap3A_406 = vector.shape_cast %get3A_392 : vector<16xf32> to vector<1x16xf32>
        tpu.vector_store %arg7[%swap3A_402, %swap3A_403], %swap3A_406 {add = true, strides = array<i32>} : memref<400x64xf32, #tpu.memory_space<vmem>>, vector<1x16xf32>,
        %get3A_407 = arith.index_cast %scan3A_352 : i32 to index
        %get3A_408 = arith.constant 48 : index
        %get3A_409 = tpu.vector_load %arg9[%get3A_407, %get3A_408] {strides = array<i32>} : memref<200x64xf32, #tpu.memory_space<vmem>>, vector<1x16xf32>,
        %get3A_410 = vector.shape_cast %get3A_409 : vector<1x16xf32> to vector<16xf32>
        %add3A_411 = arith.constant 0 : i32
        %add3A_412 = arith.addi %add3A_411, %scan3A_352 : i32
        %swap3A_413 = arith.index_cast %add3A_412 : i32 to index
        %swap3A_414 = arith.constant 48 : index
        %swap3A_415 = tpu.vector_load %arg7[%swap3A_413, %swap3A_414] {strides = array<i32>} : memref<400x64xf32, #tpu.memory_space<vmem>>, vector<1x16xf32>,
        %swap3A_416 = vector.shape_cast %swap3A_415 : vector<1x16xf32> to vector<16xf32>
        %swap3A_417 = vector.shape_cast %get3A_410 : vector<16xf32> to vector<1x16xf32>
        tpu.vector_store %arg7[%swap3A_413, %swap3A_414], %swap3A_417 {add = true, strides = array<i32>} : memref<400x64xf32, #tpu.memory_space<vmem>>, vector<1x16xf32>,
        %add3A_418 = arith.constant 200 : i32
        %add3A_419 = arith.addi %add3A_418, %scan3A_352 : i32
        %swap3A_420 = arith.index_cast %add3A_419 : i32 to index
        %swap3A_421 = arith.constant 48 : index
        %swap3A_422 = tpu.vector_load %arg7[%swap3A_420, %swap3A_421] {strides = array<i32>} : memref<400x64xf32, #tpu.memory_space<vmem>>, vector<1x16xf32>,
        %swap3A_423 = vector.shape_cast %swap3A_422 : vector<1x16xf32> to vector<16xf32>
        %swap3A_424 = vector.shape_cast %get3A_410 : vector<16xf32> to vector<1x16xf32>
        tpu.vector_store %arg7[%swap3A_420, %swap3A_421], %swap3A_424 {add = true, strides = array<i32>} : memref<400x64xf32, #tpu.memory_space<vmem>>, vector<1x16xf32>,
        %scan3A_425 = arith.constant 0 : i32
        %scan3A_426 = arith.constant 3 : i32
        %scan3A_427 = arith.addi %scan3A_203, %scan3A_426 : i32
        %get3A_428 = arith.index_cast %scan3A_427 : i32 to index
        %get3A_429 = arith.constant 0 : index
        %get3A_430 = tpu.vector_load %arg9[%get3A_428, %get3A_429] {strides = array<i32>} : memref<200x64xf32, #tpu.memory_space<vmem>>, vector<1x16xf32>,
        %get3A_431 = vector.shape_cast %get3A_430 : vector<1x16xf32> to vector<16xf32>
        %add3A_432 = arith.constant 0 : i32
        %add3A_433 = arith.addi %add3A_432, %scan3A_427 : i32
        %swap3A_434 = arith.index_cast %add3A_433 : i32 to index
        %swap3A_435 = arith.constant 0 : index
        %swap3A_436 = tpu.vector_load %arg7[%swap3A_434, %swap3A_435] {strides = array<i32>} : memref<400x64xf32, #tpu.memory_space<vmem>>, vector<1x16xf32>,
        %swap3A_437 = vector.shape_cast %swap3A_436 : vector<1x16xf32> to vector<16xf32>
        %swap3A_438 = vector.shape_cast %get3A_431 : vector<16xf32> to vector<1x16xf32>
        tpu.vector_store %arg7[%swap3A_434, %swap3A_435], %swap3A_438 {add = true, strides = array<i32>} : memref<400x64xf32, #tpu.memory_space<vmem>>, vector<1x16xf32>,
        %add3A_439 = arith.constant 200 : i32
        %add3A_440 = arith.addi %add3A_439, %scan3A_427 : i32
        %swap3A_441 = arith.index_cast %add3A_440 : i32 to index
        %swap3A_442 = arith.constant 0 : index
        %swap3A_443 = tpu.vector_load %arg7[%swap3A_441, %swap3A_442] {strides = array<i32>} : memref<400x64xf32, #tpu.memory_space<vmem>>, vector<1x16xf32>,
        %swap3A_444 = vector.shape_cast %swap3A_443 : vector<1x16xf32> to vector<16xf32>
        %swap3A_445 = vector.shape_cast %get3A_431 : vector<16xf32> to vector<1x16xf32>
        tpu.vector_store %arg7[%swap3A_441, %swap3A_442], %swap3A_445 {add = true, strides = array<i32>} : memref<400x64xf32, #tpu.memory_space<vmem>>, vector<1x16xf32>,
        %get3A_446 = arith.index_cast %scan3A_427 : i32 to index
        %get3A_447 = arith.constant 16 : index
        %get3A_448 = tpu.vector_load %arg9[%get3A_446, %get3A_447] {strides = array<i32>} : memref<200x64xf32, #tpu.memory_space<vmem>>, vector<1x16xf32>,
        %get3A_449 = vector.shape_cast %get3A_448 : vector<1x16xf32> to vector<16xf32>
        %add3A_450 = arith.constant 0 : i32
        %add3A_451 = arith.addi %add3A_450, %scan3A_427 : i32
        %swap3A_452 = arith.index_cast %add3A_451 : i32 to index
        %swap3A_453 = arith.constant 16 : index
        %swap3A_454 = tpu.vector_load %arg7[%swap3A_452, %swap3A_453] {strides = array<i32>} : memref<400x64xf32, #tpu.memory_space<vmem>>, vector<1x16xf32>,
        %swap3A_455 = vector.shape_cast %swap3A_454 : vector<1x16xf32> to vector<16xf32>
        %swap3A_456 = vector.shape_cast %get3A_449 : vector<16xf32> to vector<1x16xf32>
        tpu.vector_store %arg7[%swap3A_452, %swap3A_453], %swap3A_456 {add = true, strides = array<i32>} : memref<400x64xf32, #tpu.memory_space<vmem>>, vector<1x16xf32>,
        %add3A_457 = arith.constant 200 : i32
        %add3A_458 = arith.addi %add3A_457, %scan3A_427 : i32
        %swap3A_459 = arith.index_cast %add3A_458 : i32 to index
        %swap3A_460 = arith.constant 16 : index
        %swap3A_461 = tpu.vector_load %arg7[%swap3A_459, %swap3A_460] {strides = array<i32>} : memref<400x64xf32, #tpu.memory_space<vmem>>, vector<1x16xf32>,
        %swap3A_462 = vector.shape_cast %swap3A_461 : vector<1x16xf32> to vector<16xf32>
        %swap3A_463 = vector.shape_cast %get3A_449 : vector<16xf32> to vector<1x16xf32>
        tpu.vector_store %arg7[%swap3A_459, %swap3A_460], %swap3A_463 {add = true, strides = array<i32>} : memref<400x64xf32, #tpu.memory_space<vmem>>, vector<1x16xf32>,
        %get3A_464 = arith.index_cast %scan3A_427 : i32 to index
        %get3A_465 = arith.constant 32 : index
        %get3A_466 = tpu.vector_load %arg9[%get3A_464, %get3A_465] {strides = array<i32>} : memref<200x64xf32, #tpu.memory_space<vmem>>, vector<1x16xf32>,
        %get3A_467 = vector.shape_cast %get3A_466 : vector<1x16xf32> to vector<16xf32>
        %add3A_468 = arith.constant 0 : i32
        %add3A_469 = arith.addi %add3A_468, %scan3A_427 : i32
        %swap3A_470 = arith.index_cast %add3A_469 : i32 to index
        %swap3A_471 = arith.constant 32 : index
        %swap3A_472 = tpu.vector_load %arg7[%swap3A_470, %swap3A_471] {strides = array<i32>} : memref<400x64xf32, #tpu.memory_space<vmem>>, vector<1x16xf32>,
        %swap3A_473 = vector.shape_cast %swap3A_472 : vector<1x16xf32> to vector<16xf32>
        %swap3A_474 = vector.shape_cast %get3A_467 : vector<16xf32> to vector<1x16xf32>
        tpu.vector_store %arg7[%swap3A_470, %swap3A_471], %swap3A_474 {add = true, strides = array<i32>} : memref<400x64xf32, #tpu.memory_space<vmem>>, vector<1x16xf32>,
        %add3A_475 = arith.constant 200 : i32
        %add3A_476 = arith.addi %add3A_475, %scan3A_427 : i32
        %swap3A_477 = arith.index_cast %add3A_476 : i32 to index
        %swap3A_478 = arith.constant 32 : index
        %swap3A_479 = tpu.vector_load %arg7[%swap3A_477, %swap3A_478] {strides = array<i32>} : memref<400x64xf32, #tpu.memory_space<vmem>>, vector<1x16xf32>,
        %swap3A_480 = vector.shape_cast %swap3A_479 : vector<1x16xf32> to vector<16xf32>
        %swap3A_481 = vector.shape_cast %get3A_467 : vector<16xf32> to vector<1x16xf32>
        tpu.vector_store %arg7[%swap3A_477, %swap3A_478], %swap3A_481 {add = true, strides = array<i32>} : memref<400x64xf32, #tpu.memory_space<vmem>>, vector<1x16xf32>,
        %get3A_482 = arith.index_cast %scan3A_427 : i32 to index
        %get3A_483 = arith.constant 48 : index
        %get3A_484 = tpu.vector_load %arg9[%get3A_482, %get3A_483] {strides = array<i32>} : memref<200x64xf32, #tpu.memory_space<vmem>>, vector<1x16xf32>,
        %get3A_485 = vector.shape_cast %get3A_484 : vector<1x16xf32> to vector<16xf32>
        %add3A_486 = arith.constant 0 : i32
        %add3A_487 = arith.addi %add3A_486, %scan3A_427 : i32
        %swap3A_488 = arith.index_cast %add3A_487 : i32 to index
        %swap3A_489 = arith.constant 48 : index
        %swap3A_490 = tpu.vector_load %arg7[%swap3A_488, %swap3A_489] {strides = array<i32>} : memref<400x64xf32, #tpu.memory_space<vmem>>, vector<1x16xf32>,
        %swap3A_491 = vector.shape_cast %swap3A_490 : vector<1x16xf32> to vector<16xf32>
        %swap3A_492 = vector.shape_cast %get3A_485 : vector<16xf32> to vector<1x16xf32>
        tpu.vector_store %arg7[%swap3A_488, %swap3A_489], %swap3A_492 {add = true, strides = array<i32>} : memref<400x64xf32, #tpu.memory_space<vmem>>, vector<1x16xf32>,
        %add3A_493 = arith.constant 200 : i32
        %add3A_494 = arith.addi %add3A_493, %scan3A_427 : i32
        %swap3A_495 = arith.index_cast %add3A_494 : i32 to index
        %swap3A_496 = arith.constant 48 : index
        %swap3A_497 = tpu.vector_load %arg7[%swap3A_495, %swap3A_496] {strides = array<i32>} : memref<400x64xf32, #tpu.memory_space<vmem>>, vector<1x16xf32>,
        %swap3A_498 = vector.shape_cast %swap3A_497 : vector<1x16xf32> to vector<16xf32>
        %swap3A_499 = vector.shape_cast %get3A_485 : vector<16xf32> to vector<1x16xf32>
        tpu.vector_store %arg7[%swap3A_495, %swap3A_496], %swap3A_499 {add = true, strides = array<i32>} : memref<400x64xf32, #tpu.memory_space<vmem>>, vector<1x16xf32>,
        %scan3A_500 = arith.constant 0 : i32
        scf.yield %scan3A_500 : i32
      }
      %scan3A_155 = arith.constant 200 : i32
      %mul3A_156 = arith.constant 400 : i32
      %mul3A_157 = arith.muli %mul3A_126, %mul3A_156 : i32
      %add3A_158 = arith.addi %mul3A_2, %mul3A_157 : i32
      %dma_start3A_159 = arith.constant 0 : i32
      %dma_start3A_160 = tpu.memref_slice %arg5[%add3A_158, %dma_start3A_159] : memref<819200x64xf32, #tpu.memory_space<hbm>> -> memref<400x64xf32, #tpu.memory_space<hbm>>
      %dma_start3A_161 = arith.constant 0 : i32
      %dma_start3A_162 = tpu.memref_slice %arg5[%add3A_158, %dma_start3A_161] : memref<819200x64xf32, #tpu.memory_space<hbm>> -> memref<400x64xf32, #tpu.memory_space<hbm>>
      tpu.enqueue_dma source(%arg7 : memref<400x64xf32, #tpu.memory_space<vmem>>) target(%dma_start3A_162 : memref<400x64xf32, #tpu.memory_space<hbm>>) target_semaphore(%arg12 : memref<!tpu.dma_semaphore, #tpu.memory_space<semaphore_mem>>)
      %add3A_163 = arith.constant 1 : i32
      %add3A_164 = arith.addi %mul3A_126, %add3A_163 : i32
      %sub3A_165 = arith.constant 1 : i32
      %sub3A_166 = arith.subi %add3A_164, %sub3A_165 : i32
      %mul3A_167 = arith.constant 400 : i32
      %mul3A_168 = arith.muli %sub3A_166, %mul3A_167 : i32
      %add3A_169 = arith.addi %mul3A_2, %mul3A_168 : i32
      %dma_wait3A_170 = arith.constant 0 : i32
      %dma_wait3A_171 = tpu.memref_slice %arg5[%add3A_169, %dma_wait3A_170] : memref<819200x64xf32, #tpu.memory_space<hbm>> -> memref<400x64xf32, #tpu.memory_space<hbm>>
      %dma_wait3A_172 = arith.constant 0 : i32
      %dma_wait3A_173 = tpu.memref_slice %arg5[%add3A_169, %dma_wait3A_172] : memref<819200x64xf32, #tpu.memory_space<hbm>> -> memref<400x64xf32, #tpu.memory_space<hbm>>
      tpu.wait_dma2 semaphore(%arg12 : memref<!tpu.dma_semaphore, #tpu.memory_space<semaphore_mem>>) src(%arg7 : memref<400x64xf32, #tpu.memory_space<vmem>>) dst(%dma_wait3A_173 : memref<400x64xf32, #tpu.memory_space<hbm>>)
      %add3A_174 = arith.constant 1 : i32
      %add3A_175 = arith.addi %add3A_164, %add3A_174 : i32
      %mul3A_176 = arith.constant 400 : i32
      %mul3A_177 = arith.muli %add3A_175, %mul3A_176 : i32
      %dma_start3A_178 = tpu.memref_slice %arg6[%mul3A_177] : memref<25600xi32, #tpu.memory_space<vmem>> -> memref<400xi32, #tpu.memory_space<vmem>>
      %dma_start3A_179 = arith.constant 0 : i32
      %dma_start3A_180 = arith.constant 0 : i32
      %dma_start3A_181 = tpu.memref_slice %arg3[%dma_start3A_179, %dma_start3A_180] : memref<1000000x64xf32, #tpu.memory_space<hbm>> -> memref<1000000x64xf32, #tpu.memory_space<hbm>>
      tpu.enqueue_indirect_dma source(%dma_start3A_181 : memref<1000000x64xf32, #tpu.memory_space<hbm>>) target(%arg7 : memref<400x64xf32, #tpu.memory_space<vmem>>) offsets(%dma_start3A_178 : memref<400xi32, #tpu.memory_space<vmem>>) semaphore(%arg10 : memref<!tpu.dma_semaphore, #tpu.memory_space<semaphore_mem>>)
      %mul3A_182 = arith.constant 400 : i32
      %mul3A_183 = arith.muli %add3A_164, %mul3A_182 : i32
      %dma_wait3A_184 = tpu.memref_slice %arg6[%mul3A_183] : memref<25600xi32, #tpu.memory_space<vmem>> -> memref<400xi32, #tpu.memory_space<vmem>>
      %dma_wait3A_185 = arith.constant 0 : i32
      %dma_wait3A_186 = arith.constant 0 : i32
      %dma_wait3A_187 = tpu.memref_slice %arg3[%dma_wait3A_185, %dma_wait3A_186] : memref<1000000x64xf32, #tpu.memory_space<hbm>> -> memref<1000000x64xf32, #tpu.memory_space<hbm>>
      tpu.wait_indirect_dma semaphore(%arg11 : memref<!tpu.dma_semaphore, #tpu.memory_space<semaphore_mem>>) src(%dma_wait3A_187 : memref<1000000x64xf32, #tpu.memory_space<hbm>>) dst(%arg8 : memref<400x64xf32, #tpu.memory_space<vmem>>)
      %scan3A_188 = arith.constant 0 : i32
      %scan3A_189 = arith.constant 0 : i32
      %scan3A_190 = arith.constant 200 : i32
      %scan3A_191 = arith.addi %scan3A_189, %scan3A_190 : i32
      %scan3A_192 = arith.constant 4 : i32
      %scan3A_193 = scf.for %scan3A_203 = %scan3A_189 to %scan3A_191 step %scan3A_192 iter_args(%scan3A_204 = %scan3A_188) -> (i32)  : i32 {
        %get3A = arith.index_cast %scan3A_203 : i32 to index
        %get3A_205 = arith.constant 0 : index
        %get3A_206 = tpu.vector_load %arg9[%get3A, %get3A_205] {strides = array<i32>} : memref<200x64xf32, #tpu.memory_space<vmem>>, vector<1x16xf32>,
        %get3A_207 = vector.shape_cast %get3A_206 : vector<1x16xf32> to vector<16xf32>
        %add3A_208 = arith.constant 0 : i32
        %add3A_209 = arith.addi %add3A_208, %scan3A_203 : i32
        %swap3A = arith.index_cast %add3A_209 : i32 to index
        %swap3A_210 = arith.constant 0 : index
        %swap3A_211 = tpu.vector_load %arg8[%swap3A, %swap3A_210] {strides = array<i32>} : memref<400x64xf32, #tpu.memory_space<vmem>>, vector<1x16xf32>,
        %swap3A_212 = vector.shape_cast %swap3A_211 : vector<1x16xf32> to vector<16xf32>
        %swap3A_213 = vector.shape_cast %get3A_207 : vector<16xf32> to vector<1x16xf32>
        tpu.vector_store %arg8[%swap3A, %swap3A_210], %swap3A_213 {add = true, strides = array<i32>} : memref<400x64xf32, #tpu.memory_space<vmem>>, vector<1x16xf32>,
        %add3A_214 = arith.constant 200 : i32
        %add3A_215 = arith.addi %add3A_214, %scan3A_203 : i32
        %swap3A_216 = arith.index_cast %add3A_215 : i32 to index
        %swap3A_217 = arith.constant 0 : index
        %swap3A_218 = tpu.vector_load %arg8[%swap3A_216, %swap3A_217] {strides = array<i32>} : memref<400x64xf32, #tpu.memory_space<vmem>>, vector<1x16xf32>,
        %swap3A_219 = vector.shape_cast %swap3A_218 : vector<1x16xf32> to vector<16xf32>
        %swap3A_220 = vector.shape_cast %get3A_207 : vector<16xf32> to vector<1x16xf32>
        tpu.vector_store %arg8[%swap3A_216, %swap3A_217], %swap3A_220 {add = true, strides = array<i32>} : memref<400x64xf32, #tpu.memory_space<vmem>>, vector<1x16xf32>,
        %get3A_221 = arith.index_cast %scan3A_203 : i32 to index
        %get3A_222 = arith.constant 16 : index
        %get3A_223 = tpu.vector_load %arg9[%get3A_221, %get3A_222] {strides = array<i32>} : memref<200x64xf32, #tpu.memory_space<vmem>>, vector<1x16xf32>,
        %get3A_224 = vector.shape_cast %get3A_223 : vector<1x16xf32> to vector<16xf32>
        %add3A_225 = arith.constant 0 : i32
        %add3A_226 = arith.addi %add3A_225, %scan3A_203 : i32
        %swap3A_227 = arith.index_cast %add3A_226 : i32 to index
        %swap3A_228 = arith.constant 16 : index
        %swap3A_229 = tpu.vector_load %arg8[%swap3A_227, %swap3A_228] {strides = array<i32>} : memref<400x64xf32, #tpu.memory_space<vmem>>, vector<1x16xf32>,
        %swap3A_230 = vector.shape_cast %swap3A_229 : vector<1x16xf32> to vector<16xf32>
        %swap3A_231 = vector.shape_cast %get3A_224 : vector<16xf32> to vector<1x16xf32>
        tpu.vector_store %arg8[%swap3A_227, %swap3A_228], %swap3A_231 {add = true, strides = array<i32>} : memref<400x64xf32, #tpu.memory_space<vmem>>, vector<1x16xf32>,
        %add3A_232 = arith.constant 200 : i32
        %add3A_233 = arith.addi %add3A_232, %scan3A_203 : i32
        %swap3A_234 = arith.index_cast %add3A_233 : i32 to index
        %swap3A_235 = arith.constant 16 : index
        %swap3A_236 = tpu.vector_load %arg8[%swap3A_234, %swap3A_235] {strides = array<i32>} : memref<400x64xf32, #tpu.memory_space<vmem>>, vector<1x16xf32>,
        %swap3A_237 = vector.shape_cast %swap3A_236 : vector<1x16xf32> to vector<16xf32>
        %swap3A_238 = vector.shape_cast %get3A_224 : vector<16xf32> to vector<1x16xf32>
        tpu.vector_store %arg8[%swap3A_234, %swap3A_235], %swap3A_238 {add = true, strides = array<i32>} : memref<400x64xf32, #tpu.memory_space<vmem>>, vector<1x16xf32>,
        %get3A_239 = arith.index_cast %scan3A_203 : i32 to index
        %get3A_240 = arith.constant 32 : index
        %get3A_241 = tpu.vector_load %arg9[%get3A_239, %get3A_240] {strides = array<i32>} : memref<200x64xf32, #tpu.memory_space<vmem>>, vector<1x16xf32>,
        %get3A_242 = vector.shape_cast %get3A_241 : vector<1x16xf32> to vector<16xf32>
        %add3A_243 = arith.constant 0 : i32
        %add3A_244 = arith.addi %add3A_243, %scan3A_203 : i32
        %swap3A_245 = arith.index_cast %add3A_244 : i32 to index
        %swap3A_246 = arith.constant 32 : index
        %swap3A_247 = tpu.vector_load %arg8[%swap3A_245, %swap3A_246] {strides = array<i32>} : memref<400x64xf32, #tpu.memory_space<vmem>>, vector<1x16xf32>,
        %swap3A_248 = vector.shape_cast %swap3A_247 : vector<1x16xf32> to vector<16xf32>
        %swap3A_249 = vector.shape_cast %get3A_242 : vector<16xf32> to vector<1x16xf32>
        tpu.vector_store %arg8[%swap3A_245, %swap3A_246], %swap3A_249 {add = true, strides = array<i32>} : memref<400x64xf32, #tpu.memory_space<vmem>>, vector<1x16xf32>,
        %add3A_250 = arith.constant 200 : i32
        %add3A_251 = arith.addi %add3A_250, %scan3A_203 : i32
        %swap3A_252 = arith.index_cast %add3A_251 : i32 to index
        %swap3A_253 = arith.constant 32 : index
        %swap3A_254 = tpu.vector_load %arg8[%swap3A_252, %swap3A_253] {strides = array<i32>} : memref<400x64xf32, #tpu.memory_space<vmem>>, vector<1x16xf32>,
        %swap3A_255 = vector.shape_cast %swap3A_254 : vector<1x16xf32> to vector<16xf32>
        %swap3A_256 = vector.shape_cast %get3A_242 : vector<16xf32> to vector<1x16xf32>
        tpu.vector_store %arg8[%swap3A_252, %swap3A_253], %swap3A_256 {add = true, strides = array<i32>} : memref<400x64xf32, #tpu.memory_space<vmem>>, vector<1x16xf32>,
        %get3A_257 = arith.index_cast %scan3A_203 : i32 to index
        %get3A_258 = arith.constant 48 : index
        %get3A_259 = tpu.vector_load %arg9[%get3A_257, %get3A_258] {strides = array<i32>} : memref<200x64xf32, #tpu.memory_space<vmem>>, vector<1x16xf32>,
        %get3A_260 = vector.shape_cast %get3A_259 : vector<1x16xf32> to vector<16xf32>
        %add3A_261 = arith.constant 0 : i32
        %add3A_262 = arith.addi %add3A_261, %scan3A_203 : i32
        %swap3A_263 = arith.index_cast %add3A_262 : i32 to index
        %swap3A_264 = arith.constant 48 : index
        %swap3A_265 = tpu.vector_load %arg8[%swap3A_263, %swap3A_264] {strides = array<i32>} : memref<400x64xf32, #tpu.memory_space<vmem>>, vector<1x16xf32>,
        %swap3A_266 = vector.shape_cast %swap3A_265 : vector<1x16xf32> to vector<16xf32>
        %swap3A_267 = vector.shape_cast %get3A_260 : vector<16xf32> to vector<1x16xf32>
        tpu.vector_store %arg8[%swap3A_263, %swap3A_264], %swap3A_267 {add = true, strides = array<i32>} : memref<400x64xf32, #tpu.memory_space<vmem>>, vector<1x16xf32>,
        %add3A_268 = arith.constant 200 : i32
        %add3A_269 = arith.addi %add3A_268, %scan3A_203 : i32
        %swap3A_270 = arith.index_cast %add3A_269 : i32 to index
        %swap3A_271 = arith.constant 48 : index
        %swap3A_272 = tpu.vector_load %arg8[%swap3A_270, %swap3A_271] {strides = array<i32>} : memref<400x64xf32, #tpu.memory_space<vmem>>, vector<1x16xf32>,
        %swap3A_273 = vector.shape_cast %swap3A_272 : vector<1x16xf32> to vector<16xf32>
        %swap3A_274 = vector.shape_cast %get3A_260 : vector<16xf32> to vector<1x16xf32>
        tpu.vector_store %arg8[%swap3A_270, %swap3A_271], %swap3A_274 {add = true, strides = array<i32>} : memref<400x64xf32, #tpu.memory_space<vmem>>, vector<1x16xf32>,
        %scan3A_275 = arith.constant 0 : i32
        %scan3A_276 = arith.constant 1 : i32
        %scan3A_277 = arith.addi %scan3A_203, %scan3A_276 : i32
        %get3A_278 = arith.index_cast %scan3A_277 : i32 to index
        %get3A_279 = arith.constant 0 : index
        %get3A_280 = tpu.vector_load %arg9[%get3A_278, %get3A_279] {strides = array<i32>} : memref<200x64xf32, #tpu.memory_space<vmem>>, vector<1x16xf32>,
        %get3A_281 = vector.shape_cast %get3A_280 : vector<1x16xf32> to vector<16xf32>
        %add3A_282 = arith.constant 0 : i32
        %add3A_283 = arith.addi %add3A_282, %scan3A_277 : i32
        %swap3A_284 = arith.index_cast %add3A_283 : i32 to index
        %swap3A_285 = arith.constant 0 : index
        %swap3A_286 = tpu.vector_load %arg8[%swap3A_284, %swap3A_285] {strides = array<i32>} : memref<400x64xf32, #tpu.memory_space<vmem>>, vector<1x16xf32>,
        %swap3A_287 = vector.shape_cast %swap3A_286 : vector<1x16xf32> to vector<16xf32>
        %swap3A_288 = vector.shape_cast %get3A_281 : vector<16xf32> to vector<1x16xf32>
        tpu.vector_store %arg8[%swap3A_284, %swap3A_285], %swap3A_288 {add = true, strides = array<i32>} : memref<400x64xf32, #tpu.memory_space<vmem>>, vector<1x16xf32>,
        %add3A_289 = arith.constant 200 : i32
        %add3A_290 = arith.addi %add3A_289, %scan3A_277 : i32
        %swap3A_291 = arith.index_cast %add3A_290 : i32 to index
        %swap3A_292 = arith.constant 0 : index
        %swap3A_293 = tpu.vector_load %arg8[%swap3A_291, %swap3A_292] {strides = array<i32>} : memref<400x64xf32, #tpu.memory_space<vmem>>, vector<1x16xf32>,
        %swap3A_294 = vector.shape_cast %swap3A_293 : vector<1x16xf32> to vector<16xf32>
        %swap3A_295 = vector.shape_cast %get3A_281 : vector<16xf32> to vector<1x16xf32>
        tpu.vector_store %arg8[%swap3A_291, %swap3A_292], %swap3A_295 {add = true, strides = array<i32>} : memref<400x64xf32, #tpu.memory_space<vmem>>, vector<1x16xf32>,
        %get3A_296 = arith.index_cast %scan3A_277 : i32 to index
        %get3A_297 = arith.constant 16 : index
        %get3A_298 = tpu.vector_load %arg9[%get3A_296, %get3A_297] {strides = array<i32>} : memref<200x64xf32, #tpu.memory_space<vmem>>, vector<1x16xf32>,
        %get3A_299 = vector.shape_cast %get3A_298 : vector<1x16xf32> to vector<16xf32>
        %add3A_300 = arith.constant 0 : i32
        %add3A_301 = arith.addi %add3A_300, %scan3A_277 : i32
        %swap3A_302 = arith.index_cast %add3A_301 : i32 to index
        %swap3A_303 = arith.constant 16 : index
        %swap3A_304 = tpu.vector_load %arg8[%swap3A_302, %swap3A_303] {strides = array<i32>} : memref<400x64xf32, #tpu.memory_space<vmem>>, vector<1x16xf32>,
        %swap3A_305 = vector.shape_cast %swap3A_304 : vector<1x16xf32> to vector<16xf32>
        %swap3A_306 = vector.shape_cast %get3A_299 : vector<16xf32> to vector<1x16xf32>
        tpu.vector_store %arg8[%swap3A_302, %swap3A_303], %swap3A_306 {add = true, strides = array<i32>} : memref<400x64xf32, #tpu.memory_space<vmem>>, vector<1x16xf32>,
        %add3A_307 = arith.constant 200 : i32
        %add3A_308 = arith.addi %add3A_307, %scan3A_277 : i32
        %swap3A_309 = arith.index_cast %add3A_308 : i32 to index
        %swap3A_310 = arith.constant 16 : index
        %swap3A_311 = tpu.vector_load %arg8[%swap3A_309, %swap3A_310] {strides = array<i32>} : memref<400x64xf32, #tpu.memory_space<vmem>>, vector<1x16xf32>,
        %swap3A_312 = vector.shape_cast %swap3A_311 : vector<1x16xf32> to vector<16xf32>
        %swap3A_313 = vector.shape_cast %get3A_299 : vector<16xf32> to vector<1x16xf32>
        tpu.vector_store %arg8[%swap3A_309, %swap3A_310], %swap3A_313 {add = true, strides = array<i32>} : memref<400x64xf32, #tpu.memory_space<vmem>>, vector<1x16xf32>,
        %get3A_314 = arith.index_cast %scan3A_277 : i32 to index
        %get3A_315 = arith.constant 32 : index
        %get3A_316 = tpu.vector_load %arg9[%get3A_314, %get3A_315] {strides = array<i32>} : memref<200x64xf32, #tpu.memory_space<vmem>>, vector<1x16xf32>,
        %get3A_317 = vector.shape_cast %get3A_316 : vector<1x16xf32> to vector<16xf32>
        %add3A_318 = arith.constant 0 : i32
        %add3A_319 = arith.addi %add3A_318, %scan3A_277 : i32
        %swap3A_320 = arith.index_cast %add3A_319 : i32 to index
        %swap3A_321 = arith.constant 32 : index
        %swap3A_322 = tpu.vector_load %arg8[%swap3A_320, %swap3A_321] {strides = array<i32>} : memref<400x64xf32, #tpu.memory_space<vmem>>, vector<1x16xf32>,
        %swap3A_323 = vector.shape_cast %swap3A_322 : vector<1x16xf32> to vector<16xf32>
        %swap3A_324 = vector.shape_cast %get3A_317 : vector<16xf32> to vector<1x16xf32>
        tpu.vector_store %arg8[%swap3A_320, %swap3A_321], %swap3A_324 {add = true, strides = array<i32>} : memref<400x64xf32, #tpu.memory_space<vmem>>, vector<1x16xf32>,
        %add3A_325 = arith.constant 200 : i32
        %add3A_326 = arith.addi %add3A_325, %scan3A_277 : i32
        %swap3A_327 = arith.index_cast %add3A_326 : i32 to index
        %swap3A_328 = arith.constant 32 : index
        %swap3A_329 = tpu.vector_load %arg8[%swap3A_327, %swap3A_328] {strides = array<i32>} : memref<400x64xf32, #tpu.memory_space<vmem>>, vector<1x16xf32>,
        %swap3A_330 = vector.shape_cast %swap3A_329 : vector<1x16xf32> to vector<16xf32>
        %swap3A_331 = vector.shape_cast %get3A_317 : vector<16xf32> to vector<1x16xf32>
        tpu.vector_store %arg8[%swap3A_327, %swap3A_328], %swap3A_331 {add = true, strides = array<i32>} : memref<400x64xf32, #tpu.memory_space<vmem>>, vector<1x16xf32>,
        %get3A_332 = arith.index_cast %scan3A_277 : i32 to index
        %get3A_333 = arith.constant 48 : index
        %get3A_334 = tpu.vector_load %arg9[%get3A_332, %get3A_333] {strides = array<i32>} : memref<200x64xf32, #tpu.memory_space<vmem>>, vector<1x16xf32>,
        %get3A_335 = vector.shape_cast %get3A_334 : vector<1x16xf32> to vector<16xf32>
        %add3A_336 = arith.constant 0 : i32
        %add3A_337 = arith.addi %add3A_336, %scan3A_277 : i32
        %swap3A_338 = arith.index_cast %add3A_337 : i32 to index
        %swap3A_339 = arith.constant 48 : index
        %swap3A_340 = tpu.vector_load %arg8[%swap3A_338, %swap3A_339] {strides = array<i32>} : memref<400x64xf32, #tpu.memory_space<vmem>>, vector<1x16xf32>,
        %swap3A_341 = vector.shape_cast %swap3A_340 : vector<1x16xf32> to vector<16xf32>
        %swap3A_342 = vector.shape_cast %get3A_335 : vector<16xf32> to vector<1x16xf32>
        tpu.vector_store %arg8[%swap3A_338, %swap3A_339], %swap3A_342 {add = true, strides = array<i32>} : memref<400x64xf32, #tpu.memory_space<vmem>>, vector<1x16xf32>,
        %add3A_343 = arith.constant 200 : i32
        %add3A_344 = arith.addi %add3A_343, %scan3A_277 : i32
        %swap3A_345 = arith.index_cast %add3A_344 : i32 to index
        %swap3A_346 = arith.constant 48 : index
        %swap3A_347 = tpu.vector_load %arg8[%swap3A_345, %swap3A_346] {strides = array<i32>} : memref<400x64xf32, #tpu.memory_space<vmem>>, vector<1x16xf32>,
        %swap3A_348 = vector.shape_cast %swap3A_347 : vector<1x16xf32> to vector<16xf32>
        %swap3A_349 = vector.shape_cast %get3A_335 : vector<16xf32> to vector<1x16xf32>
        tpu.vector_store %arg8[%swap3A_345, %swap3A_346], %swap3A_349 {add = true, strides = array<i32>} : memref<400x64xf32, #tpu.memory_space<vmem>>, vector<1x16xf32>,
        %scan3A_350 = arith.constant 0 : i32
        %scan3A_351 = arith.constant 2 : i32
        %scan3A_352 = arith.addi %scan3A_203, %scan3A_351 : i32
        %get3A_353 = arith.index_cast %scan3A_352 : i32 to index
        %get3A_354 = arith.constant 0 : index
        %get3A_355 = tpu.vector_load %arg9[%get3A_353, %get3A_354] {strides = array<i32>} : memref<200x64xf32, #tpu.memory_space<vmem>>, vector<1x16xf32>,
        %get3A_356 = vector.shape_cast %get3A_355 : vector<1x16xf32> to vector<16xf32>
        %add3A_357 = arith.constant 0 : i32
        %add3A_358 = arith.addi %add3A_357, %scan3A_352 : i32
        %swap3A_359 = arith.index_cast %add3A_358 : i32 to index
        %swap3A_360 = arith.constant 0 : index
        %swap3A_361 = tpu.vector_load %arg8[%swap3A_359, %swap3A_360] {strides = array<i32>} : memref<400x64xf32, #tpu.memory_space<vmem>>, vector<1x16xf32>,
        %swap3A_362 = vector.shape_cast %swap3A_361 : vector<1x16xf32> to vector<16xf32>
        %swap3A_363 = vector.shape_cast %get3A_356 : vector<16xf32> to vector<1x16xf32>
        tpu.vector_store %arg8[%swap3A_359, %swap3A_360], %swap3A_363 {add = true, strides = array<i32>} : memref<400x64xf32, #tpu.memory_space<vmem>>, vector<1x16xf32>,
        %add3A_364 = arith.constant 200 : i32
        %add3A_365 = arith.addi %add3A_364, %scan3A_352 : i32
        %swap3A_366 = arith.index_cast %add3A_365 : i32 to index
        %swap3A_367 = arith.constant 0 : index
        %swap3A_368 = tpu.vector_load %arg8[%swap3A_366, %swap3A_367] {strides = array<i32>} : memref<400x64xf32, #tpu.memory_space<vmem>>, vector<1x16xf32>,
        %swap3A_369 = vector.shape_cast %swap3A_368 : vector<1x16xf32> to vector<16xf32>
        %swap3A_370 = vector.shape_cast %get3A_356 : vector<16xf32> to vector<1x16xf32>
        tpu.vector_store %arg8[%swap3A_366, %swap3A_367], %swap3A_370 {add = true, strides = array<i32>} : memref<400x64xf32, #tpu.memory_space<vmem>>, vector<1x16xf32>,
        %get3A_371 = arith.index_cast %scan3A_352 : i32 to index
        %get3A_372 = arith.constant 16 : index
        %get3A_373 = tpu.vector_load %arg9[%get3A_371, %get3A_372] {strides = array<i32>} : memref<200x64xf32, #tpu.memory_space<vmem>>, vector<1x16xf32>,
        %get3A_374 = vector.shape_cast %get3A_373 : vector<1x16xf32> to vector<16xf32>
        %add3A_375 = arith.constant 0 : i32
        %add3A_376 = arith.addi %add3A_375, %scan3A_352 : i32
        %swap3A_377 = arith.index_cast %add3A_376 : i32 to index
        %swap3A_378 = arith.constant 16 : index
        %swap3A_379 = tpu.vector_load %arg8[%swap3A_377, %swap3A_378] {strides = array<i32>} : memref<400x64xf32, #tpu.memory_space<vmem>>, vector<1x16xf32>,
        %swap3A_380 = vector.shape_cast %swap3A_379 : vector<1x16xf32> to vector<16xf32>
        %swap3A_381 = vector.shape_cast %get3A_374 : vector<16xf32> to vector<1x16xf32>
        tpu.vector_store %arg8[%swap3A_377, %swap3A_378], %swap3A_381 {add = true, strides = array<i32>} : memref<400x64xf32, #tpu.memory_space<vmem>>, vector<1x16xf32>,
        %add3A_382 = arith.constant 200 : i32
        %add3A_383 = arith.addi %add3A_382, %scan3A_352 : i32
        %swap3A_384 = arith.index_cast %add3A_383 : i32 to index
        %swap3A_385 = arith.constant 16 : index
        %swap3A_386 = tpu.vector_load %arg8[%swap3A_384, %swap3A_385] {strides = array<i32>} : memref<400x64xf32, #tpu.memory_space<vmem>>, vector<1x16xf32>,
        %swap3A_387 = vector.shape_cast %swap3A_386 : vector<1x16xf32> to vector<16xf32>
        %swap3A_388 = vector.shape_cast %get3A_374 : vector<16xf32> to vector<1x16xf32>
        tpu.vector_store %arg8[%swap3A_384, %swap3A_385], %swap3A_388 {add = true, strides = array<i32>} : memref<400x64xf32, #tpu.memory_space<vmem>>, vector<1x16xf32>,
        %get3A_389 = arith.index_cast %scan3A_352 : i32 to index
        %get3A_390 = arith.constant 32 : index
        %get3A_391 = tpu.vector_load %arg9[%get3A_389, %get3A_390] {strides = array<i32>} : memref<200x64xf32, #tpu.memory_space<vmem>>, vector<1x16xf32>,
        %get3A_392 = vector.shape_cast %get3A_391 : vector<1x16xf32> to vector<16xf32>
        %add3A_393 = arith.constant 0 : i32
        %add3A_394 = arith.addi %add3A_393, %scan3A_352 : i32
        %swap3A_395 = arith.index_cast %add3A_394 : i32 to index
        %swap3A_396 = arith.constant 32 : index
        %swap3A_397 = tpu.vector_load %arg8[%swap3A_395, %swap3A_396] {strides = array<i32>} : memref<400x64xf32, #tpu.memory_space<vmem>>, vector<1x16xf32>,
        %swap3A_398 = vector.shape_cast %swap3A_397 : vector<1x16xf32> to vector<16xf32>
        %swap3A_399 = vector.shape_cast %get3A_392 : vector<16xf32> to vector<1x16xf32>
        tpu.vector_store %arg8[%swap3A_395, %swap3A_396], %swap3A_399 {add = true, strides = array<i32>} : memref<400x64xf32, #tpu.memory_space<vmem>>, vector<1x16xf32>,
        %add3A_400 = arith.constant 200 : i32
        %add3A_401 = arith.addi %add3A_400, %scan3A_352 : i32
        %swap3A_402 = arith.index_cast %add3A_401 : i32 to index
        %swap3A_403 = arith.constant 32 : index
        %swap3A_404 = tpu.vector_load %arg8[%swap3A_402, %swap3A_403] {strides = array<i32>} : memref<400x64xf32, #tpu.memory_space<vmem>>, vector<1x16xf32>,
        %swap3A_405 = vector.shape_cast %swap3A_404 : vector<1x16xf32> to vector<16xf32>
        %swap3A_406 = vector.shape_cast %get3A_392 : vector<16xf32> to vector<1x16xf32>
        tpu.vector_store %arg8[%swap3A_402, %swap3A_403], %swap3A_406 {add = true, strides = array<i32>} : memref<400x64xf32, #tpu.memory_space<vmem>>, vector<1x16xf32>,
        %get3A_407 = arith.index_cast %scan3A_352 : i32 to index
        %get3A_408 = arith.constant 48 : index
        %get3A_409 = tpu.vector_load %arg9[%get3A_407, %get3A_408] {strides = array<i32>} : memref<200x64xf32, #tpu.memory_space<vmem>>, vector<1x16xf32>,
        %get3A_410 = vector.shape_cast %get3A_409 : vector<1x16xf32> to vector<16xf32>
        %add3A_411 = arith.constant 0 : i32
        %add3A_412 = arith.addi %add3A_411, %scan3A_352 : i32
        %swap3A_413 = arith.index_cast %add3A_412 : i32 to index
        %swap3A_414 = arith.constant 48 : index
        %swap3A_415 = tpu.vector_load %arg8[%swap3A_413, %swap3A_414] {strides = array<i32>} : memref<400x64xf32, #tpu.memory_space<vmem>>, vector<1x16xf32>,
        %swap3A_416 = vector.shape_cast %swap3A_415 : vector<1x16xf32> to vector<16xf32>
        %swap3A_417 = vector.shape_cast %get3A_410 : vector<16xf32> to vector<1x16xf32>
        tpu.vector_store %arg8[%swap3A_413, %swap3A_414], %swap3A_417 {add = true, strides = array<i32>} : memref<400x64xf32, #tpu.memory_space<vmem>>, vector<1x16xf32>,
        %add3A_418 = arith.constant 200 : i32
        %add3A_419 = arith.addi %add3A_418, %scan3A_352 : i32
        %swap3A_420 = arith.index_cast %add3A_419 : i32 to index
        %swap3A_421 = arith.constant 48 : index
        %swap3A_422 = tpu.vector_load %arg8[%swap3A_420, %swap3A_421] {strides = array<i32>} : memref<400x64xf32, #tpu.memory_space<vmem>>, vector<1x16xf32>,
        %swap3A_423 = vector.shape_cast %swap3A_422 : vector<1x16xf32> to vector<16xf32>
        %swap3A_424 = vector.shape_cast %get3A_410 : vector<16xf32> to vector<1x16xf32>
        tpu.vector_store %arg8[%swap3A_420, %swap3A_421], %swap3A_424 {add = true, strides = array<i32>} : memref<400x64xf32, #tpu.memory_space<vmem>>, vector<1x16xf32>,
        %scan3A_425 = arith.constant 0 : i32
        %scan3A_426 = arith.constant 3 : i32
        %scan3A_427 = arith.addi %scan3A_203, %scan3A_426 : i32
        %get3A_428 = arith.index_cast %scan3A_427 : i32 to index
        %get3A_429 = arith.constant 0 : index
        %get3A_430 = tpu.vector_load %arg9[%get3A_428, %get3A_429] {strides = array<i32>} : memref<200x64xf32, #tpu.memory_space<vmem>>, vector<1x16xf32>,
        %get3A_431 = vector.shape_cast %get3A_430 : vector<1x16xf32> to vector<16xf32>
        %add3A_432 = arith.constant 0 : i32
        %add3A_433 = arith.addi %add3A_432, %scan3A_427 : i32
        %swap3A_434 = arith.index_cast %add3A_433 : i32 to index
        %swap3A_435 = arith.constant 0 : index
        %swap3A_436 = tpu.vector_load %arg8[%swap3A_434, %swap3A_435] {strides = array<i32>} : memref<400x64xf32, #tpu.memory_space<vmem>>, vector<1x16xf32>,
        %swap3A_437 = vector.shape_cast %swap3A_436 : vector<1x16xf32> to vector<16xf32>
        %swap3A_438 = vector.shape_cast %get3A_431 : vector<16xf32> to vector<1x16xf32>
        tpu.vector_store %arg8[%swap3A_434, %swap3A_435], %swap3A_438 {add = true, strides = array<i32>} : memref<400x64xf32, #tpu.memory_space<vmem>>, vector<1x16xf32>,
        %add3A_439 = arith.constant 200 : i32
        %add3A_440 = arith.addi %add3A_439, %scan3A_427 : i32
        %swap3A_441 = arith.index_cast %add3A_440 : i32 to index
        %swap3A_442 = arith.constant 0 : index
        %swap3A_443 = tpu.vector_load %arg8[%swap3A_441, %swap3A_442] {strides = array<i32>} : memref<400x64xf32, #tpu.memory_space<vmem>>, vector<1x16xf32>,
        %swap3A_444 = vector.shape_cast %swap3A_443 : vector<1x16xf32> to vector<16xf32>
        %swap3A_445 = vector.shape_cast %get3A_431 : vector<16xf32> to vector<1x16xf32>
        tpu.vector_store %arg8[%swap3A_441, %swap3A_442], %swap3A_445 {add = true, strides = array<i32>} : memref<400x64xf32, #tpu.memory_space<vmem>>, vector<1x16xf32>,
        %get3A_446 = arith.index_cast %scan3A_427 : i32 to index
        %get3A_447 = arith.constant 16 : index
        %get3A_448 = tpu.vector_load %arg9[%get3A_446, %get3A_447] {strides = array<i32>} : memref<200x64xf32, #tpu.memory_space<vmem>>, vector<1x16xf32>,
        %get3A_449 = vector.shape_cast %get3A_448 : vector<1x16xf32> to vector<16xf32>
        %add3A_450 = arith.constant 0 : i32
        %add3A_451 = arith.addi %add3A_450, %scan3A_427 : i32
        %swap3A_452 = arith.index_cast %add3A_451 : i32 to index
        %swap3A_453 = arith.constant 16 : index
        %swap3A_454 = tpu.vector_load %arg8[%swap3A_452, %swap3A_453] {strides = array<i32>} : memref<400x64xf32, #tpu.memory_space<vmem>>, vector<1x16xf32>,
        %swap3A_455 = vector.shape_cast %swap3A_454 : vector<1x16xf32> to vector<16xf32>
        %swap3A_456 = vector.shape_cast %get3A_449 : vector<16xf32> to vector<1x16xf32>
        tpu.vector_store %arg8[%swap3A_452, %swap3A_453], %swap3A_456 {add = true, strides = array<i32>} : memref<400x64xf32, #tpu.memory_space<vmem>>, vector<1x16xf32>,
        %add3A_457 = arith.constant 200 : i32
        %add3A_458 = arith.addi %add3A_457, %scan3A_427 : i32
        %swap3A_459 = arith.index_cast %add3A_458 : i32 to index
        %swap3A_460 = arith.constant 16 : index
        %swap3A_461 = tpu.vector_load %arg8[%swap3A_459, %swap3A_460] {strides = array<i32>} : memref<400x64xf32, #tpu.memory_space<vmem>>, vector<1x16xf32>,
        %swap3A_462 = vector.shape_cast %swap3A_461 : vector<1x16xf32> to vector<16xf32>
        %swap3A_463 = vector.shape_cast %get3A_449 : vector<16xf32> to vector<1x16xf32>
        tpu.vector_store %arg8[%swap3A_459, %swap3A_460], %swap3A_463 {add = true, strides = array<i32>} : memref<400x64xf32, #tpu.memory_space<vmem>>, vector<1x16xf32>,
        %get3A_464 = arith.index_cast %scan3A_427 : i32 to index
        %get3A_465 = arith.constant 32 : index
        %get3A_466 = tpu.vector_load %arg9[%get3A_464, %get3A_465] {strides = array<i32>} : memref<200x64xf32, #tpu.memory_space<vmem>>, vector<1x16xf32>,
        %get3A_467 = vector.shape_cast %get3A_466 : vector<1x16xf32> to vector<16xf32>
        %add3A_468 = arith.constant 0 : i32
        %add3A_469 = arith.addi %add3A_468, %scan3A_427 : i32
        %swap3A_470 = arith.index_cast %add3A_469 : i32 to index
        %swap3A_471 = arith.constant 32 : index
        %swap3A_472 = tpu.vector_load %arg8[%swap3A_470, %swap3A_471] {strides = array<i32>} : memref<400x64xf32, #tpu.memory_space<vmem>>, vector<1x16xf32>,
        %swap3A_473 = vector.shape_cast %swap3A_472 : vector<1x16xf32> to vector<16xf32>
        %swap3A_474 = vector.shape_cast %get3A_467 : vector<16xf32> to vector<1x16xf32>
        tpu.vector_store %arg8[%swap3A_470, %swap3A_471], %swap3A_474 {add = true, strides = array<i32>} : memref<400x64xf32, #tpu.memory_space<vmem>>, vector<1x16xf32>,
        %add3A_475 = arith.constant 200 : i32
        %add3A_476 = arith.addi %add3A_475, %scan3A_427 : i32
        %swap3A_477 = arith.index_cast %add3A_476 : i32 to index
        %swap3A_478 = arith.constant 32 : index
        %swap3A_479 = tpu.vector_load %arg8[%swap3A_477, %swap3A_478] {strides = array<i32>} : memref<400x64xf32, #tpu.memory_space<vmem>>, vector<1x16xf32>,
        %swap3A_480 = vector.shape_cast %swap3A_479 : vector<1x16xf32> to vector<16xf32>
        %swap3A_481 = vector.shape_cast %get3A_467 : vector<16xf32> to vector<1x16xf32>
        tpu.vector_store %arg8[%swap3A_477, %swap3A_478], %swap3A_481 {add = true, strides = array<i32>} : memref<400x64xf32, #tpu.memory_space<vmem>>, vector<1x16xf32>,
        %get3A_482 = arith.index_cast %scan3A_427 : i32 to index
        %get3A_483 = arith.constant 48 : index
        %get3A_484 = tpu.vector_load %arg9[%get3A_482, %get3A_483] {strides = array<i32>} : memref<200x64xf32, #tpu.memory_space<vmem>>, vector<1x16xf32>,
        %get3A_485 = vector.shape_cast %get3A_484 : vector<1x16xf32> to vector<16xf32>
        %add3A_486 = arith.constant 0 : i32
        %add3A_487 = arith.addi %add3A_486, %scan3A_427 : i32
        %swap3A_488 = arith.index_cast %add3A_487 : i32 to index
        %swap3A_489 = arith.constant 48 : index
        %swap3A_490 = tpu.vector_load %arg8[%swap3A_488, %swap3A_489] {strides = array<i32>} : memref<400x64xf32, #tpu.memory_space<vmem>>, vector<1x16xf32>,
        %swap3A_491 = vector.shape_cast %swap3A_490 : vector<1x16xf32> to vector<16xf32>
        %swap3A_492 = vector.shape_cast %get3A_485 : vector<16xf32> to vector<1x16xf32>
        tpu.vector_store %arg8[%swap3A_488, %swap3A_489], %swap3A_492 {add = true, strides = array<i32>} : memref<400x64xf32, #tpu.memory_space<vmem>>, vector<1x16xf32>,
        %add3A_493 = arith.constant 200 : i32
        %add3A_494 = arith.addi %add3A_493, %scan3A_427 : i32
        %swap3A_495 = arith.index_cast %add3A_494 : i32 to index
        %swap3A_496 = arith.constant 48 : index
        %swap3A_497 = tpu.vector_load %arg8[%swap3A_495, %swap3A_496] {strides = array<i32>} : memref<400x64xf32, #tpu.memory_space<vmem>>, vector<1x16xf32>,
        %swap3A_498 = vector.shape_cast %swap3A_497 : vector<1x16xf32> to vector<16xf32>
        %swap3A_499 = vector.shape_cast %get3A_485 : vector<16xf32> to vector<1x16xf32>
        tpu.vector_store %arg8[%swap3A_495, %swap3A_496], %swap3A_499 {add = true, strides = array<i32>} : memref<400x64xf32, #tpu.memory_space<vmem>>, vector<1x16xf32>,
        %scan3A_500 = arith.constant 0 : i32
        scf.yield %scan3A_500 : i32
      }
      %scan3A_194 = arith.constant 200 : i32
      %mul3A_195 = arith.constant 400 : i32
      %mul3A_196 = arith.muli %add3A_164, %mul3A_195 : i32
      %add3A_197 = arith.addi %mul3A_2, %mul3A_196 : i32
      %dma_start3A_198 = arith.constant 0 : i32
      %dma_start3A_199 = tpu.memref_slice %arg5[%add3A_197, %dma_start3A_198] : memref<819200x64xf32, #tpu.memory_space<hbm>> -> memref<400x64xf32, #tpu.memory_space<hbm>>
      %dma_start3A_200 = arith.constant 0 : i32
      %dma_start3A_201 = tpu.memref_slice %arg5[%add3A_197, %dma_start3A_200] : memref<819200x64xf32, #tpu.memory_space<hbm>> -> memref<400x64xf32, #tpu.memory_space<hbm>>
      tpu.enqueue_dma source(%arg8 : memref<400x64xf32, #tpu.memory_space<vmem>>) target(%dma_start3A_201 : memref<400x64xf32, #tpu.memory_space<hbm>>) target_semaphore(%arg13 : memref<!tpu.dma_semaphore, #tpu.memory_space<semaphore_mem>>)
      %scan3A_202 = arith.constant 0 : i32
      scf.yield %scan3A_202 : i32
    }
    %scan3A_63 = arith.constant 30 : i32
    %add3A_64 = arith.constant 24400 : i32
    %add3A_65 = arith.addi %mul3A_2, %add3A_64 : i32
    %dma_wait3A_66 = arith.constant 0 : i32
    %dma_wait3A_67 = tpu.memref_slice %arg5[%add3A_65, %dma_wait3A_66] : memref<819200x64xf32, #tpu.memory_space<hbm>> -> memref<400x64xf32, #tpu.memory_space<hbm>>
    %dma_wait3A_68 = arith.constant 0 : i32
    %dma_wait3A_69 = tpu.memref_slice %arg5[%add3A_65, %dma_wait3A_68] : memref<819200x64xf32, #tpu.memory_space<hbm>> -> memref<400x64xf32, #tpu.memory_space<hbm>>
    tpu.wait_dma2 semaphore(%arg13 : memref<!tpu.dma_semaphore, #tpu.memory_space<semaphore_mem>>) src(%arg8 : memref<400x64xf32, #tpu.memory_space<vmem>>) dst(%dma_wait3A_69 : memref<400x64xf32, #tpu.memory_space<hbm>>)
    %dma_start3A_70 = arith.constant 25200 : i32
    %dma_start3A_71 = tpu.memref_slice %arg6[%dma_start3A_70] : memref<25600xi32, #tpu.memory_space<vmem>> -> memref<400xi32, #tpu.memory_space<vmem>>
    %dma_start3A_72 = arith.constant 0 : i32
    %dma_start3A_73 = arith.constant 0 : i32
    %dma_start3A_74 = tpu.memref_slice %arg3[%dma_start3A_72, %dma_start3A_73] : memref<1000000x64xf32, #tpu.memory_space<hbm>> -> memref<1000000x64xf32, #tpu.memory_space<hbm>>
    tpu.enqueue_indirect_dma source(%dma_start3A_74 : memref<1000000x64xf32, #tpu.memory_space<hbm>>) target(%arg8 : memref<400x64xf32, #tpu.memory_space<vmem>>) offsets(%dma_start3A_71 : memref<400xi32, #tpu.memory_space<vmem>>) semaphore(%arg11 : memref<!tpu.dma_semaphore, #tpu.memory_space<semaphore_mem>>)
    %dma_wait3A_75 = arith.constant 24800 : i32
    %dma_wait3A_76 = tpu.memref_slice %arg6[%dma_wait3A_75] : memref<25600xi32, #tpu.memory_space<vmem>> -> memref<400xi32, #tpu.memory_space<vmem>>
    %dma_wait3A_77 = arith.constant 0 : i32
    %dma_wait3A_78 = arith.constant 0 : i32
    %dma_wait3A_79 = tpu.memref_slice %arg3[%dma_wait3A_77, %dma_wait3A_78] : memref<1000000x64xf32, #tpu.memory_space<hbm>> -> memref<1000000x64xf32, #tpu.memory_space<hbm>>
    tpu.wait_indirect_dma semaphore(%arg10 : memref<!tpu.dma_semaphore, #tpu.memory_space<semaphore_mem>>) src(%dma_wait3A_79 : memref<1000000x64xf32, #tpu.memory_space<hbm>>) dst(%arg7 : memref<400x64xf32, #tpu.memory_space<vmem>>)
    %scan3A_80 = arith.constant 0 : i32
    %scan3A_81 = arith.constant 0 : i32
    %scan3A_82 = arith.constant 200 : i32
    %scan3A_83 = arith.addi %scan3A_81, %scan3A_82 : i32
    %scan3A_84 = arith.constant 4 : i32
    %scan3A_85 = scf.for %scan3A_123 = %scan3A_81 to %scan3A_83 step %scan3A_84 iter_args(%scan3A_124 = %scan3A_80) -> (i32)  : i32 {
      %get3A = arith.index_cast %scan3A_123 : i32 to index
      %get3A_125 = arith.constant 0 : index
      %get3A_126 = tpu.vector_load %arg9[%get3A, %get3A_125] {strides = array<i32>} : memref<200x64xf32, #tpu.memory_space<vmem>>, vector<1x16xf32>,
      %get3A_127 = vector.shape_cast %get3A_126 : vector<1x16xf32> to vector<16xf32>
      %add3A_128 = arith.constant 0 : i32
      %add3A_129 = arith.addi %add3A_128, %scan3A_123 : i32
      %swap3A = arith.index_cast %add3A_129 : i32 to index
      %swap3A_130 = arith.constant 0 : index
      %swap3A_131 = tpu.vector_load %arg7[%swap3A, %swap3A_130] {strides = array<i32>} : memref<400x64xf32, #tpu.memory_space<vmem>>, vector<1x16xf32>,
      %swap3A_132 = vector.shape_cast %swap3A_131 : vector<1x16xf32> to vector<16xf32>
      %swap3A_133 = vector.shape_cast %get3A_127 : vector<16xf32> to vector<1x16xf32>
      tpu.vector_store %arg7[%swap3A, %swap3A_130], %swap3A_133 {add = true, strides = array<i32>} : memref<400x64xf32, #tpu.memory_space<vmem>>, vector<1x16xf32>,
      %add3A_134 = arith.constant 200 : i32
      %add3A_135 = arith.addi %add3A_134, %scan3A_123 : i32
      %swap3A_136 = arith.index_cast %add3A_135 : i32 to index
      %swap3A_137 = arith.constant 0 : index
      %swap3A_138 = tpu.vector_load %arg7[%swap3A_136, %swap3A_137] {strides = array<i32>} : memref<400x64xf32, #tpu.memory_space<vmem>>, vector<1x16xf32>,
      %swap3A_139 = vector.shape_cast %swap3A_138 : vector<1x16xf32> to vector<16xf32>
      %swap3A_140 = vector.shape_cast %get3A_127 : vector<16xf32> to vector<1x16xf32>
      tpu.vector_store %arg7[%swap3A_136, %swap3A_137], %swap3A_140 {add = true, strides = array<i32>} : memref<400x64xf32, #tpu.memory_space<vmem>>, vector<1x16xf32>,
      %get3A_141 = arith.index_cast %scan3A_123 : i32 to index
      %get3A_142 = arith.constant 16 : index
      %get3A_143 = tpu.vector_load %arg9[%get3A_141, %get3A_142] {strides = array<i32>} : memref<200x64xf32, #tpu.memory_space<vmem>>, vector<1x16xf32>,
      %get3A_144 = vector.shape_cast %get3A_143 : vector<1x16xf32> to vector<16xf32>
      %add3A_145 = arith.constant 0 : i32
      %add3A_146 = arith.addi %add3A_145, %scan3A_123 : i32
      %swap3A_147 = arith.index_cast %add3A_146 : i32 to index
      %swap3A_148 = arith.constant 16 : index
      %swap3A_149 = tpu.vector_load %arg7[%swap3A_147, %swap3A_148] {strides = array<i32>} : memref<400x64xf32, #tpu.memory_space<vmem>>, vector<1x16xf32>,
      %swap3A_150 = vector.shape_cast %swap3A_149 : vector<1x16xf32> to vector<16xf32>
      %swap3A_151 = vector.shape_cast %get3A_144 : vector<16xf32> to vector<1x16xf32>
      tpu.vector_store %arg7[%swap3A_147, %swap3A_148], %swap3A_151 {add = true, strides = array<i32>} : memref<400x64xf32, #tpu.memory_space<vmem>>, vector<1x16xf32>,
      %add3A_152 = arith.constant 200 : i32
      %add3A_153 = arith.addi %add3A_152, %scan3A_123 : i32
      %swap3A_154 = arith.index_cast %add3A_153 : i32 to index
      %swap3A_155 = arith.constant 16 : index
      %swap3A_156 = tpu.vector_load %arg7[%swap3A_154, %swap3A_155] {strides = array<i32>} : memref<400x64xf32, #tpu.memory_space<vmem>>, vector<1x16xf32>,
      %swap3A_157 = vector.shape_cast %swap3A_156 : vector<1x16xf32> to vector<16xf32>
      %swap3A_158 = vector.shape_cast %get3A_144 : vector<16xf32> to vector<1x16xf32>
      tpu.vector_store %arg7[%swap3A_154, %swap3A_155], %swap3A_158 {add = true, strides = array<i32>} : memref<400x64xf32, #tpu.memory_space<vmem>>, vector<1x16xf32>,
      %get3A_159 = arith.index_cast %scan3A_123 : i32 to index
      %get3A_160 = arith.constant 32 : index
      %get3A_161 = tpu.vector_load %arg9[%get3A_159, %get3A_160] {strides = array<i32>} : memref<200x64xf32, #tpu.memory_space<vmem>>, vector<1x16xf32>,
      %get3A_162 = vector.shape_cast %get3A_161 : vector<1x16xf32> to vector<16xf32>
      %add3A_163 = arith.constant 0 : i32
      %add3A_164 = arith.addi %add3A_163, %scan3A_123 : i32
      %swap3A_165 = arith.index_cast %add3A_164 : i32 to index
      %swap3A_166 = arith.constant 32 : index
      %swap3A_167 = tpu.vector_load %arg7[%swap3A_165, %swap3A_166] {strides = array<i32>} : memref<400x64xf32, #tpu.memory_space<vmem>>, vector<1x16xf32>,
      %swap3A_168 = vector.shape_cast %swap3A_167 : vector<1x16xf32> to vector<16xf32>
      %swap3A_169 = vector.shape_cast %get3A_162 : vector<16xf32> to vector<1x16xf32>
      tpu.vector_store %arg7[%swap3A_165, %swap3A_166], %swap3A_169 {add = true, strides = array<i32>} : memref<400x64xf32, #tpu.memory_space<vmem>>, vector<1x16xf32>,
      %add3A_170 = arith.constant 200 : i32
      %add3A_171 = arith.addi %add3A_170, %scan3A_123 : i32
      %swap3A_172 = arith.index_cast %add3A_171 : i32 to index
      %swap3A_173 = arith.constant 32 : index
      %swap3A_174 = tpu.vector_load %arg7[%swap3A_172, %swap3A_173] {strides = array<i32>} : memref<400x64xf32, #tpu.memory_space<vmem>>, vector<1x16xf32>,
      %swap3A_175 = vector.shape_cast %swap3A_174 : vector<1x16xf32> to vector<16xf32>
      %swap3A_176 = vector.shape_cast %get3A_162 : vector<16xf32> to vector<1x16xf32>
      tpu.vector_store %arg7[%swap3A_172, %swap3A_173], %swap3A_176 {add = true, strides = array<i32>} : memref<400x64xf32, #tpu.memory_space<vmem>>, vector<1x16xf32>,
      %get3A_177 = arith.index_cast %scan3A_123 : i32 to index
      %get3A_178 = arith.constant 48 : index
      %get3A_179 = tpu.vector_load %arg9[%get3A_177, %get3A_178] {strides = array<i32>} : memref<200x64xf32, #tpu.memory_space<vmem>>, vector<1x16xf32>,
      %get3A_180 = vector.shape_cast %get3A_179 : vector<1x16xf32> to vector<16xf32>
      %add3A_181 = arith.constant 0 : i32
      %add3A_182 = arith.addi %add3A_181, %scan3A_123 : i32
      %swap3A_183 = arith.index_cast %add3A_182 : i32 to index
      %swap3A_184 = arith.constant 48 : index
      %swap3A_185 = tpu.vector_load %arg7[%swap3A_183, %swap3A_184] {strides = array<i32>} : memref<400x64xf32, #tpu.memory_space<vmem>>, vector<1x16xf32>,
      %swap3A_186 = vector.shape_cast %swap3A_185 : vector<1x16xf32> to vector<16xf32>
      %swap3A_187 = vector.shape_cast %get3A_180 : vector<16xf32> to vector<1x16xf32>
      tpu.vector_store %arg7[%swap3A_183, %swap3A_184], %swap3A_187 {add = true, strides = array<i32>} : memref<400x64xf32, #tpu.memory_space<vmem>>, vector<1x16xf32>,
      %add3A_188 = arith.constant 200 : i32
      %add3A_189 = arith.addi %add3A_188, %scan3A_123 : i32
      %swap3A_190 = arith.index_cast %add3A_189 : i32 to index
      %swap3A_191 = arith.constant 48 : index
      %swap3A_192 = tpu.vector_load %arg7[%swap3A_190, %swap3A_191] {strides = array<i32>} : memref<400x64xf32, #tpu.memory_space<vmem>>, vector<1x16xf32>,
      %swap3A_193 = vector.shape_cast %swap3A_192 : vector<1x16xf32> to vector<16xf32>
      %swap3A_194 = vector.shape_cast %get3A_180 : vector<16xf32> to vector<1x16xf32>
      tpu.vector_store %arg7[%swap3A_190, %swap3A_191], %swap3A_194 {add = true, strides = array<i32>} : memref<400x64xf32, #tpu.memory_space<vmem>>, vector<1x16xf32>,
      %scan3A_195 = arith.constant 0 : i32
      %scan3A_196 = arith.constant 1 : i32
      %scan3A_197 = arith.addi %scan3A_123, %scan3A_196 : i32
      %get3A_198 = arith.index_cast %scan3A_197 : i32 to index
      %get3A_199 = arith.constant 0 : index
      %get3A_200 = tpu.vector_load %arg9[%get3A_198, %get3A_199] {strides = array<i32>} : memref<200x64xf32, #tpu.memory_space<vmem>>, vector<1x16xf32>,
      %get3A_201 = vector.shape_cast %get3A_200 : vector<1x16xf32> to vector<16xf32>
      %add3A_202 = arith.constant 0 : i32
      %add3A_203 = arith.addi %add3A_202, %scan3A_197 : i32
      %swap3A_204 = arith.index_cast %add3A_203 : i32 to index
      %swap3A_205 = arith.constant 0 : index
      %swap3A_206 = tpu.vector_load %arg7[%swap3A_204, %swap3A_205] {strides = array<i32>} : memref<400x64xf32, #tpu.memory_space<vmem>>, vector<1x16xf32>,
      %swap3A_207 = vector.shape_cast %swap3A_206 : vector<1x16xf32> to vector<16xf32>
      %swap3A_208 = vector.shape_cast %get3A_201 : vector<16xf32> to vector<1x16xf32>
      tpu.vector_store %arg7[%swap3A_204, %swap3A_205], %swap3A_208 {add = true, strides = array<i32>} : memref<400x64xf32, #tpu.memory_space<vmem>>, vector<1x16xf32>,
      %add3A_209 = arith.constant 200 : i32
      %add3A_210 = arith.addi %add3A_209, %scan3A_197 : i32
      %swap3A_211 = arith.index_cast %add3A_210 : i32 to index
      %swap3A_212 = arith.constant 0 : index
      %swap3A_213 = tpu.vector_load %arg7[%swap3A_211, %swap3A_212] {strides = array<i32>} : memref<400x64xf32, #tpu.memory_space<vmem>>, vector<1x16xf32>,
      %swap3A_214 = vector.shape_cast %swap3A_213 : vector<1x16xf32> to vector<16xf32>
      %swap3A_215 = vector.shape_cast %get3A_201 : vector<16xf32> to vector<1x16xf32>
      tpu.vector_store %arg7[%swap3A_211, %swap3A_212], %swap3A_215 {add = true, strides = array<i32>} : memref<400x64xf32, #tpu.memory_space<vmem>>, vector<1x16xf32>,
      %get3A_216 = arith.index_cast %scan3A_197 : i32 to index
      %get3A_217 = arith.constant 16 : index
      %get3A_218 = tpu.vector_load %arg9[%get3A_216, %get3A_217] {strides = array<i32>} : memref<200x64xf32, #tpu.memory_space<vmem>>, vector<1x16xf32>,
      %get3A_219 = vector.shape_cast %get3A_218 : vector<1x16xf32> to vector<16xf32>
      %add3A_220 = arith.constant 0 : i32
      %add3A_221 = arith.addi %add3A_220, %scan3A_197 : i32
      %swap3A_222 = arith.index_cast %add3A_221 : i32 to index
      %swap3A_223 = arith.constant 16 : index
      %swap3A_224 = tpu.vector_load %arg7[%swap3A_222, %swap3A_223] {strides = array<i32>} : memref<400x64xf32, #tpu.memory_space<vmem>>, vector<1x16xf32>,
      %swap3A_225 = vector.shape_cast %swap3A_224 : vector<1x16xf32> to vector<16xf32>
      %swap3A_226 = vector.shape_cast %get3A_219 : vector<16xf32> to vector<1x16xf32>
      tpu.vector_store %arg7[%swap3A_222, %swap3A_223], %swap3A_226 {add = true, strides = array<i32>} : memref<400x64xf32, #tpu.memory_space<vmem>>, vector<1x16xf32>,
      %add3A_227 = arith.constant 200 : i32
      %add3A_228 = arith.addi %add3A_227, %scan3A_197 : i32
      %swap3A_229 = arith.index_cast %add3A_228 : i32 to index
      %swap3A_230 = arith.constant 16 : index
      %swap3A_231 = tpu.vector_load %arg7[%swap3A_229, %swap3A_230] {strides = array<i32>} : memref<400x64xf32, #tpu.memory_space<vmem>>, vector<1x16xf32>,
      %swap3A_232 = vector.shape_cast %swap3A_231 : vector<1x16xf32> to vector<16xf32>
      %swap3A_233 = vector.shape_cast %get3A_219 : vector<16xf32> to vector<1x16xf32>
      tpu.vector_store %arg7[%swap3A_229, %swap3A_230], %swap3A_233 {add = true, strides = array<i32>} : memref<400x64xf32, #tpu.memory_space<vmem>>, vector<1x16xf32>,
      %get3A_234 = arith.index_cast %scan3A_197 : i32 to index
      %get3A_235 = arith.constant 32 : index
      %get3A_236 = tpu.vector_load %arg9[%get3A_234, %get3A_235] {strides = array<i32>} : memref<200x64xf32, #tpu.memory_space<vmem>>, vector<1x16xf32>,
      %get3A_237 = vector.shape_cast %get3A_236 : vector<1x16xf32> to vector<16xf32>
      %add3A_238 = arith.constant 0 : i32
      %add3A_239 = arith.addi %add3A_238, %scan3A_197 : i32
      %swap3A_240 = arith.index_cast %add3A_239 : i32 to index
      %swap3A_241 = arith.constant 32 : index
      %swap3A_242 = tpu.vector_load %arg7[%swap3A_240, %swap3A_241] {strides = array<i32>} : memref<400x64xf32, #tpu.memory_space<vmem>>, vector<1x16xf32>,
      %swap3A_243 = vector.shape_cast %swap3A_242 : vector<1x16xf32> to vector<16xf32>
      %swap3A_244 = vector.shape_cast %get3A_237 : vector<16xf32> to vector<1x16xf32>
      tpu.vector_store %arg7[%swap3A_240, %swap3A_241], %swap3A_244 {add = true, strides = array<i32>} : memref<400x64xf32, #tpu.memory_space<vmem>>, vector<1x16xf32>,
      %add3A_245 = arith.constant 200 : i32
      %add3A_246 = arith.addi %add3A_245, %scan3A_197 : i32
      %swap3A_247 = arith.index_cast %add3A_246 : i32 to index
      %swap3A_248 = arith.constant 32 : index
      %swap3A_249 = tpu.vector_load %arg7[%swap3A_247, %swap3A_248] {strides = array<i32>} : memref<400x64xf32, #tpu.memory_space<vmem>>, vector<1x16xf32>,
      %swap3A_250 = vector.shape_cast %swap3A_249 : vector<1x16xf32> to vector<16xf32>
      %swap3A_251 = vector.shape_cast %get3A_237 : vector<16xf32> to vector<1x16xf32>
      tpu.vector_store %arg7[%swap3A_247, %swap3A_248], %swap3A_251 {add = true, strides = array<i32>} : memref<400x64xf32, #tpu.memory_space<vmem>>, vector<1x16xf32>,
      %get3A_252 = arith.index_cast %scan3A_197 : i32 to index
      %get3A_253 = arith.constant 48 : index
      %get3A_254 = tpu.vector_load %arg9[%get3A_252, %get3A_253] {strides = array<i32>} : memref<200x64xf32, #tpu.memory_space<vmem>>, vector<1x16xf32>,
      %get3A_255 = vector.shape_cast %get3A_254 : vector<1x16xf32> to vector<16xf32>
      %add3A_256 = arith.constant 0 : i32
      %add3A_257 = arith.addi %add3A_256, %scan3A_197 : i32
      %swap3A_258 = arith.index_cast %add3A_257 : i32 to index
      %swap3A_259 = arith.constant 48 : index
      %swap3A_260 = tpu.vector_load %arg7[%swap3A_258, %swap3A_259] {strides = array<i32>} : memref<400x64xf32, #tpu.memory_space<vmem>>, vector<1x16xf32>,
      %swap3A_261 = vector.shape_cast %swap3A_260 : vector<1x16xf32> to vector<16xf32>
      %swap3A_262 = vector.shape_cast %get3A_255 : vector<16xf32> to vector<1x16xf32>
      tpu.vector_store %arg7[%swap3A_258, %swap3A_259], %swap3A_262 {add = true, strides = array<i32>} : memref<400x64xf32, #tpu.memory_space<vmem>>, vector<1x16xf32>,
      %add3A_263 = arith.constant 200 : i32
      %add3A_264 = arith.addi %add3A_263, %scan3A_197 : i32
      %swap3A_265 = arith.index_cast %add3A_264 : i32 to index
      %swap3A_266 = arith.constant 48 : index
      %swap3A_267 = tpu.vector_load %arg7[%swap3A_265, %swap3A_266] {strides = array<i32>} : memref<400x64xf32, #tpu.memory_space<vmem>>, vector<1x16xf32>,
      %swap3A_268 = vector.shape_cast %swap3A_267 : vector<1x16xf32> to vector<16xf32>
      %swap3A_269 = vector.shape_cast %get3A_255 : vector<16xf32> to vector<1x16xf32>
      tpu.vector_store %arg7[%swap3A_265, %swap3A_266], %swap3A_269 {add = true, strides = array<i32>} : memref<400x64xf32, #tpu.memory_space<vmem>>, vector<1x16xf32>,
      %scan3A_270 = arith.constant 0 : i32
      %scan3A_271 = arith.constant 2 : i32
      %scan3A_272 = arith.addi %scan3A_123, %scan3A_271 : i32
      %get3A_273 = arith.index_cast %scan3A_272 : i32 to index
      %get3A_274 = arith.constant 0 : index
      %get3A_275 = tpu.vector_load %arg9[%get3A_273, %get3A_274] {strides = array<i32>} : memref<200x64xf32, #tpu.memory_space<vmem>>, vector<1x16xf32>,
      %get3A_276 = vector.shape_cast %get3A_275 : vector<1x16xf32> to vector<16xf32>
      %add3A_277 = arith.constant 0 : i32
      %add3A_278 = arith.addi %add3A_277, %scan3A_272 : i32
      %swap3A_279 = arith.index_cast %add3A_278 : i32 to index
      %swap3A_280 = arith.constant 0 : index
      %swap3A_281 = tpu.vector_load %arg7[%swap3A_279, %swap3A_280] {strides = array<i32>} : memref<400x64xf32, #tpu.memory_space<vmem>>, vector<1x16xf32>,
      %swap3A_282 = vector.shape_cast %swap3A_281 : vector<1x16xf32> to vector<16xf32>
      %swap3A_283 = vector.shape_cast %get3A_276 : vector<16xf32> to vector<1x16xf32>
      tpu.vector_store %arg7[%swap3A_279, %swap3A_280], %swap3A_283 {add = true, strides = array<i32>} : memref<400x64xf32, #tpu.memory_space<vmem>>, vector<1x16xf32>,
      %add3A_284 = arith.constant 200 : i32
      %add3A_285 = arith.addi %add3A_284, %scan3A_272 : i32
      %swap3A_286 = arith.index_cast %add3A_285 : i32 to index
      %swap3A_287 = arith.constant 0 : index
      %swap3A_288 = tpu.vector_load %arg7[%swap3A_286, %swap3A_287] {strides = array<i32>} : memref<400x64xf32, #tpu.memory_space<vmem>>, vector<1x16xf32>,
      %swap3A_289 = vector.shape_cast %swap3A_288 : vector<1x16xf32> to vector<16xf32>
      %swap3A_290 = vector.shape_cast %get3A_276 : vector<16xf32> to vector<1x16xf32>
      tpu.vector_store %arg7[%swap3A_286, %swap3A_287], %swap3A_290 {add = true, strides = array<i32>} : memref<400x64xf32, #tpu.memory_space<vmem>>, vector<1x16xf32>,
      %get3A_291 = arith.index_cast %scan3A_272 : i32 to index
      %get3A_292 = arith.constant 16 : index
      %get3A_293 = tpu.vector_load %arg9[%get3A_291, %get3A_292] {strides = array<i32>} : memref<200x64xf32, #tpu.memory_space<vmem>>, vector<1x16xf32>,
      %get3A_294 = vector.shape_cast %get3A_293 : vector<1x16xf32> to vector<16xf32>
      %add3A_295 = arith.constant 0 : i32
      %add3A_296 = arith.addi %add3A_295, %scan3A_272 : i32
      %swap3A_297 = arith.index_cast %add3A_296 : i32 to index
      %swap3A_298 = arith.constant 16 : index
      %swap3A_299 = tpu.vector_load %arg7[%swap3A_297, %swap3A_298] {strides = array<i32>} : memref<400x64xf32, #tpu.memory_space<vmem>>, vector<1x16xf32>,
      %swap3A_300 = vector.shape_cast %swap3A_299 : vector<1x16xf32> to vector<16xf32>
      %swap3A_301 = vector.shape_cast %get3A_294 : vector<16xf32> to vector<1x16xf32>
      tpu.vector_store %arg7[%swap3A_297, %swap3A_298], %swap3A_301 {add = true, strides = array<i32>} : memref<400x64xf32, #tpu.memory_space<vmem>>, vector<1x16xf32>,
      %add3A_302 = arith.constant 200 : i32
      %add3A_303 = arith.addi %add3A_302, %scan3A_272 : i32
      %swap3A_304 = arith.index_cast %add3A_303 : i32 to index
      %swap3A_305 = arith.constant 16 : index
      %swap3A_306 = tpu.vector_load %arg7[%swap3A_304, %swap3A_305] {strides = array<i32>} : memref<400x64xf32, #tpu.memory_space<vmem>>, vector<1x16xf32>,
      %swap3A_307 = vector.shape_cast %swap3A_306 : vector<1x16xf32> to vector<16xf32>
      %swap3A_308 = vector.shape_cast %get3A_294 : vector<16xf32> to vector<1x16xf32>
      tpu.vector_store %arg7[%swap3A_304, %swap3A_305], %swap3A_308 {add = true, strides = array<i32>} : memref<400x64xf32, #tpu.memory_space<vmem>>, vector<1x16xf32>,
      %get3A_309 = arith.index_cast %scan3A_272 : i32 to index
      %get3A_310 = arith.constant 32 : index
      %get3A_311 = tpu.vector_load %arg9[%get3A_309, %get3A_310] {strides = array<i32>} : memref<200x64xf32, #tpu.memory_space<vmem>>, vector<1x16xf32>,
      %get3A_312 = vector.shape_cast %get3A_311 : vector<1x16xf32> to vector<16xf32>
      %add3A_313 = arith.constant 0 : i32
      %add3A_314 = arith.addi %add3A_313, %scan3A_272 : i32
      %swap3A_315 = arith.index_cast %add3A_314 : i32 to index
      %swap3A_316 = arith.constant 32 : index
      %swap3A_317 = tpu.vector_load %arg7[%swap3A_315, %swap3A_316] {strides = array<i32>} : memref<400x64xf32, #tpu.memory_space<vmem>>, vector<1x16xf32>,
      %swap3A_318 = vector.shape_cast %swap3A_317 : vector<1x16xf32> to vector<16xf32>
      %swap3A_319 = vector.shape_cast %get3A_312 : vector<16xf32> to vector<1x16xf32>
      tpu.vector_store %arg7[%swap3A_315, %swap3A_316], %swap3A_319 {add = true, strides = array<i32>} : memref<400x64xf32, #tpu.memory_space<vmem>>, vector<1x16xf32>,
      %add3A_320 = arith.constant 200 : i32
      %add3A_321 = arith.addi %add3A_320, %scan3A_272 : i32
      %swap3A_322 = arith.index_cast %add3A_321 : i32 to index
      %swap3A_323 = arith.constant 32 : index
      %swap3A_324 = tpu.vector_load %arg7[%swap3A_322, %swap3A_323] {strides = array<i32>} : memref<400x64xf32, #tpu.memory_space<vmem>>, vector<1x16xf32>,
      %swap3A_325 = vector.shape_cast %swap3A_324 : vector<1x16xf32> to vector<16xf32>
      %swap3A_326 = vector.shape_cast %get3A_312 : vector<16xf32> to vector<1x16xf32>
      tpu.vector_store %arg7[%swap3A_322, %swap3A_323], %swap3A_326 {add = true, strides = array<i32>} : memref<400x64xf32, #tpu.memory_space<vmem>>, vector<1x16xf32>,
      %get3A_327 = arith.index_cast %scan3A_272 : i32 to index
      %get3A_328 = arith.constant 48 : index
      %get3A_329 = tpu.vector_load %arg9[%get3A_327, %get3A_328] {strides = array<i32>} : memref<200x64xf32, #tpu.memory_space<vmem>>, vector<1x16xf32>,
      %get3A_330 = vector.shape_cast %get3A_329 : vector<1x16xf32> to vector<16xf32>
      %add3A_331 = arith.constant 0 : i32
      %add3A_332 = arith.addi %add3A_331, %scan3A_272 : i32
      %swap3A_333 = arith.index_cast %add3A_332 : i32 to index
      %swap3A_334 = arith.constant 48 : index
      %swap3A_335 = tpu.vector_load %arg7[%swap3A_333, %swap3A_334] {strides = array<i32>} : memref<400x64xf32, #tpu.memory_space<vmem>>, vector<1x16xf32>,
      %swap3A_336 = vector.shape_cast %swap3A_335 : vector<1x16xf32> to vector<16xf32>
      %swap3A_337 = vector.shape_cast %get3A_330 : vector<16xf32> to vector<1x16xf32>
      tpu.vector_store %arg7[%swap3A_333, %swap3A_334], %swap3A_337 {add = true, strides = array<i32>} : memref<400x64xf32, #tpu.memory_space<vmem>>, vector<1x16xf32>,
      %add3A_338 = arith.constant 200 : i32
      %add3A_339 = arith.addi %add3A_338, %scan3A_272 : i32
      %swap3A_340 = arith.index_cast %add3A_339 : i32 to index
      %swap3A_341 = arith.constant 48 : index
      %swap3A_342 = tpu.vector_load %arg7[%swap3A_340, %swap3A_341] {strides = array<i32>} : memref<400x64xf32, #tpu.memory_space<vmem>>, vector<1x16xf32>,
      %swap3A_343 = vector.shape_cast %swap3A_342 : vector<1x16xf32> to vector<16xf32>
      %swap3A_344 = vector.shape_cast %get3A_330 : vector<16xf32> to vector<1x16xf32>
      tpu.vector_store %arg7[%swap3A_340, %swap3A_341], %swap3A_344 {add = true, strides = array<i32>} : memref<400x64xf32, #tpu.memory_space<vmem>>, vector<1x16xf32>,
      %scan3A_345 = arith.constant 0 : i32
      %scan3A_346 = arith.constant 3 : i32
      %scan3A_347 = arith.addi %scan3A_123, %scan3A_346 : i32
      %get3A_348 = arith.index_cast %scan3A_347 : i32 to index
      %get3A_349 = arith.constant 0 : index
      %get3A_350 = tpu.vector_load %arg9[%get3A_348, %get3A_349] {strides = array<i32>} : memref<200x64xf32, #tpu.memory_space<vmem>>, vector<1x16xf32>,
      %get3A_351 = vector.shape_cast %get3A_350 : vector<1x16xf32> to vector<16xf32>
      %add3A_352 = arith.constant 0 : i32
      %add3A_353 = arith.addi %add3A_352, %scan3A_347 : i32
      %swap3A_354 = arith.index_cast %add3A_353 : i32 to index
      %swap3A_355 = arith.constant 0 : index
      %swap3A_356 = tpu.vector_load %arg7[%swap3A_354, %swap3A_355] {strides = array<i32>} : memref<400x64xf32, #tpu.memory_space<vmem>>, vector<1x16xf32>,
      %swap3A_357 = vector.shape_cast %swap3A_356 : vector<1x16xf32> to vector<16xf32>
      %swap3A_358 = vector.shape_cast %get3A_351 : vector<16xf32> to vector<1x16xf32>
      tpu.vector_store %arg7[%swap3A_354, %swap3A_355], %swap3A_358 {add = true, strides = array<i32>} : memref<400x64xf32, #tpu.memory_space<vmem>>, vector<1x16xf32>,
      %add3A_359 = arith.constant 200 : i32
      %add3A_360 = arith.addi %add3A_359, %scan3A_347 : i32
      %swap3A_361 = arith.index_cast %add3A_360 : i32 to index
      %swap3A_362 = arith.constant 0 : index
      %swap3A_363 = tpu.vector_load %arg7[%swap3A_361, %swap3A_362] {strides = array<i32>} : memref<400x64xf32, #tpu.memory_space<vmem>>, vector<1x16xf32>,
      %swap3A_364 = vector.shape_cast %swap3A_363 : vector<1x16xf32> to vector<16xf32>
      %swap3A_365 = vector.shape_cast %get3A_351 : vector<16xf32> to vector<1x16xf32>
      tpu.vector_store %arg7[%swap3A_361, %swap3A_362], %swap3A_365 {add = true, strides = array<i32>} : memref<400x64xf32, #tpu.memory_space<vmem>>, vector<1x16xf32>,
      %get3A_366 = arith.index_cast %scan3A_347 : i32 to index
      %get3A_367 = arith.constant 16 : index
      %get3A_368 = tpu.vector_load %arg9[%get3A_366, %get3A_367] {strides = array<i32>} : memref<200x64xf32, #tpu.memory_space<vmem>>, vector<1x16xf32>,
      %get3A_369 = vector.shape_cast %get3A_368 : vector<1x16xf32> to vector<16xf32>
      %add3A_370 = arith.constant 0 : i32
      %add3A_371 = arith.addi %add3A_370, %scan3A_347 : i32
      %swap3A_372 = arith.index_cast %add3A_371 : i32 to index
      %swap3A_373 = arith.constant 16 : index
      %swap3A_374 = tpu.vector_load %arg7[%swap3A_372, %swap3A_373] {strides = array<i32>} : memref<400x64xf32, #tpu.memory_space<vmem>>, vector<1x16xf32>,
      %swap3A_375 = vector.shape_cast %swap3A_374 : vector<1x16xf32> to vector<16xf32>
      %swap3A_376 = vector.shape_cast %get3A_369 : vector<16xf32> to vector<1x16xf32>
      tpu.vector_store %arg7[%swap3A_372, %swap3A_373], %swap3A_376 {add = true, strides = array<i32>} : memref<400x64xf32, #tpu.memory_space<vmem>>, vector<1x16xf32>,
      %add3A_377 = arith.constant 200 : i32
      %add3A_378 = arith.addi %add3A_377, %scan3A_347 : i32
      %swap3A_379 = arith.index_cast %add3A_378 : i32 to index
      %swap3A_380 = arith.constant 16 : index
      %swap3A_381 = tpu.vector_load %arg7[%swap3A_379, %swap3A_380] {strides = array<i32>} : memref<400x64xf32, #tpu.memory_space<vmem>>, vector<1x16xf32>,
      %swap3A_382 = vector.shape_cast %swap3A_381 : vector<1x16xf32> to vector<16xf32>
      %swap3A_383 = vector.shape_cast %get3A_369 : vector<16xf32> to vector<1x16xf32>
      tpu.vector_store %arg7[%swap3A_379, %swap3A_380], %swap3A_383 {add = true, strides = array<i32>} : memref<400x64xf32, #tpu.memory_space<vmem>>, vector<1x16xf32>,
      %get3A_384 = arith.index_cast %scan3A_347 : i32 to index
      %get3A_385 = arith.constant 32 : index
      %get3A_386 = tpu.vector_load %arg9[%get3A_384, %get3A_385] {strides = array<i32>} : memref<200x64xf32, #tpu.memory_space<vmem>>, vector<1x16xf32>,
      %get3A_387 = vector.shape_cast %get3A_386 : vector<1x16xf32> to vector<16xf32>
      %add3A_388 = arith.constant 0 : i32
      %add3A_389 = arith.addi %add3A_388, %scan3A_347 : i32
      %swap3A_390 = arith.index_cast %add3A_389 : i32 to index
      %swap3A_391 = arith.constant 32 : index
      %swap3A_392 = tpu.vector_load %arg7[%swap3A_390, %swap3A_391] {strides = array<i32>} : memref<400x64xf32, #tpu.memory_space<vmem>>, vector<1x16xf32>,
      %swap3A_393 = vector.shape_cast %swap3A_392 : vector<1x16xf32> to vector<16xf32>
      %swap3A_394 = vector.shape_cast %get3A_387 : vector<16xf32> to vector<1x16xf32>
      tpu.vector_store %arg7[%swap3A_390, %swap3A_391], %swap3A_394 {add = true, strides = array<i32>} : memref<400x64xf32, #tpu.memory_space<vmem>>, vector<1x16xf32>,
      %add3A_395 = arith.constant 200 : i32
      %add3A_396 = arith.addi %add3A_395, %scan3A_347 : i32
      %swap3A_397 = arith.index_cast %add3A_396 : i32 to index
      %swap3A_398 = arith.constant 32 : index
      %swap3A_399 = tpu.vector_load %arg7[%swap3A_397, %swap3A_398] {strides = array<i32>} : memref<400x64xf32, #tpu.memory_space<vmem>>, vector<1x16xf32>,
      %swap3A_400 = vector.shape_cast %swap3A_399 : vector<1x16xf32> to vector<16xf32>
      %swap3A_401 = vector.shape_cast %get3A_387 : vector<16xf32> to vector<1x16xf32>
      tpu.vector_store %arg7[%swap3A_397, %swap3A_398], %swap3A_401 {add = true, strides = array<i32>} : memref<400x64xf32, #tpu.memory_space<vmem>>, vector<1x16xf32>,
      %get3A_402 = arith.index_cast %scan3A_347 : i32 to index
      %get3A_403 = arith.constant 48 : index
      %get3A_404 = tpu.vector_load %arg9[%get3A_402, %get3A_403] {strides = array<i32>} : memref<200x64xf32, #tpu.memory_space<vmem>>, vector<1x16xf32>,
      %get3A_405 = vector.shape_cast %get3A_404 : vector<1x16xf32> to vector<16xf32>
      %add3A_406 = arith.constant 0 : i32
      %add3A_407 = arith.addi %add3A_406, %scan3A_347 : i32
      %swap3A_408 = arith.index_cast %add3A_407 : i32 to index
      %swap3A_409 = arith.constant 48 : index
      %swap3A_410 = tpu.vector_load %arg7[%swap3A_408, %swap3A_409] {strides = array<i32>} : memref<400x64xf32, #tpu.memory_space<vmem>>, vector<1x16xf32>,
      %swap3A_411 = vector.shape_cast %swap3A_410 : vector<1x16xf32> to vector<16xf32>
      %swap3A_412 = vector.shape_cast %get3A_405 : vector<16xf32> to vector<1x16xf32>
      tpu.vector_store %arg7[%swap3A_408, %swap3A_409], %swap3A_412 {add = true, strides = array<i32>} : memref<400x64xf32, #tpu.memory_space<vmem>>, vector<1x16xf32>,
      %add3A_413 = arith.constant 200 : i32
      %add3A_414 = arith.addi %add3A_413, %scan3A_347 : i32
      %swap3A_415 = arith.index_cast %add3A_414 : i32 to index
      %swap3A_416 = arith.constant 48 : index
      %swap3A_417 = tpu.vector_load %arg7[%swap3A_415, %swap3A_416] {strides = array<i32>} : memref<400x64xf32, #tpu.memory_space<vmem>>, vector<1x16xf32>,
      %swap3A_418 = vector.shape_cast %swap3A_417 : vector<1x16xf32> to vector<16xf32>
      %swap3A_419 = vector.shape_cast %get3A_405 : vector<16xf32> to vector<1x16xf32>
      tpu.vector_store %arg7[%swap3A_415, %swap3A_416], %swap3A_419 {add = true, strides = array<i32>} : memref<400x64xf32, #tpu.memory_space<vmem>>, vector<1x16xf32>,
      %scan3A_420 = arith.constant 0 : i32
      scf.yield %scan3A_420 : i32
    }
    %scan3A_86 = arith.constant 200 : i32
    %add3A_87 = arith.constant 24800 : i32
    %add3A_88 = arith.addi %mul3A_2, %add3A_87 : i32
    %dma_start3A_89 = arith.constant 0 : i32
    %dma_start3A_90 = tpu.memref_slice %arg5[%add3A_88, %dma_start3A_89] : memref<819200x64xf32, #tpu.memory_space<hbm>> -> memref<400x64xf32, #tpu.memory_space<hbm>>
    %dma_start3A_91 = arith.constant 0 : i32
    %dma_start3A_92 = tpu.memref_slice %arg5[%add3A_88, %dma_start3A_91] : memref<819200x64xf32, #tpu.memory_space<hbm>> -> memref<400x64xf32, #tpu.memory_space<hbm>>
    tpu.enqueue_dma source(%arg7 : memref<400x64xf32, #tpu.memory_space<vmem>>) target(%dma_start3A_92 : memref<400x64xf32, #tpu.memory_space<hbm>>) target_semaphore(%arg12 : memref<!tpu.dma_semaphore, #tpu.memory_space<semaphore_mem>>)
    %add3A_93 = arith.constant 24800 : i32
    %add3A_94 = arith.addi %mul3A_2, %add3A_93 : i32
    %dma_wait3A_95 = arith.constant 0 : i32
    %dma_wait3A_96 = tpu.memref_slice %arg5[%add3A_94, %dma_wait3A_95] : memref<819200x64xf32, #tpu.memory_space<hbm>> -> memref<400x64xf32, #tpu.memory_space<hbm>>
    %dma_wait3A_97 = arith.constant 0 : i32
    %dma_wait3A_98 = tpu.memref_slice %arg5[%add3A_94, %dma_wait3A_97] : memref<819200x64xf32, #tpu.memory_space<hbm>> -> memref<400x64xf32, #tpu.memory_space<hbm>>
    tpu.wait_dma2 semaphore(%arg12 : memref<!tpu.dma_semaphore, #tpu.memory_space<semaphore_mem>>) src(%arg7 : memref<400x64xf32, #tpu.memory_space<vmem>>) dst(%dma_wait3A_98 : memref<400x64xf32, #tpu.memory_space<hbm>>)
    %dma_wait3A_99 = arith.constant 25200 : i32
    %dma_wait3A_100 = tpu.memref_slice %arg6[%dma_wait3A_99] : memref<25600xi32, #tpu.memory_space<vmem>> -> memref<400xi32, #tpu.memory_space<vmem>>
    %dma_wait3A_101 = arith.constant 0 : i32
    %dma_wait3A_102 = arith.constant 0 : i32
    %dma_wait3A_103 = tpu.memref_slice %arg3[%dma_wait3A_101, %dma_wait3A_102] : memref<1000000x64xf32, #tpu.memory_space<hbm>> -> memref<1000000x64xf32, #tpu.memory_space<hbm>>
    tpu.wait_indirect_dma semaphore(%arg11 : memref<!tpu.dma_semaphore, #tpu.memory_space<semaphore_mem>>) src(%dma_wait3A_103 : memref<1000000x64xf32, #tpu.memory_space<hbm>>) dst(%arg8 : memref<400x64xf32, #tpu.memory_space<vmem>>)
    %scan3A_104 = arith.constant 0 : i32
    %scan3A_105 = arith.constant 0 : i32
    %scan3A_106 = arith.constant 200 : i32
    %scan3A_107 = arith.addi %scan3A_105, %scan3A_106 : i32
    %scan3A_108 = arith.constant 4 : i32
    %scan3A_109 = scf.for %scan3A_123 = %scan3A_105 to %scan3A_107 step %scan3A_108 iter_args(%scan3A_124 = %scan3A_104) -> (i32)  : i32 {
      %get3A = arith.index_cast %scan3A_123 : i32 to index
      %get3A_125 = arith.constant 0 : index
      %get3A_126 = tpu.vector_load %arg9[%get3A, %get3A_125] {strides = array<i32>} : memref<200x64xf32, #tpu.memory_space<vmem>>, vector<1x16xf32>,
      %get3A_127 = vector.shape_cast %get3A_126 : vector<1x16xf32> to vector<16xf32>
      %add3A_128 = arith.constant 0 : i32
      %add3A_129 = arith.addi %add3A_128, %scan3A_123 : i32
      %swap3A = arith.index_cast %add3A_129 : i32 to index
      %swap3A_130 = arith.constant 0 : index
      %swap3A_131 = tpu.vector_load %arg8[%swap3A, %swap3A_130] {strides = array<i32>} : memref<400x64xf32, #tpu.memory_space<vmem>>, vector<1x16xf32>,
      %swap3A_132 = vector.shape_cast %swap3A_131 : vector<1x16xf32> to vector<16xf32>
      %swap3A_133 = vector.shape_cast %get3A_127 : vector<16xf32> to vector<1x16xf32>
      tpu.vector_store %arg8[%swap3A, %swap3A_130], %swap3A_133 {add = true, strides = array<i32>} : memref<400x64xf32, #tpu.memory_space<vmem>>, vector<1x16xf32>,
      %add3A_134 = arith.constant 200 : i32
      %add3A_135 = arith.addi %add3A_134, %scan3A_123 : i32
      %swap3A_136 = arith.index_cast %add3A_135 : i32 to index
      %swap3A_137 = arith.constant 0 : index
      %swap3A_138 = tpu.vector_load %arg8[%swap3A_136, %swap3A_137] {strides = array<i32>} : memref<400x64xf32, #tpu.memory_space<vmem>>, vector<1x16xf32>,
      %swap3A_139 = vector.shape_cast %swap3A_138 : vector<1x16xf32> to vector<16xf32>
      %swap3A_140 = vector.shape_cast %get3A_127 : vector<16xf32> to vector<1x16xf32>
      tpu.vector_store %arg8[%swap3A_136, %swap3A_137], %swap3A_140 {add = true, strides = array<i32>} : memref<400x64xf32, #tpu.memory_space<vmem>>, vector<1x16xf32>,
      %get3A_141 = arith.index_cast %scan3A_123 : i32 to index
      %get3A_142 = arith.constant 16 : index
      %get3A_143 = tpu.vector_load %arg9[%get3A_141, %get3A_142] {strides = array<i32>} : memref<200x64xf32, #tpu.memory_space<vmem>>, vector<1x16xf32>,
      %get3A_144 = vector.shape_cast %get3A_143 : vector<1x16xf32> to vector<16xf32>
      %add3A_145 = arith.constant 0 : i32
      %add3A_146 = arith.addi %add3A_145, %scan3A_123 : i32
      %swap3A_147 = arith.index_cast %add3A_146 : i32 to index
      %swap3A_148 = arith.constant 16 : index
      %swap3A_149 = tpu.vector_load %arg8[%swap3A_147, %swap3A_148] {strides = array<i32>} : memref<400x64xf32, #tpu.memory_space<vmem>>, vector<1x16xf32>,
      %swap3A_150 = vector.shape_cast %swap3A_149 : vector<1x16xf32> to vector<16xf32>
      %swap3A_151 = vector.shape_cast %get3A_144 : vector<16xf32> to vector<1x16xf32>
      tpu.vector_store %arg8[%swap3A_147, %swap3A_148], %swap3A_151 {add = true, strides = array<i32>} : memref<400x64xf32, #tpu.memory_space<vmem>>, vector<1x16xf32>,
      %add3A_152 = arith.constant 200 : i32
      %add3A_153 = arith.addi %add3A_152, %scan3A_123 : i32
      %swap3A_154 = arith.index_cast %add3A_153 : i32 to index
      %swap3A_155 = arith.constant 16 : index
      %swap3A_156 = tpu.vector_load %arg8[%swap3A_154, %swap3A_155] {strides = array<i32>} : memref<400x64xf32, #tpu.memory_space<vmem>>, vector<1x16xf32>,
      %swap3A_157 = vector.shape_cast %swap3A_156 : vector<1x16xf32> to vector<16xf32>
      %swap3A_158 = vector.shape_cast %get3A_144 : vector<16xf32> to vector<1x16xf32>
      tpu.vector_store %arg8[%swap3A_154, %swap3A_155], %swap3A_158 {add = true, strides = array<i32>} : memref<400x64xf32, #tpu.memory_space<vmem>>, vector<1x16xf32>,
      %get3A_159 = arith.index_cast %scan3A_123 : i32 to index
      %get3A_160 = arith.constant 32 : index
      %get3A_161 = tpu.vector_load %arg9[%get3A_159, %get3A_160] {strides = array<i32>} : memref<200x64xf32, #tpu.memory_space<vmem>>, vector<1x16xf32>,
      %get3A_162 = vector.shape_cast %get3A_161 : vector<1x16xf32> to vector<16xf32>
      %add3A_163 = arith.constant 0 : i32
      %add3A_164 = arith.addi %add3A_163, %scan3A_123 : i32
      %swap3A_165 = arith.index_cast %add3A_164 : i32 to index
      %swap3A_166 = arith.constant 32 : index
      %swap3A_167 = tpu.vector_load %arg8[%swap3A_165, %swap3A_166] {strides = array<i32>} : memref<400x64xf32, #tpu.memory_space<vmem>>, vector<1x16xf32>,
      %swap3A_168 = vector.shape_cast %swap3A_167 : vector<1x16xf32> to vector<16xf32>
      %swap3A_169 = vector.shape_cast %get3A_162 : vector<16xf32> to vector<1x16xf32>
      tpu.vector_store %arg8[%swap3A_165, %swap3A_166], %swap3A_169 {add = true, strides = array<i32>} : memref<400x64xf32, #tpu.memory_space<vmem>>, vector<1x16xf32>,
      %add3A_170 = arith.constant 200 : i32
      %add3A_171 = arith.addi %add3A_170, %scan3A_123 : i32
      %swap3A_172 = arith.index_cast %add3A_171 : i32 to index
      %swap3A_173 = arith.constant 32 : index
      %swap3A_174 = tpu.vector_load %arg8[%swap3A_172, %swap3A_173] {strides = array<i32>} : memref<400x64xf32, #tpu.memory_space<vmem>>, vector<1x16xf32>,
      %swap3A_175 = vector.shape_cast %swap3A_174 : vector<1x16xf32> to vector<16xf32>
      %swap3A_176 = vector.shape_cast %get3A_162 : vector<16xf32> to vector<1x16xf32>
      tpu.vector_store %arg8[%swap3A_172, %swap3A_173], %swap3A_176 {add = true, strides = array<i32>} : memref<400x64xf32, #tpu.memory_space<vmem>>, vector<1x16xf32>,
      %get3A_177 = arith.index_cast %scan3A_123 : i32 to index
      %get3A_178 = arith.constant 48 : index
      %get3A_179 = tpu.vector_load %arg9[%get3A_177, %get3A_178] {strides = array<i32>} : memref<200x64xf32, #tpu.memory_space<vmem>>, vector<1x16xf32>,
      %get3A_180 = vector.shape_cast %get3A_179 : vector<1x16xf32> to vector<16xf32>
      %add3A_181 = arith.constant 0 : i32
      %add3A_182 = arith.addi %add3A_181, %scan3A_123 : i32
      %swap3A_183 = arith.index_cast %add3A_182 : i32 to index
      %swap3A_184 = arith.constant 48 : index
      %swap3A_185 = tpu.vector_load %arg8[%swap3A_183, %swap3A_184] {strides = array<i32>} : memref<400x64xf32, #tpu.memory_space<vmem>>, vector<1x16xf32>,
      %swap3A_186 = vector.shape_cast %swap3A_185 : vector<1x16xf32> to vector<16xf32>
      %swap3A_187 = vector.shape_cast %get3A_180 : vector<16xf32> to vector<1x16xf32>
      tpu.vector_store %arg8[%swap3A_183, %swap3A_184], %swap3A_187 {add = true, strides = array<i32>} : memref<400x64xf32, #tpu.memory_space<vmem>>, vector<1x16xf32>,
      %add3A_188 = arith.constant 200 : i32
      %add3A_189 = arith.addi %add3A_188, %scan3A_123 : i32
      %swap3A_190 = arith.index_cast %add3A_189 : i32 to index
      %swap3A_191 = arith.constant 48 : index
      %swap3A_192 = tpu.vector_load %arg8[%swap3A_190, %swap3A_191] {strides = array<i32>} : memref<400x64xf32, #tpu.memory_space<vmem>>, vector<1x16xf32>,
      %swap3A_193 = vector.shape_cast %swap3A_192 : vector<1x16xf32> to vector<16xf32>
      %swap3A_194 = vector.shape_cast %get3A_180 : vector<16xf32> to vector<1x16xf32>
      tpu.vector_store %arg8[%swap3A_190, %swap3A_191], %swap3A_194 {add = true, strides = array<i32>} : memref<400x64xf32, #tpu.memory_space<vmem>>, vector<1x16xf32>,
      %scan3A_195 = arith.constant 0 : i32
      %scan3A_196 = arith.constant 1 : i32
      %scan3A_197 = arith.addi %scan3A_123, %scan3A_196 : i32
      %get3A_198 = arith.index_cast %scan3A_197 : i32 to index
      %get3A_199 = arith.constant 0 : index
      %get3A_200 = tpu.vector_load %arg9[%get3A_198, %get3A_199] {strides = array<i32>} : memref<200x64xf32, #tpu.memory_space<vmem>>, vector<1x16xf32>,
      %get3A_201 = vector.shape_cast %get3A_200 : vector<1x16xf32> to vector<16xf32>
      %add3A_202 = arith.constant 0 : i32
      %add3A_203 = arith.addi %add3A_202, %scan3A_197 : i32
      %swap3A_204 = arith.index_cast %add3A_203 : i32 to index
      %swap3A_205 = arith.constant 0 : index
      %swap3A_206 = tpu.vector_load %arg8[%swap3A_204, %swap3A_205] {strides = array<i32>} : memref<400x64xf32, #tpu.memory_space<vmem>>, vector<1x16xf32>,
      %swap3A_207 = vector.shape_cast %swap3A_206 : vector<1x16xf32> to vector<16xf32>
      %swap3A_208 = vector.shape_cast %get3A_201 : vector<16xf32> to vector<1x16xf32>
      tpu.vector_store %arg8[%swap3A_204, %swap3A_205], %swap3A_208 {add = true, strides = array<i32>} : memref<400x64xf32, #tpu.memory_space<vmem>>, vector<1x16xf32>,
      %add3A_209 = arith.constant 200 : i32
      %add3A_210 = arith.addi %add3A_209, %scan3A_197 : i32
      %swap3A_211 = arith.index_cast %add3A_210 : i32 to index
      %swap3A_212 = arith.constant 0 : index
      %swap3A_213 = tpu.vector_load %arg8[%swap3A_211, %swap3A_212] {strides = array<i32>} : memref<400x64xf32, #tpu.memory_space<vmem>>, vector<1x16xf32>,
      %swap3A_214 = vector.shape_cast %swap3A_213 : vector<1x16xf32> to vector<16xf32>
      %swap3A_215 = vector.shape_cast %get3A_201 : vector<16xf32> to vector<1x16xf32>
      tpu.vector_store %arg8[%swap3A_211, %swap3A_212], %swap3A_215 {add = true, strides = array<i32>} : memref<400x64xf32, #tpu.memory_space<vmem>>, vector<1x16xf32>,
      %get3A_216 = arith.index_cast %scan3A_197 : i32 to index
      %get3A_217 = arith.constant 16 : index
      %get3A_218 = tpu.vector_load %arg9[%get3A_216, %get3A_217] {strides = array<i32>} : memref<200x64xf32, #tpu.memory_space<vmem>>, vector<1x16xf32>,
      %get3A_219 = vector.shape_cast %get3A_218 : vector<1x16xf32> to vector<16xf32>
      %add3A_220 = arith.constant 0 : i32
      %add3A_221 = arith.addi %add3A_220, %scan3A_197 : i32
      %swap3A_222 = arith.index_cast %add3A_221 : i32 to index
      %swap3A_223 = arith.constant 16 : index
      %swap3A_224 = tpu.vector_load %arg8[%swap3A_222, %swap3A_223] {strides = array<i32>} : memref<400x64xf32, #tpu.memory_space<vmem>>, vector<1x16xf32>,
      %swap3A_225 = vector.shape_cast %swap3A_224 : vector<1x16xf32> to vector<16xf32>
      %swap3A_226 = vector.shape_cast %get3A_219 : vector<16xf32> to vector<1x16xf32>
      tpu.vector_store %arg8[%swap3A_222, %swap3A_223], %swap3A_226 {add = true, strides = array<i32>} : memref<400x64xf32, #tpu.memory_space<vmem>>, vector<1x16xf32>,
      %add3A_227 = arith.constant 200 : i32
      %add3A_228 = arith.addi %add3A_227, %scan3A_197 : i32
      %swap3A_229 = arith.index_cast %add3A_228 : i32 to index
      %swap3A_230 = arith.constant 16 : index
      %swap3A_231 = tpu.vector_load %arg8[%swap3A_229, %swap3A_230] {strides = array<i32>} : memref<400x64xf32, #tpu.memory_space<vmem>>, vector<1x16xf32>,
      %swap3A_232 = vector.shape_cast %swap3A_231 : vector<1x16xf32> to vector<16xf32>
      %swap3A_233 = vector.shape_cast %get3A_219 : vector<16xf32> to vector<1x16xf32>
      tpu.vector_store %arg8[%swap3A_229, %swap3A_230], %swap3A_233 {add = true, strides = array<i32>} : memref<400x64xf32, #tpu.memory_space<vmem>>, vector<1x16xf32>,
      %get3A_234 = arith.index_cast %scan3A_197 : i32 to index
      %get3A_235 = arith.constant 32 : index
      %get3A_236 = tpu.vector_load %arg9[%get3A_234, %get3A_235] {strides = array<i32>} : memref<200x64xf32, #tpu.memory_space<vmem>>, vector<1x16xf32>,
      %get3A_237 = vector.shape_cast %get3A_236 : vector<1x16xf32> to vector<16xf32>
      %add3A_238 = arith.constant 0 : i32
      %add3A_239 = arith.addi %add3A_238, %scan3A_197 : i32
      %swap3A_240 = arith.index_cast %add3A_239 : i32 to index
      %swap3A_241 = arith.constant 32 : index
      %swap3A_242 = tpu.vector_load %arg8[%swap3A_240, %swap3A_241] {strides = array<i32>} : memref<400x64xf32, #tpu.memory_space<vmem>>, vector<1x16xf32>,
      %swap3A_243 = vector.shape_cast %swap3A_242 : vector<1x16xf32> to vector<16xf32>
      %swap3A_244 = vector.shape_cast %get3A_237 : vector<16xf32> to vector<1x16xf32>
      tpu.vector_store %arg8[%swap3A_240, %swap3A_241], %swap3A_244 {add = true, strides = array<i32>} : memref<400x64xf32, #tpu.memory_space<vmem>>, vector<1x16xf32>,
      %add3A_245 = arith.constant 200 : i32
      %add3A_246 = arith.addi %add3A_245, %scan3A_197 : i32
      %swap3A_247 = arith.index_cast %add3A_246 : i32 to index
      %swap3A_248 = arith.constant 32 : index
      %swap3A_249 = tpu.vector_load %arg8[%swap3A_247, %swap3A_248] {strides = array<i32>} : memref<400x64xf32, #tpu.memory_space<vmem>>, vector<1x16xf32>,
      %swap3A_250 = vector.shape_cast %swap3A_249 : vector<1x16xf32> to vector<16xf32>
      %swap3A_251 = vector.shape_cast %get3A_237 : vector<16xf32> to vector<1x16xf32>
      tpu.vector_store %arg8[%swap3A_247, %swap3A_248], %swap3A_251 {add = true, strides = array<i32>} : memref<400x64xf32, #tpu.memory_space<vmem>>, vector<1x16xf32>,
      %get3A_252 = arith.index_cast %scan3A_197 : i32 to index
      %get3A_253 = arith.constant 48 : index
      %get3A_254 = tpu.vector_load %arg9[%get3A_252, %get3A_253] {strides = array<i32>} : memref<200x64xf32, #tpu.memory_space<vmem>>, vector<1x16xf32>,
      %get3A_255 = vector.shape_cast %get3A_254 : vector<1x16xf32> to vector<16xf32>
      %add3A_256 = arith.constant 0 : i32
      %add3A_257 = arith.addi %add3A_256, %scan3A_197 : i32
      %swap3A_258 = arith.index_cast %add3A_257 : i32 to index
      %swap3A_259 = arith.constant 48 : index
      %swap3A_260 = tpu.vector_load %arg8[%swap3A_258, %swap3A_259] {strides = array<i32>} : memref<400x64xf32, #tpu.memory_space<vmem>>, vector<1x16xf32>,
      %swap3A_261 = vector.shape_cast %swap3A_260 : vector<1x16xf32> to vector<16xf32>
      %swap3A_262 = vector.shape_cast %get3A_255 : vector<16xf32> to vector<1x16xf32>
      tpu.vector_store %arg8[%swap3A_258, %swap3A_259], %swap3A_262 {add = true, strides = array<i32>} : memref<400x64xf32, #tpu.memory_space<vmem>>, vector<1x16xf32>,
      %add3A_263 = arith.constant 200 : i32
      %add3A_264 = arith.addi %add3A_263, %scan3A_197 : i32
      %swap3A_265 = arith.index_cast %add3A_264 : i32 to index
      %swap3A_266 = arith.constant 48 : index
      %swap3A_267 = tpu.vector_load %arg8[%swap3A_265, %swap3A_266] {strides = array<i32>} : memref<400x64xf32, #tpu.memory_space<vmem>>, vector<1x16xf32>,
      %swap3A_268 = vector.shape_cast %swap3A_267 : vector<1x16xf32> to vector<16xf32>
      %swap3A_269 = vector.shape_cast %get3A_255 : vector<16xf32> to vector<1x16xf32>
      tpu.vector_store %arg8[%swap3A_265, %swap3A_266], %swap3A_269 {add = true, strides = array<i32>} : memref<400x64xf32, #tpu.memory_space<vmem>>, vector<1x16xf32>,
      %scan3A_270 = arith.constant 0 : i32
      %scan3A_271 = arith.constant 2 : i32
      %scan3A_272 = arith.addi %scan3A_123, %scan3A_271 : i32
      %get3A_273 = arith.index_cast %scan3A_272 : i32 to index
      %get3A_274 = arith.constant 0 : index
      %get3A_275 = tpu.vector_load %arg9[%get3A_273, %get3A_274] {strides = array<i32>} : memref<200x64xf32, #tpu.memory_space<vmem>>, vector<1x16xf32>,
      %get3A_276 = vector.shape_cast %get3A_275 : vector<1x16xf32> to vector<16xf32>
      %add3A_277 = arith.constant 0 : i32
      %add3A_278 = arith.addi %add3A_277, %scan3A_272 : i32
      %swap3A_279 = arith.index_cast %add3A_278 : i32 to index
      %swap3A_280 = arith.constant 0 : index
      %swap3A_281 = tpu.vector_load %arg8[%swap3A_279, %swap3A_280] {strides = array<i32>} : memref<400x64xf32, #tpu.memory_space<vmem>>, vector<1x16xf32>,
      %swap3A_282 = vector.shape_cast %swap3A_281 : vector<1x16xf32> to vector<16xf32>
      %swap3A_283 = vector.shape_cast %get3A_276 : vector<16xf32> to vector<1x16xf32>
      tpu.vector_store %arg8[%swap3A_279, %swap3A_280], %swap3A_283 {add = true, strides = array<i32>} : memref<400x64xf32, #tpu.memory_space<vmem>>, vector<1x16xf32>,
      %add3A_284 = arith.constant 200 : i32
      %add3A_285 = arith.addi %add3A_284, %scan3A_272 : i32
      %swap3A_286 = arith.index_cast %add3A_285 : i32 to index
      %swap3A_287 = arith.constant 0 : index
      %swap3A_288 = tpu.vector_load %arg8[%swap3A_286, %swap3A_287] {strides = array<i32>} : memref<400x64xf32, #tpu.memory_space<vmem>>, vector<1x16xf32>,
      %swap3A_289 = vector.shape_cast %swap3A_288 : vector<1x16xf32> to vector<16xf32>
      %swap3A_290 = vector.shape_cast %get3A_276 : vector<16xf32> to vector<1x16xf32>
      tpu.vector_store %arg8[%swap3A_286, %swap3A_287], %swap3A_290 {add = true, strides = array<i32>} : memref<400x64xf32, #tpu.memory_space<vmem>>, vector<1x16xf32>,
      %get3A_291 = arith.index_cast %scan3A_272 : i32 to index
      %get3A_292 = arith.constant 16 : index
      %get3A_293 = tpu.vector_load %arg9[%get3A_291, %get3A_292] {strides = array<i32>} : memref<200x64xf32, #tpu.memory_space<vmem>>, vector<1x16xf32>,
      %get3A_294 = vector.shape_cast %get3A_293 : vector<1x16xf32> to vector<16xf32>
      %add3A_295 = arith.constant 0 : i32
      %add3A_296 = arith.addi %add3A_295, %scan3A_272 : i32
      %swap3A_297 = arith.index_cast %add3A_296 : i32 to index
      %swap3A_298 = arith.constant 16 : index
      %swap3A_299 = tpu.vector_load %arg8[%swap3A_297, %swap3A_298] {strides = array<i32>} : memref<400x64xf32, #tpu.memory_space<vmem>>, vector<1x16xf32>,
      %swap3A_300 = vector.shape_cast %swap3A_299 : vector<1x16xf32> to vector<16xf32>
      %swap3A_301 = vector.shape_cast %get3A_294 : vector<16xf32> to vector<1x16xf32>
      tpu.vector_store %arg8[%swap3A_297, %swap3A_298], %swap3A_301 {add = true, strides = array<i32>} : memref<400x64xf32, #tpu.memory_space<vmem>>, vector<1x16xf32>,
      %add3A_302 = arith.constant 200 : i32
      %add3A_303 = arith.addi %add3A_302, %scan3A_272 : i32
      %swap3A_304 = arith.index_cast %add3A_303 : i32 to index
      %swap3A_305 = arith.constant 16 : index
      %swap3A_306 = tpu.vector_load %arg8[%swap3A_304, %swap3A_305] {strides = array<i32>} : memref<400x64xf32, #tpu.memory_space<vmem>>, vector<1x16xf32>,
      %swap3A_307 = vector.shape_cast %swap3A_306 : vector<1x16xf32> to vector<16xf32>
      %swap3A_308 = vector.shape_cast %get3A_294 : vector<16xf32> to vector<1x16xf32>
      tpu.vector_store %arg8[%swap3A_304, %swap3A_305], %swap3A_308 {add = true, strides = array<i32>} : memref<400x64xf32, #tpu.memory_space<vmem>>, vector<1x16xf32>,
      %get3A_309 = arith.index_cast %scan3A_272 : i32 to index
      %get3A_310 = arith.constant 32 : index
      %get3A_311 = tpu.vector_load %arg9[%get3A_309, %get3A_310] {strides = array<i32>} : memref<200x64xf32, #tpu.memory_space<vmem>>, vector<1x16xf32>,
      %get3A_312 = vector.shape_cast %get3A_311 : vector<1x16xf32> to vector<16xf32>
      %add3A_313 = arith.constant 0 : i32
      %add3A_314 = arith.addi %add3A_313, %scan3A_272 : i32
      %swap3A_315 = arith.index_cast %add3A_314 : i32 to index
      %swap3A_316 = arith.constant 32 : index
      %swap3A_317 = tpu.vector_load %arg8[%swap3A_315, %swap3A_316] {strides = array<i32>} : memref<400x64xf32, #tpu.memory_space<vmem>>, vector<1x16xf32>,
      %swap3A_318 = vector.shape_cast %swap3A_317 : vector<1x16xf32> to vector<16xf32>
      %swap3A_319 = vector.shape_cast %get3A_312 : vector<16xf32> to vector<1x16xf32>
      tpu.vector_store %arg8[%swap3A_315, %swap3A_316], %swap3A_319 {add = true, strides = array<i32>} : memref<400x64xf32, #tpu.memory_space<vmem>>, vector<1x16xf32>,
      %add3A_320 = arith.constant 200 : i32
      %add3A_321 = arith.addi %add3A_320, %scan3A_272 : i32
      %swap3A_322 = arith.index_cast %add3A_321 : i32 to index
      %swap3A_323 = arith.constant 32 : index
      %swap3A_324 = tpu.vector_load %arg8[%swap3A_322, %swap3A_323] {strides = array<i32>} : memref<400x64xf32, #tpu.memory_space<vmem>>, vector<1x16xf32>,
      %swap3A_325 = vector.shape_cast %swap3A_324 : vector<1x16xf32> to vector<16xf32>
      %swap3A_326 = vector.shape_cast %get3A_312 : vector<16xf32> to vector<1x16xf32>
      tpu.vector_store %arg8[%swap3A_322, %swap3A_323], %swap3A_326 {add = true, strides = array<i32>} : memref<400x64xf32, #tpu.memory_space<vmem>>, vector<1x16xf32>,
      %get3A_327 = arith.index_cast %scan3A_272 : i32 to index
      %get3A_328 = arith.constant 48 : index
      %get3A_329 = tpu.vector_load %arg9[%get3A_327, %get3A_328] {strides = array<i32>} : memref<200x64xf32, #tpu.memory_space<vmem>>, vector<1x16xf32>,
      %get3A_330 = vector.shape_cast %get3A_329 : vector<1x16xf32> to vector<16xf32>
      %add3A_331 = arith.constant 0 : i32
      %add3A_332 = arith.addi %add3A_331, %scan3A_272 : i32
      %swap3A_333 = arith.index_cast %add3A_332 : i32 to index
      %swap3A_334 = arith.constant 48 : index
      %swap3A_335 = tpu.vector_load %arg8[%swap3A_333, %swap3A_334] {strides = array<i32>} : memref<400x64xf32, #tpu.memory_space<vmem>>, vector<1x16xf32>,
      %swap3A_336 = vector.shape_cast %swap3A_335 : vector<1x16xf32> to vector<16xf32>
      %swap3A_337 = vector.shape_cast %get3A_330 : vector<16xf32> to vector<1x16xf32>
      tpu.vector_store %arg8[%swap3A_333, %swap3A_334], %swap3A_337 {add = true, strides = array<i32>} : memref<400x64xf32, #tpu.memory_space<vmem>>, vector<1x16xf32>,
      %add3A_338 = arith.constant 200 : i32
      %add3A_339 = arith.addi %add3A_338, %scan3A_272 : i32
      %swap3A_340 = arith.index_cast %add3A_339 : i32 to index
      %swap3A_341 = arith.constant 48 : index
      %swap3A_342 = tpu.vector_load %arg8[%swap3A_340, %swap3A_341] {strides = array<i32>} : memref<400x64xf32, #tpu.memory_space<vmem>>, vector<1x16xf32>,
      %swap3A_343 = vector.shape_cast %swap3A_342 : vector<1x16xf32> to vector<16xf32>
      %swap3A_344 = vector.shape_cast %get3A_330 : vector<16xf32> to vector<1x16xf32>
      tpu.vector_store %arg8[%swap3A_340, %swap3A_341], %swap3A_344 {add = true, strides = array<i32>} : memref<400x64xf32, #tpu.memory_space<vmem>>, vector<1x16xf32>,
      %scan3A_345 = arith.constant 0 : i32
      %scan3A_346 = arith.constant 3 : i32
      %scan3A_347 = arith.addi %scan3A_123, %scan3A_346 : i32
      %get3A_348 = arith.index_cast %scan3A_347 : i32 to index
      %get3A_349 = arith.constant 0 : index
      %get3A_350 = tpu.vector_load %arg9[%get3A_348, %get3A_349] {strides = array<i32>} : memref<200x64xf32, #tpu.memory_space<vmem>>, vector<1x16xf32>,
      %get3A_351 = vector.shape_cast %get3A_350 : vector<1x16xf32> to vector<16xf32>
      %add3A_352 = arith.constant 0 : i32
      %add3A_353 = arith.addi %add3A_352, %scan3A_347 : i32
      %swap3A_354 = arith.index_cast %add3A_353 : i32 to index
      %swap3A_355 = arith.constant 0 : index
      %swap3A_356 = tpu.vector_load %arg8[%swap3A_354, %swap3A_355] {strides = array<i32>} : memref<400x64xf32, #tpu.memory_space<vmem>>, vector<1x16xf32>,
      %swap3A_357 = vector.shape_cast %swap3A_356 : vector<1x16xf32> to vector<16xf32>
      %swap3A_358 = vector.shape_cast %get3A_351 : vector<16xf32> to vector<1x16xf32>
      tpu.vector_store %arg8[%swap3A_354, %swap3A_355], %swap3A_358 {add = true, strides = array<i32>} : memref<400x64xf32, #tpu.memory_space<vmem>>, vector<1x16xf32>,
      %add3A_359 = arith.constant 200 : i32
      %add3A_360 = arith.addi %add3A_359, %scan3A_347 : i32
      %swap3A_361 = arith.index_cast %add3A_360 : i32 to index
      %swap3A_362 = arith.constant 0 : index
      %swap3A_363 = tpu.vector_load %arg8[%swap3A_361, %swap3A_362] {strides = array<i32>} : memref<400x64xf32, #tpu.memory_space<vmem>>, vector<1x16xf32>,
      %swap3A_364 = vector.shape_cast %swap3A_363 : vector<1x16xf32> to vector<16xf32>
      %swap3A_365 = vector.shape_cast %get3A_351 : vector<16xf32> to vector<1x16xf32>
      tpu.vector_store %arg8[%swap3A_361, %swap3A_362], %swap3A_365 {add = true, strides = array<i32>} : memref<400x64xf32, #tpu.memory_space<vmem>>, vector<1x16xf32>,
      %get3A_366 = arith.index_cast %scan3A_347 : i32 to index
      %get3A_367 = arith.constant 16 : index
      %get3A_368 = tpu.vector_load %arg9[%get3A_366, %get3A_367] {strides = array<i32>} : memref<200x64xf32, #tpu.memory_space<vmem>>, vector<1x16xf32>,
      %get3A_369 = vector.shape_cast %get3A_368 : vector<1x16xf32> to vector<16xf32>
      %add3A_370 = arith.constant 0 : i32
      %add3A_371 = arith.addi %add3A_370, %scan3A_347 : i32
      %swap3A_372 = arith.index_cast %add3A_371 : i32 to index
      %swap3A_373 = arith.constant 16 : index
      %swap3A_374 = tpu.vector_load %arg8[%swap3A_372, %swap3A_373] {strides = array<i32>} : memref<400x64xf32, #tpu.memory_space<vmem>>, vector<1x16xf32>,
      %swap3A_375 = vector.shape_cast %swap3A_374 : vector<1x16xf32> to vector<16xf32>
      %swap3A_376 = vector.shape_cast %get3A_369 : vector<16xf32> to vector<1x16xf32>
      tpu.vector_store %arg8[%swap3A_372, %swap3A_373], %swap3A_376 {add = true, strides = array<i32>} : memref<400x64xf32, #tpu.memory_space<vmem>>, vector<1x16xf32>,
      %add3A_377 = arith.constant 200 : i32
      %add3A_378 = arith.addi %add3A_377, %scan3A_347 : i32
      %swap3A_379 = arith.index_cast %add3A_378 : i32 to index
      %swap3A_380 = arith.constant 16 : index
      %swap3A_381 = tpu.vector_load %arg8[%swap3A_379, %swap3A_380] {strides = array<i32>} : memref<400x64xf32, #tpu.memory_space<vmem>>, vector<1x16xf32>,
      %swap3A_382 = vector.shape_cast %swap3A_381 : vector<1x16xf32> to vector<16xf32>
      %swap3A_383 = vector.shape_cast %get3A_369 : vector<16xf32> to vector<1x16xf32>
      tpu.vector_store %arg8[%swap3A_379, %swap3A_380], %swap3A_383 {add = true, strides = array<i32>} : memref<400x64xf32, #tpu.memory_space<vmem>>, vector<1x16xf32>,
      %get3A_384 = arith.index_cast %scan3A_347 : i32 to index
      %get3A_385 = arith.constant 32 : index
      %get3A_386 = tpu.vector_load %arg9[%get3A_384, %get3A_385] {strides = array<i32>} : memref<200x64xf32, #tpu.memory_space<vmem>>, vector<1x16xf32>,
      %get3A_387 = vector.shape_cast %get3A_386 : vector<1x16xf32> to vector<16xf32>
      %add3A_388 = arith.constant 0 : i32
      %add3A_389 = arith.addi %add3A_388, %scan3A_347 : i32
      %swap3A_390 = arith.index_cast %add3A_389 : i32 to index
      %swap3A_391 = arith.constant 32 : index
      %swap3A_392 = tpu.vector_load %arg8[%swap3A_390, %swap3A_391] {strides = array<i32>} : memref<400x64xf32, #tpu.memory_space<vmem>>, vector<1x16xf32>,
      %swap3A_393 = vector.shape_cast %swap3A_392 : vector<1x16xf32> to vector<16xf32>
      %swap3A_394 = vector.shape_cast %get3A_387 : vector<16xf32> to vector<1x16xf32>
      tpu.vector_store %arg8[%swap3A_390, %swap3A_391], %swap3A_394 {add = true, strides = array<i32>} : memref<400x64xf32, #tpu.memory_space<vmem>>, vector<1x16xf32>,
      %add3A_395 = arith.constant 200 : i32
      %add3A_396 = arith.addi %add3A_395, %scan3A_347 : i32
      %swap3A_397 = arith.index_cast %add3A_396 : i32 to index
      %swap3A_398 = arith.constant 32 : index
      %swap3A_399 = tpu.vector_load %arg8[%swap3A_397, %swap3A_398] {strides = array<i32>} : memref<400x64xf32, #tpu.memory_space<vmem>>, vector<1x16xf32>,
      %swap3A_400 = vector.shape_cast %swap3A_399 : vector<1x16xf32> to vector<16xf32>
      %swap3A_401 = vector.shape_cast %get3A_387 : vector<16xf32> to vector<1x16xf32>
      tpu.vector_store %arg8[%swap3A_397, %swap3A_398], %swap3A_401 {add = true, strides = array<i32>} : memref<400x64xf32, #tpu.memory_space<vmem>>, vector<1x16xf32>,
      %get3A_402 = arith.index_cast %scan3A_347 : i32 to index
      %get3A_403 = arith.constant 48 : index
      %get3A_404 = tpu.vector_load %arg9[%get3A_402, %get3A_403] {strides = array<i32>} : memref<200x64xf32, #tpu.memory_space<vmem>>, vector<1x16xf32>,
      %get3A_405 = vector.shape_cast %get3A_404 : vector<1x16xf32> to vector<16xf32>
      %add3A_406 = arith.constant 0 : i32
      %add3A_407 = arith.addi %add3A_406, %scan3A_347 : i32
      %swap3A_408 = arith.index_cast %add3A_407 : i32 to index
      %swap3A_409 = arith.constant 48 : index
      %swap3A_410 = tpu.vector_load %arg8[%swap3A_408, %swap3A_409] {strides = array<i32>} : memref<400x64xf32, #tpu.memory_space<vmem>>, vector<1x16xf32>,
      %swap3A_411 = vector.shape_cast %swap3A_410 : vector<1x16xf32> to vector<16xf32>
      %swap3A_412 = vector.shape_cast %get3A_405 : vector<16xf32> to vector<1x16xf32>
      tpu.vector_store %arg8[%swap3A_408, %swap3A_409], %swap3A_412 {add = true, strides = array<i32>} : memref<400x64xf32, #tpu.memory_space<vmem>>, vector<1x16xf32>,
      %add3A_413 = arith.constant 200 : i32
      %add3A_414 = arith.addi %add3A_413, %scan3A_347 : i32
      %swap3A_415 = arith.index_cast %add3A_414 : i32 to index
      %swap3A_416 = arith.constant 48 : index
      %swap3A_417 = tpu.vector_load %arg8[%swap3A_415, %swap3A_416] {strides = array<i32>} : memref<400x64xf32, #tpu.memory_space<vmem>>, vector<1x16xf32>,
      %swap3A_418 = vector.shape_cast %swap3A_417 : vector<1x16xf32> to vector<16xf32>
      %swap3A_419 = vector.shape_cast %get3A_405 : vector<16xf32> to vector<1x16xf32>
      tpu.vector_store %arg8[%swap3A_415, %swap3A_416], %swap3A_419 {add = true, strides = array<i32>} : memref<400x64xf32, #tpu.memory_space<vmem>>, vector<1x16xf32>,
      %scan3A_420 = arith.constant 0 : i32
      scf.yield %scan3A_420 : i32
    }
    %scan3A_110 = arith.constant 200 : i32
    %add3A_111 = arith.constant 25200 : i32
    %add3A_112 = arith.addi %mul3A_2, %add3A_111 : i32
    %dma_start3A_113 = arith.constant 0 : i32
    %dma_start3A_114 = tpu.memref_slice %arg5[%add3A_112, %dma_start3A_113] : memref<819200x64xf32, #tpu.memory_space<hbm>> -> memref<400x64xf32, #tpu.memory_space<hbm>>
    %dma_start3A_115 = arith.constant 0 : i32
    %dma_start3A_116 = tpu.memref_slice %arg5[%add3A_112, %dma_start3A_115] : memref<819200x64xf32, #tpu.memory_space<hbm>> -> memref<400x64xf32, #tpu.memory_space<hbm>>
    tpu.enqueue_dma source(%arg8 : memref<400x64xf32, #tpu.memory_space<vmem>>) target(%dma_start3A_116 : memref<400x64xf32, #tpu.memory_space<hbm>>) target_semaphore(%arg13 : memref<!tpu.dma_semaphore, #tpu.memory_space<semaphore_mem>>)
    %add3A_117 = arith.constant 25200 : i32
    %add3A_118 = arith.addi %mul3A_2, %add3A_117 : i32
    %dma_wait3A_119 = arith.constant 0 : i32
    %dma_wait3A_120 = tpu.memref_slice %arg5[%add3A_118, %dma_wait3A_119] : memref<819200x64xf32, #tpu.memory_space<hbm>> -> memref<400x64xf32, #tpu.memory_space<hbm>>
    %dma_wait3A_121 = arith.constant 0 : i32
    %dma_wait3A_122 = tpu.memref_slice %arg5[%add3A_118, %dma_wait3A_121] : memref<819200x64xf32, #tpu.memory_space<hbm>> -> memref<400x64xf32, #tpu.memory_space<hbm>>
    tpu.wait_dma2 semaphore(%arg13 : memref<!tpu.dma_semaphore, #tpu.memory_space<semaphore_mem>>) src(%arg8 : memref<400x64xf32, #tpu.memory_space<vmem>>) dst(%dma_wait3A_122 : memref<400x64xf32, #tpu.memory_space<hbm>>)
    return
  }
}

</mosaic_0001>

<sc_bundles>
// kernel: _embed.3.cloned.1.call-start
scs
__scs_entry_jumppad:
0x0: {  	(pc) =	sbr.rel $0x88, $3  }
0x1: {  	(tag) =	ssettag $0x0;
	lr =	simm.s32 $0x1  }
0x2: {  	[smem:$0x3F9F] =	sst lr;
	_ =	strace $0xD0000000  }
0x3: {  	_ = 	snop  }
0x4: {  	_ = 	snop  }
0x5: {  	_ = 	snop  }
0x6: {  	_ = 	snop  }
0x7: {  	_ = 	snop  }
__scs_overlays_trampoline_lowered:
0x8: {  	[smem:$0x3FAE] =	sst s0  }
0x9: {  	[smem:$0x3FAF] =	sst s1  }
0xa: {  	[smem:$0x3FB0] =	sst s2  }
0xb: {  	[smem:$0x3FB1] =	sst s3  }
0xc: {  	[smem:$0x3FB2] =	sst s4  }
0xd: {  	[smem:$0x3FB3] =	sst s5  }
0xe: {  	[smem:$0x3FB4] =	sst s6  }
0xf: {  	[smem:$0x3FB5] =	sst s7  }
0x10: {  	[smem:$0x3FB6] =	sst s8  }
0x11: {  	[smem:$0x3FB7] =	sst s9;
	s0 =	simm.s32 @!p0 $0x0  }
0x12: {  	s1 =	sld [smem:$0x3F9D];
	s0 =	simm.s32 @p0 $0x1  }
0x13: {  	[smem:$0x3FB8] =	sst s0;
	s0 =	simm.s32 @!p1 $0x0  }
0x14: {  	s2 =	sld [smem:$0x3F9C];
	s0 =	simm.s32 @p1 $0x1  }
0x15: {  	[smem:$0x3FB9] =	sst s0;
	s0 =	simm.s32 @!p2 $0x0  }
0x16: {  	s3 =	sld [smem:$0x3FDB];
	s0 =	simm.s32 @p2 $0x1  }
0x17: {  	s4 =	simm.s32 $0x1BF5;
	[smem:$0x3FBB] =	sst s0  }
0x18: {  	s0 =	sld [smem:$0x3F9E];
	_ =	swait.ge [sflag:s4], $0x0  }
0x19: {  	s7 =	sld [smem:$0x3F9F]  }
0x1a: {  	s8 =	sadd.s32 $0xFFFFE003, lr  }
0x1b: {  	s9 =	sadd.s32 $0xFFFFFEF7, lr;
	s5 =	simm.s32 $0xFFFFFFFF;
	p2 =	slt.u32 s8, $0xFFFFF086  }
0x1c: {  	p1 =	slt.u32 s9, $0xF7A;
	s5 =	simm.s32 @!p2 $0x0  }
0x1d: {  	s5 =	simm.s32 @p1 $0x1;
	p0 =	seq.s32 s7, s2  }
0x1e: {  	s7 =	smul.u32 @!p0 $0xF7A, s2;
	p2 =	seq.s32 @!p0 s5, $0x0  }
0x1f: {  	s9 =	smul.u32 $0xF7A, s1;
	s8 =	simm.s32 @!p0 $0x1BF5;
	p2 =	por !p2, p0  }
0x20: {  	[sflag:s8] =	ssyncset.s32 @!p0 $0xFFFFF086;
	s6 =	sadd.s32 @!p0 s3, s7;
	s7 =	simm.s32 @!p0 $0x108  }
0x21: {  	s3 =	sadd.s32 s3, s9;
	s6 =	sadd.s32 @!p0 $0x88, s6;
	s7 =	simm.s32 @p2 $0x1082  }
0x22: {  	[simem:s7], [sflag:s8] =	dma.local @!p0 [hbm:s6], $0xF7A  }
0x23: {  	s9 =	sor.u32 $0xD0000000, s2;
	s6 =	simm.s32 $0x108;
	_ =	swait.ge @!p0 [sflag:s8], $0x0  }
0x24: {  	s3 =	sadd.s32 $0x88, s3;
	s6 =	simm.s32 @!p1 $0x1082;
	[sflag:s4] =	ssyncset.s32 $0xFFFFF086  }
0x25: {  	[simem:s6], [sflag:s4] =	dma.local [hbm:s3], $0xF7A  }
0x26: {  	[smem:$0x3F9F] =	sst s1;
	(tag) =	ssettag s2;
	_ =	strace s9  }
0x27: {  	s1 =	sld [smem:$0x3FAF]  }
0x28: {  	s2 =	sld [smem:$0x3FB0]  }
0x29: {  	s4 =	sld [smem:$0x3FB2]  }
0x2a: {  	p0 =	seq.s32 s5, $0x0;
	s5 =	sld [smem:$0x3FB3]  }
0x2b: {  	s6 =	sld [smem:$0x3FB4]  }
0x2c: {  	s7 =	sld [smem:$0x3FB5]  }
0x2d: {  	s3 =	simm.s32 $0x108;
	s8 =	sld [smem:$0x3FB6]  }
0x2e: {  	s3 =	simm.s32 @!p0 $0x1082;
	s9 =	sld [smem:$0x3FB7]  }
0x2f: {  	lr =	sadd.s32 s0, s3;
	s0 =	sld [smem:$0x3FAE]  }
0x30: {  	s3 =	sld [smem:$0x3FB1]  }
0x31: {  	[smem:$0x3FBA] =	sst s10  }
0x32: {  	s10 =	sld [smem:$0x3FB8];
	_ =	sdelay $0x3  }
0x33: {  	p0 =	seq.s32 s10, $0x1;
	s10 =	sld [smem:$0x3FBA];
	_ =	sdelay $0x3  }
0x34: {  	[smem:$0x3FBA] =	sst s10  }
0x35: {  	s10 =	sld [smem:$0x3FB9];
	_ =	sdelay $0x3  }
0x36: {  	p1 =	seq.s32 s10, $0x1;
	s10 =	sld [smem:$0x3FBA];
	_ =	sdelay $0x3  }
0x37: {  	[smem:$0x3FBA] =	sst s10  }
0x38: {  	s10 =	sld [smem:$0x3FBB]  }
0x39: {  	_ = 	snop;
	(pc) =	sbr.ind lr, $3  }
0x3a: {  	_ = 	snop  }
0x3b: {  	_ = 	snop  }
0x3c: {  	p2 =	seq.s32 s10, $0x1;
	s10 =	sld [smem:$0x3FBA]  }
0x3d: {  	_ =	shalt  }
0x3e: {  	_ =	shalt  }
0x3f: {  	_ =	shalt  }
0x40: {  	_ =	shalt  }
0x41: {  	_ =	shalt  }
0x42: {  	_ =	shalt  }
0x43: {  	_ =	shalt  }
0x44: {  	_ =	shalt  }
0x45: {  	_ =	shalt  }
0x46: {  	_ =	shalt  }
0x47: {  	_ =	shalt  }
0x48: {  	_ =	shalt  }
0x49: {  	_ =	shalt  }
0x4a: {  	_ =	shalt  }
0x4b: {  	_ =	shalt  }
0x4c: {  	_ =	shalt  }
0x4d: {  	_ =	shalt  }
0x4e: {  	_ =	shalt  }
0x4f: {  	_ =	shalt  }
0x50: {  	_ =	shalt  }
0x51: {  	_ =	shalt  }
0x52: {  	_ =	shalt  }
0x53: {  	_ =	shalt  }
0x54: {  	_ =	shalt  }
0x55: {  	_ =	shalt  }
0x56: {  	_ =	shalt  }
0x57: {  	_ =	shalt  }
0x58: {  	_ =	shalt  }
0x59: {  	_ =	shalt  }
0x5a: {  	_ =	shalt  }
0x5b: {  	_ =	shalt  }
0x5c: {  	_ =	shalt  }
0x5d: {  	_ =	shalt  }
0x5e: {  	_ =	shalt  }
0x5f: {  	_ =	shalt  }
0x60: {  	_ =	shalt  }
0x61: {  	_ =	shalt  }
0x62: {  	_ =	shalt  }
0x63: {  	_ =	shalt  }
0x64: {  	_ =	shalt  }
0x65: {  	_ =	shalt  }
0x66: {  	_ =	shalt  }
0x67: {  	_ =	shalt  }
0x68: {  	_ =	shalt  }
0x69: {  	_ =	shalt  }
0x6a: {  	_ =	shalt  }
0x6b: {  	_ =	shalt  }
0x6c: {  	_ =	shalt  }
0x6d: {  	_ =	shalt  }
0x6e: {  	_ =	shalt  }
0x6f: {  	_ =	shalt  }
0x70: {  	_ =	shalt  }
0x71: {  	_ =	shalt  }
0x72: {  	_ =	shalt  }
0x73: {  	_ =	shalt  }
0x74: {  	_ =	shalt  }
0x75: {  	_ =	shalt  }
0x76: {  	_ =	shalt  }
0x77: {  	_ =	shalt  }
0x78: {  	_ =	shalt  }
0x79: {  	_ =	shalt  }
0x7a: {  	_ =	shalt  }
0x7b: {  	_ =	shalt  }
0x7c: {  	_ =	shalt  }
0x7d: {  	_ =	shalt  }
0x7e: {  	_ =	shalt  }
0x7f: {  	_ =	shalt  }
0x80: {  	_ =	shalt  }
0x81: {  	_ =	shalt  }
0x82: {  	_ =	shalt  }
0x83: {  	_ =	shalt  }
0x84: {  	_ =	shalt  }
0x85: {  	_ =	shalt  }
0x86: {  	_ =	shalt  }
0x87: {  	_ =	shalt  }
.Lfunc_end0:
.L_simem_size_0:
called_computation.1_lowered:
.L_overlay_start_0:
0x88: {  	s2 =	sld [smem:$0x3FD9]  }
0x89: {  	s3 =	sld [smem:$0x3FFE];
	_ =	sdelay $0x1  }
0x8a: {  	s1 =	srdreg.scid  }
0x8b: {  	s0 =	sand.u32 $0x1, s1  }
0x8c: {  	s17 =	sshll.u32 s0, $0xA;
	s2 =	sadd.s32 s3, s2  }
0x8d: {  	s2 =	sadd.s32 s2, s17  }
0x8e: {  	[smem:$0x3FC6] =	sst s2  }
0x8f: {  	_ = 	snop  }
0x90: {  	s2 =	sld [smem:$0x3FD0];
	(tm) =	ssettm $0x1  }
0x91: {  	s18 =	sld [smem:$0x3FFB];
	_ =	sdelay $0x3  }
0x92: {  	_ =	strace s18  }
0x93: {  	s3 =	sld [smem:$0x3FFC];
	_ =	sdelay $0x3  }
0x94: {  	_ =	strace s3  }
0x95: {  	s3 =	sld [smem:$0x3FFD];
	_ =	sdelay $0x3  }
0x96: {  	_ =	strace s3  }
0x97: {  	_ =	strace $0x8FFFFFFF  }
0x98: {  	s19 =	sld [smem:$0x3FDB];
	_ =	sdelay $0x1  }
0x99: {  	s4 =	simm.s32 $_scs_section_size  }
0x9a: {  	s5 =	simm.s32 $_size__tile_overlayer_lowered;
	s6 =	simm.s32 $_tile_overlayer_lowered  }
0x9b: {  	s22 =	simm.s32 $0x1BFF;
	s21 =	sshll.u32 s6, $0x1;
	s3 =	sadd.s32 s4, s19  }
0x9c: {  	s7 =	simm.s32 $0x0;
	s20 =	sshll.u32 s5, $0x1;
	s5 =	sadd.s32 s21, s3  }
0x9d: {  	[timem:s7], [sflag:s22] =	dma.local [hbm:s5], s20  }
0x9e: {  	_ =	swait.ge [sflag:s22], s20  }
0x9f: {  	s4 =	ssub.s32 $0x0, s20;
	[sflag:s22] =	ssyncset.done $0x0  }
0xa0: {  	[sflag:s22] =	ssyncadd.s32 s4;
	_ =	sdelay $0x1  }
0xa1: {  	s23 =	simm.s32 $0x1B8B  }
0xa2: {  	_ =	swait.ge [sflag:s23], $0x1  }
0xa3: {  	[sflag:s23] =	ssyncset.done $0x0  }
0xa4: {  	s25 =	simm.s32 $0x1B8E;
	s24 =	sld [smem:$0x3FFE];
	[sflag:s23] =	ssyncadd.s32 $0xFFFFFFFF  }
0xa5: {  	s26 =	simm.s32 $execute0_lowered;
	[smem:$0x3FD2] =	sst s25  }
0xa6: {  	s5 =	sshll.u32 s26, $0x1;
	_ =	strace $0x80000046;
	[dreg:$0x1] =	wrdreg $0xFFFFFFFF  }
0xa7: {  	s28 =	simm.s32 $_size_execute0_lowered;
	s3 =	sadd.s32 s3, s5;
	[dreg:$0x0] =	wrdreg $0x0  }
0xa8: {  	s5 =	sshll.u32 s28, $0x1;
	[dreg:$0x2] =	wrdreg s3  }
0xa9: {  	[dreg:$0x3] =	wrdreg s5  }
0xaa: {  	[dreg:$0x4] =	wrdreg $0xC0  }
0xab: {  	_ =	task [dreg:s7], $0x5FFFF  }
0xac: {  	[dreg:$0x1] =	wrdreg $0xFFFFFFFF  }
0xad: {  	[dreg:$0x0] =	wrdreg $0x60  }
0xae: {  	[dreg:$0x2] =	wrdreg s24  }
0xaf: {  	[dreg:$0x3] =	wrdreg s2  }
0xb0: {  	[dreg:$0x4] =	wrdreg $0x9  }
0xb1: {  	_ =	task.clear_ibuf [dreg:s7], $0x5FFFF;
	_ =	strace $0x90000046  }
0xb2: {  	s29 =	simm.s32 $0x9;
	_ =	strace $0x80000048  }
0xb3: {  	_ =	swait.ge [sflag:s29], $0x1  }
0xb4: {  	[sflag:s29] =	ssyncadd.s32 $0xFFFFFFFF  }
0xb5: {  	_ =	strace $0x90000048  }
0xb6: {  	_ =	sfence  }
0xb7: {  	s30 =	sld [smem:$0x0];
	_ =	sdelay $0x2  }
0xb8: {  	s31 =	sshll.u32 s1, $0xD;
	s1 =	sshrl.u32 s1, $0x2  }
0xb9: {  	s3 =	sand.u32 $0x4000, s31;
	s1 =	sadd.s32 s1, s30  }
0xba: {  	s0 =	sor.u32 s3, s0;
	s1 =	sshll.u32 s1, $0x11  }
0xbb: {  	s0 =	sor.u32 s1, s0  }
0xbc: {  	s0 =	sadd.s32 $0x8F2B, s0  }
0xbd: {  	[sflag:s0] =	ssyncadd.remote.s32 $0x1  }
0xbe: {  	_ =	sfence.sel $0xFFFF  }
0xbf: {  	[dreg:$0x0] =	wrdreg $0xFFFFFFFF;
	(pc) =	sbr.abs _section_cstart, $3  }
0xc0: {  	[dreg:$0x1] =	wrdreg $0xFFFFFFFF  }
0xc1: {  	_ =	task.clear_ibuf [dreg:s7], $0x2FFFF;
	_ =	strace $0x9FFFFFFF  }
0xc2: {  	(tm) =	ssettm $0x7FFFFFFF  }
0xc3: {  	_ =	shalt  }
tec
execute0_lowered:
.L_overlay_start_1:
0x0: {  	(tag) =	ssettag $0x1  }
0x1: {  	s0 =	srdreg.scid;
	s6 =	rddreg [dreg:$0x0]  }
0x2: {  	s2 =	rddreg [dreg:$0x1];
	s3 =	simm.s32 $0x0;
	s13 =	simm.s32 $0x12C00  }
0x3: {  	s14 =	simm.s32 $0x5;
	s15 =	simm.s32 $0x190;
	s16 =	simm.s32 $0x6400  }
0x4: {  	s17 =	simm.s32 $0xC800;
	s18 =	simm.s32 $0x1;
	s19 =	simm.s32 $0x3  }
0x5: {  	s20 =	simm.s32 $0x320;
	s21 =	simm.s32 $0x2;
	s5 =	sand.u32 $0x1, s0  }
0x6: {  	s22 =	simm.s32 $0x4;
	s0 =	stileid.u32;
	s1 =	sshll.u32 s5, $0x4  }
0x7: {  	s23 =	simm.s32 $0x6270;
	s24 =	simm.s32 $0x0;
	s7 =	sor.u32 s0, s1  }
0x8: {  	[smem:$0x7FF] =	sst s3;
	s10 =	ssub.s32 $0x2, s5;
	s4 =	smul.u32 $0x6400, s7  }
0x9: {  	s5 =	sadd.s32 $0xF43200, s6;
	s30 =	sshrl.u32 s10, $0x1;
	s9 =	smul.u32 $0x32000, s7  }
0xa: {  	s1 =	rddreg [dreg:$0x2];
	s11 =	smul.u32 $0x190000, s7;
	s12 =	ssub.s32 s10, s30  }
0xb: {  	_ =	strace $0x80000047;
	s12 =	smax.u32 s12, $0x1;
	s8 =	sshrl.u32 s4, $0x3  }
0xc: {  	s7 =	sadd.s32 s2, s9;
	s31 =	sshrl.u32 s11, $0x3;
	s8 =	sadd.s32 s8, s6  }
0xd: {  	s6 =	sadd.s32 $0x600, s6;
	s9 =	sadd.s32 $0xC80, s7;
	s11 =	sadd.s32 s2, s31  }
0xe: {  	s8 =	sadd.s32 $0xE00, s8;
	s10 =	sadd.s32 $0x30700, s11;
	s11 =	sadd.s32 $0x31380, s11  }
.LBB2_1:
0xf: {  	[tilespmem:s13], [sflag:$0x5] =	stream.linear.gather [hbm4b:s6+s3], $0x3200, $0x38;
	[tilespmem:$0x15E00] =	vst v63  }
0x10: {  	_ =	swait.ge [sflag:s14], $0x3200  }
0x11: {  	[sflag:s14] =	ssyncset.done $0x0  }
0x12: {  	[sflag:s14] =	ssyncadd.s32 $0xFFFFCE00  }
0x13: {  	[tilespmem:s3], [sflag:$0x5] =	stream.linear.gather [hbm4b:s8+s3], $0x6400, $0x38;
	[tilespmem:$0x15E00] =	vst v63  }
0x14: {  	_ =	swait.ge [sflag:s14], $0x6400  }
0x15: {  	[sflag:s14] =	ssyncset.done $0x0  }
0x16: {  	[sflag:s14] =	ssyncadd.s32 $0xFFFF9C00  }
0x17: {  	[tilespmem:s16], [sflag:$0x1] =	stream.indirect.gather [hbm4b:s5+s15], $0x40, s3, s15, $0xb8;
	[tilespmem:$0x15E00] =	vst v63  }
0x18: {  	_ = 	snop  }
0x19: {  	[tilespmem:s17], [sflag:$0x2] =	stream.indirect.gather [hbm4b:s5+s15], $0x40, s15, s15, $0xb8;
	[tilespmem:$0x15E00] =	vst v63  }
0x1a: {  	_ =	swait.ge [sflag:s18], $0x6400  }
0x1b: {  	[sflag:s18] =	ssyncset.done $0x0  }
0x1c: {  	s25 =	simm.s32 $0x0;
	[sflag:s18] =	ssyncadd.s32 $0xFFFF9C00  }
0x1d: {  	v0 =	vld [tilespmem:s25+$0x12CF0]  }
0x1e: {  	v1 =	vld [tilespmem:s25+$0x12C00]  }
0x1f: {  	v2 =	vld [tilespmem:s25+$0x12C10]  }
0x20: {  	v3 =	vld [tilespmem:s25+$0x12C20]  }
0x21: {  	v4 =	vld [tilespmem:s25+$0x12C30]  }
0x22: {  	v5 =	vld [tilespmem:s25+$0x12C40]  }
0x23: {  	v6 =	vld [tilespmem:s25+$0x12C50]  }
0x24: {  	v7 =	vld [tilespmem:s25+$0x12C60]  }
0x25: {  	v8 =	vld [tilespmem:s25+$0x12C70]  }
0x26: {  	v9 =	vld [tilespmem:s25+$0x12C80]  }
0x27: {  	v10 =	vld [tilespmem:s25+$0x12C90]  }
0x28: {  	v11 =	vld [tilespmem:s25+$0x12CA0]  }
0x29: {  	v12 =	vld [tilespmem:s25+$0x12CB0]  }
0x2a: {  	v13 =	vld [tilespmem:s25+$0x12CC0]  }
0x2b: {  	v14 =	vld [tilespmem:s25+$0x12CD0]  }
0x2c: {  	v15 =	vld [tilespmem:s25+$0x12CE0]  }
0x2d: {  	[tilespmem:s25+$0x96F0] =	vst.add.f32.msk $0xffff, v0  }
0x2e: {  	[tilespmem:s25+$0x6400] =	vst.add.f32.msk $0xffff, v1  }
0x2f: {  	[tilespmem:s25+$0x9600] =	vst.add.f32.msk $0xffff, v1  }
0x30: {  	[tilespmem:s25+$0x6410] =	vst.add.f32.msk $0xffff, v2  }
0x31: {  	[tilespmem:s25+$0x9610] =	vst.add.f32.msk $0xffff, v2  }
0x32: {  	[tilespmem:s25+$0x6420] =	vst.add.f32.msk $0xffff, v3  }
0x33: {  	[tilespmem:s25+$0x9620] =	vst.add.f32.msk $0xffff, v3  }
0x34: {  	[tilespmem:s25+$0x6430] =	vst.add.f32.msk $0xffff, v4  }
0x35: {  	[tilespmem:s25+$0x9630] =	vst.add.f32.msk $0xffff, v4  }
0x36: {  	[tilespmem:s25+$0x6440] =	vst.add.f32.msk $0xffff, v5  }
0x37: {  	[tilespmem:s25+$0x9640] =	vst.add.f32.msk $0xffff, v5  }
0x38: {  	[tilespmem:s25+$0x6450] =	vst.add.f32.msk $0xffff, v6  }
0x39: {  	[tilespmem:s25+$0x9650] =	vst.add.f32.msk $0xffff, v6  }
0x3a: {  	[tilespmem:s25+$0x6460] =	vst.add.f32.msk $0xffff, v7  }
0x3b: {  	[tilespmem:s25+$0x9660] =	vst.add.f32.msk $0xffff, v7  }
0x3c: {  	[tilespmem:s25+$0x6470] =	vst.add.f32.msk $0xffff, v8  }
0x3d: {  	[tilespmem:s25+$0x9670] =	vst.add.f32.msk $0xffff, v8  }
0x3e: {  	[tilespmem:s25+$0x6480] =	vst.add.f32.msk $0xffff, v9  }
0x3f: {  	[tilespmem:s25+$0x9680] =	vst.add.f32.msk $0xffff, v9  }
0x40: {  	[tilespmem:s25+$0x6490] =	vst.add.f32.msk $0xffff, v10  }
0x41: {  	[tilespmem:s25+$0x9690] =	vst.add.f32.msk $0xffff, v10  }
0x42: {  	[tilespmem:s25+$0x64A0] =	vst.add.f32.msk $0xffff, v11  }
0x43: {  	[tilespmem:s25+$0x96A0] =	vst.add.f32.msk $0xffff, v11  }
0x44: {  	[tilespmem:s25+$0x64B0] =	vst.add.f32.msk $0xffff, v12  }
0x45: {  	[tilespmem:s25+$0x96B0] =	vst.add.f32.msk $0xffff, v12  }
0x46: {  	[tilespmem:s25+$0x64C0] =	vst.add.f32.msk $0xffff, v13  }
0x47: {  	[tilespmem:s25+$0x96C0] =	vst.add.f32.msk $0xffff, v13  }
0x48: {  	[tilespmem:s25+$0x64D0] =	vst.add.f32.msk $0xffff, v14  }
0x49: {  	[tilespmem:s25+$0x96D0] =	vst.add.f32.msk $0xffff, v14  }
0x4a: {  	[tilespmem:s25+$0x64E0] =	vst.add.f32.msk $0xffff, v15  }
0x4b: {  	s26 =	simm.s32 $0x0;
	s28 =	simm.s32 $0x400;
	[tilespmem:s25+$0x96E0] =	vst.add.f32.msk $0xffff, v15  }
.LBB2_2:
0x4c: {  	s26 =	sadd.s32 $0x4, s26;
	[tilespmem:s25+$0x64F0] =	vst.add.f32.msk $0xffff, v0;
	s25 =	sshra.s32 s28, $0x2  }
0x4d: {  	v0 =	vld [tilespmem:s25+$0x12CF0];
	p0 =	slt.u32 s26, $0xC4  }
0x4e: {  	v1 =	vld [tilespmem:s25+$0x12C00]  }
0x4f: {  	v2 =	vld [tilespmem:s25+$0x12C10]  }
0x50: {  	v3 =	vld [tilespmem:s25+$0x12C20]  }
0x51: {  	v4 =	vld [tilespmem:s25+$0x12C30]  }
0x52: {  	[tilespmem:s25+$0x96F0] =	vst.add.f32.msk $0xffff, v0  }
0x53: {  	v5 =	vld [tilespmem:s25+$0x12C40]  }
0x54: {  	v6 =	vld [tilespmem:s25+$0x12C50]  }
0x55: {  	v7 =	vld [tilespmem:s25+$0x12C60]  }
0x56: {  	v8 =	vld [tilespmem:s25+$0x12C70]  }
0x57: {  	v9 =	vld [tilespmem:s25+$0x12C80]  }
0x58: {  	v10 =	vld [tilespmem:s25+$0x12C90]  }
0x59: {  	v11 =	vld [tilespmem:s25+$0x12CA0]  }
0x5a: {  	v12 =	vld [tilespmem:s25+$0x12CB0]  }
0x5b: {  	v13 =	vld [tilespmem:s25+$0x12CC0]  }
0x5c: {  	v14 =	vld [tilespmem:s25+$0x12CD0]  }
0x5d: {  	v15 =	vld [tilespmem:s25+$0x12CE0]  }
0x5e: {  	[tilespmem:s25+$0x6400] =	vst.add.f32.msk $0xffff, v1  }
0x5f: {  	[tilespmem:s25+$0x9600] =	vst.add.f32.msk $0xffff, v1  }
0x60: {  	[tilespmem:s25+$0x6410] =	vst.add.f32.msk $0xffff, v2  }
0x61: {  	[tilespmem:s25+$0x9610] =	vst.add.f32.msk $0xffff, v2  }
0x62: {  	[tilespmem:s25+$0x6420] =	vst.add.f32.msk $0xffff, v3  }
0x63: {  	[tilespmem:s25+$0x9620] =	vst.add.f32.msk $0xffff, v3  }
0x64: {  	[tilespmem:s25+$0x6430] =	vst.add.f32.msk $0xffff, v4  }
0x65: {  	[tilespmem:s25+$0x9630] =	vst.add.f32.msk $0xffff, v4  }
0x66: {  	[tilespmem:s25+$0x6440] =	vst.add.f32.msk $0xffff, v5  }
0x67: {  	[tilespmem:s25+$0x9640] =	vst.add.f32.msk $0xffff, v5  }
0x68: {  	[tilespmem:s25+$0x6450] =	vst.add.f32.msk $0xffff, v6  }
0x69: {  	[tilespmem:s25+$0x9650] =	vst.add.f32.msk $0xffff, v6  }
0x6a: {  	[tilespmem:s25+$0x6460] =	vst.add.f32.msk $0xffff, v7  }
0x6b: {  	[tilespmem:s25+$0x9660] =	vst.add.f32.msk $0xffff, v7  }
0x6c: {  	[tilespmem:s25+$0x6470] =	vst.add.f32.msk $0xffff, v8  }
0x6d: {  	[tilespmem:s25+$0x9670] =	vst.add.f32.msk $0xffff, v8  }
0x6e: {  	[tilespmem:s25+$0x6480] =	vst.add.f32.msk $0xffff, v9  }
0x6f: {  	[tilespmem:s25+$0x9680] =	vst.add.f32.msk $0xffff, v9  }
0x70: {  	[tilespmem:s25+$0x6490] =	vst.add.f32.msk $0xffff, v10  }
0x71: {  	[tilespmem:s25+$0x9690] =	vst.add.f32.msk $0xffff, v10  }
0x72: {  	[tilespmem:s25+$0x64A0] =	vst.add.f32.msk $0xffff, v11  }
0x73: {  	[tilespmem:s25+$0x96A0] =	vst.add.f32.msk $0xffff, v11  }
0x74: {  	[tilespmem:s25+$0x64B0] =	vst.add.f32.msk $0xffff, v12  }
0x75: {  	[tilespmem:s25+$0x96B0] =	vst.add.f32.msk $0xffff, v12  }
0x76: {  	[tilespmem:s25+$0x64C0] =	vst.add.f32.msk $0xffff, v13  }
.Ltmp0:
0x77: {  	[tilespmem:s25+$0x96C0] =	vst.add.f32.msk $0xffff, v13;
	(pc) =	sbr.rel @p0 .LBB2_2-.Ltmp0, $4  }
0x78: {  	[tilespmem:s25+$0x64D0] =	vst.add.f32.msk $0xffff, v14  }
0x79: {  	[tilespmem:s25+$0x96D0] =	vst.add.f32.msk $0xffff, v14  }
0x7a: {  	[tilespmem:s25+$0x64E0] =	vst.add.f32.msk $0xffff, v15  }
0x7b: {  	s28 =	sadd.s32 $0x400, s28;
	[tilespmem:s25+$0x96E0] =	vst.add.f32.msk $0xffff, v15  }
0x7c: {  	[tilespmem:s25+$0x64F0] =	vst.add.f32.msk $0xffff, v0;
	s31 =	simm.s32 $0x0  }
0x7d: {  	[hbm4b:s7+s31] =	stream.linear.scatter [tilespmem:s16], [sflag:$0x3], $0x6400, $0x38;
	[tilespmem:$0x15E00] =	vst v63  }
0x7e: {  	_ =	swait.ge [sflag:s19], $0x6400  }
0x7f: {  	[sflag:s19] =	ssyncset.done $0x0  }
0x80: {  	[sflag:s19] =	ssyncadd.s32 $0xFFFF9C00  }
0x81: {  	[tilespmem:s16], [sflag:$0x1] =	stream.indirect.gather [hbm4b:s5+s15], $0x40, s20, s15, $0xb8;
	[tilespmem:$0x15E00] =	vst v63  }
0x82: {  	_ =	swait.ge [sflag:s21], $0x6400  }
0x83: {  	[sflag:s21] =	ssyncset.done $0x0  }
0x84: {  	s25 =	simm.s32 $0x0;
	[sflag:s21] =	ssyncadd.s32 $0xFFFF9C00  }
0x85: {  	v0 =	vld [tilespmem:s25+$0x12CF0]  }
0x86: {  	v1 =	vld [tilespmem:s25+$0x12C00]  }
0x87: {  	v2 =	vld [tilespmem:s25+$0x12C10]  }
0x88: {  	v3 =	vld [tilespmem:s25+$0x12C20]  }
0x89: {  	v4 =	vld [tilespmem:s25+$0x12C30]  }
0x8a: {  	v5 =	vld [tilespmem:s25+$0x12C40]  }
0x8b: {  	v6 =	vld [tilespmem:s25+$0x12C50]  }
0x8c: {  	v7 =	vld [tilespmem:s25+$0x12C60]  }
0x8d: {  	v8 =	vld [tilespmem:s25+$0x12C70]  }
0x8e: {  	v9 =	vld [tilespmem:s25+$0x12C80]  }
0x8f: {  	v10 =	vld [tilespmem:s25+$0x12C90]  }
0x90: {  	v11 =	vld [tilespmem:s25+$0x12CA0]  }
0x91: {  	v12 =	vld [tilespmem:s25+$0x12CB0]  }
0x92: {  	v13 =	vld [tilespmem:s25+$0x12CC0]  }
0x93: {  	v14 =	vld [tilespmem:s25+$0x12CD0]  }
0x94: {  	v15 =	vld [tilespmem:s25+$0x12CE0]  }
0x95: {  	[tilespmem:s25+$0xFAF0] =	vst.add.f32.msk $0xffff, v0  }
0x96: {  	[tilespmem:s25+$0xC800] =	vst.add.f32.msk $0xffff, v1  }
0x97: {  	[tilespmem:s25+$0xFA00] =	vst.add.f32.msk $0xffff, v1  }
0x98: {  	[tilespmem:s25+$0xC810] =	vst.add.f32.msk $0xffff, v2  }
0x99: {  	[tilespmem:s25+$0xFA10] =	vst.add.f32.msk $0xffff, v2  }
0x9a: {  	[tilespmem:s25+$0xC820] =	vst.add.f32.msk $0xffff, v3  }
0x9b: {  	[tilespmem:s25+$0xFA20] =	vst.add.f32.msk $0xffff, v3  }
0x9c: {  	[tilespmem:s25+$0xC830] =	vst.add.f32.msk $0xffff, v4  }
0x9d: {  	[tilespmem:s25+$0xFA30] =	vst.add.f32.msk $0xffff, v4  }
0x9e: {  	[tilespmem:s25+$0xC840] =	vst.add.f32.msk $0xffff, v5  }
0x9f: {  	[tilespmem:s25+$0xFA40] =	vst.add.f32.msk $0xffff, v5  }
0xa0: {  	[tilespmem:s25+$0xC850] =	vst.add.f32.msk $0xffff, v6  }
0xa1: {  	[tilespmem:s25+$0xFA50] =	vst.add.f32.msk $0xffff, v6  }
0xa2: {  	[tilespmem:s25+$0xC860] =	vst.add.f32.msk $0xffff, v7  }
0xa3: {  	[tilespmem:s25+$0xFA60] =	vst.add.f32.msk $0xffff, v7  }
0xa4: {  	[tilespmem:s25+$0xC870] =	vst.add.f32.msk $0xffff, v8  }
0xa5: {  	[tilespmem:s25+$0xFA70] =	vst.add.f32.msk $0xffff, v8  }
0xa6: {  	[tilespmem:s25+$0xC880] =	vst.add.f32.msk $0xffff, v9  }
0xa7: {  	[tilespmem:s25+$0xFA80] =	vst.add.f32.msk $0xffff, v9  }
0xa8: {  	[tilespmem:s25+$0xC890] =	vst.add.f32.msk $0xffff, v10  }
0xa9: {  	[tilespmem:s25+$0xFA90] =	vst.add.f32.msk $0xffff, v10  }
0xaa: {  	[tilespmem:s25+$0xC8A0] =	vst.add.f32.msk $0xffff, v11  }
0xab: {  	[tilespmem:s25+$0xFAA0] =	vst.add.f32.msk $0xffff, v11  }
0xac: {  	[tilespmem:s25+$0xC8B0] =	vst.add.f32.msk $0xffff, v12  }
0xad: {  	[tilespmem:s25+$0xFAB0] =	vst.add.f32.msk $0xffff, v12  }
0xae: {  	[tilespmem:s25+$0xC8C0] =	vst.add.f32.msk $0xffff, v13  }
0xaf: {  	[tilespmem:s25+$0xFAC0] =	vst.add.f32.msk $0xffff, v13  }
0xb0: {  	[tilespmem:s25+$0xC8D0] =	vst.add.f32.msk $0xffff, v14  }
0xb1: {  	[tilespmem:s25+$0xFAD0] =	vst.add.f32.msk $0xffff, v14  }
0xb2: {  	[tilespmem:s25+$0xC8E0] =	vst.add.f32.msk $0xffff, v15  }
0xb3: {  	s26 =	simm.s32 $0x0;
	s28 =	simm.s32 $0x400;
	[tilespmem:s25+$0xFAE0] =	vst.add.f32.msk $0xffff, v15  }
.LBB2_4:
0xb4: {  	s26 =	sadd.s32 $0x4, s26;
	[tilespmem:s25+$0xC8F0] =	vst.add.f32.msk $0xffff, v0;
	s25 =	sshra.s32 s28, $0x2  }
0xb5: {  	v0 =	vld [tilespmem:s25+$0x12CF0];
	p0 =	slt.u32 s26, $0xC4  }
0xb6: {  	v1 =	vld [tilespmem:s25+$0x12C00]  }
0xb7: {  	v2 =	vld [tilespmem:s25+$0x12C10]  }
0xb8: {  	v3 =	vld [tilespmem:s25+$0x12C20]  }
0xb9: {  	v4 =	vld [tilespmem:s25+$0x12C30]  }
0xba: {  	[tilespmem:s25+$0xFAF0] =	vst.add.f32.msk $0xffff, v0  }
0xbb: {  	v5 =	vld [tilespmem:s25+$0x12C40]  }
0xbc: {  	v6 =	vld [tilespmem:s25+$0x12C50]  }
0xbd: {  	v7 =	vld [tilespmem:s25+$0x12C60]  }
0xbe: {  	v8 =	vld [tilespmem:s25+$0x12C70]  }
0xbf: {  	v9 =	vld [tilespmem:s25+$0x12C80]  }
0xc0: {  	v10 =	vld [tilespmem:s25+$0x12C90]  }
0xc1: {  	v11 =	vld [tilespmem:s25+$0x12CA0]  }
0xc2: {  	v12 =	vld [tilespmem:s25+$0x12CB0]  }
0xc3: {  	v13 =	vld [tilespmem:s25+$0x12CC0]  }
0xc4: {  	v14 =	vld [tilespmem:s25+$0x12CD0]  }
0xc5: {  	v15 =	vld [tilespmem:s25+$0x12CE0]  }
0xc6: {  	[tilespmem:s25+$0xC800] =	vst.add.f32.msk $0xffff, v1  }
0xc7: {  	[tilespmem:s25+$0xFA00] =	vst.add.f32.msk $0xffff, v1  }
0xc8: {  	[tilespmem:s25+$0xC810] =	vst.add.f32.msk $0xffff, v2  }
0xc9: {  	[tilespmem:s25+$0xFA10] =	vst.add.f32.msk $0xffff, v2  }
0xca: {  	[tilespmem:s25+$0xC820] =	vst.add.f32.msk $0xffff, v3  }
0xcb: {  	[tilespmem:s25+$0xFA20] =	vst.add.f32.msk $0xffff, v3  }
0xcc: {  	[tilespmem:s25+$0xC830] =	vst.add.f32.msk $0xffff, v4  }
0xcd: {  	[tilespmem:s25+$0xFA30] =	vst.add.f32.msk $0xffff, v4  }
0xce: {  	[tilespmem:s25+$0xC840] =	vst.add.f32.msk $0xffff, v5  }
0xcf: {  	[tilespmem:s25+$0xFA40] =	vst.add.f32.msk $0xffff, v5  }
0xd0: {  	[tilespmem:s25+$0xC850] =	vst.add.f32.msk $0xffff, v6  }
0xd1: {  	[tilespmem:s25+$0xFA50] =	vst.add.f32.msk $0xffff, v6  }
0xd2: {  	[tilespmem:s25+$0xC860] =	vst.add.f32.msk $0xffff, v7  }
0xd3: {  	[tilespmem:s25+$0xFA60] =	vst.add.f32.msk $0xffff, v7  }
0xd4: {  	[tilespmem:s25+$0xC870] =	vst.add.f32.msk $0xffff, v8  }
0xd5: {  	[tilespmem:s25+$0xFA70] =	vst.add.f32.msk $0xffff, v8  }
0xd6: {  	[tilespmem:s25+$0xC880] =	vst.add.f32.msk $0xffff, v9  }
0xd7: {  	[tilespmem:s25+$0xFA80] =	vst.add.f32.msk $0xffff, v9  }
0xd8: {  	[tilespmem:s25+$0xC890] =	vst.add.f32.msk $0xffff, v10  }
0xd9: {  	[tilespmem:s25+$0xFA90] =	vst.add.f32.msk $0xffff, v10  }
0xda: {  	[tilespmem:s25+$0xC8A0] =	vst.add.f32.msk $0xffff, v11  }
0xdb: {  	[tilespmem:s25+$0xFAA0] =	vst.add.f32.msk $0xffff, v11  }
0xdc: {  	[tilespmem:s25+$0xC8B0] =	vst.add.f32.msk $0xffff, v12  }
0xdd: {  	[tilespmem:s25+$0xFAB0] =	vst.add.f32.msk $0xffff, v12  }
0xde: {  	[tilespmem:s25+$0xC8C0] =	vst.add.f32.msk $0xffff, v13  }
.Ltmp1:
0xdf: {  	[tilespmem:s25+$0xFAC0] =	vst.add.f32.msk $0xffff, v13;
	(pc) =	sbr.rel @p0 .LBB2_4-.Ltmp1, $4  }
0xe0: {  	[tilespmem:s25+$0xC8D0] =	vst.add.f32.msk $0xffff, v14  }
0xe1: {  	[tilespmem:s25+$0xFAD0] =	vst.add.f32.msk $0xffff, v14  }
0xe2: {  	[tilespmem:s25+$0xC8E0] =	vst.add.f32.msk $0xffff, v15  }
0xe3: {  	s28 =	sadd.s32 $0x400, s28;
	[tilespmem:s25+$0xFAE0] =	vst.add.f32.msk $0xffff, v15  }
0xe4: {  	[tilespmem:s25+$0xC8F0] =	vst.add.f32.msk $0xffff, v0;
	s25 =	simm.s32 $0x1  }
0xe5: {  	[hbm4b:s9+s3] =	stream.linear.scatter [tilespmem:s17], [sflag:$0x4], $0x6400, $0x38;
	[tilespmem:$0x15E00] =	vst v63  }
.LBB2_6:
0xe6: {  	_ =	swait.ge [sflag:s22], $0x6400;
	s28 =	smul.u32 $0x320, s25  }
0xe7: {  	[sflag:s22] =	ssyncset.done $0x0  }
0xe8: {  	[sflag:s22] =	ssyncadd.s32 $0xFFFF9C00;
	s26 =	sadd.s32 $0x190, s28  }
0xe9: {  	[tilespmem:s17], [sflag:$0x2] =	stream.indirect.gather [hbm4b:s5+s15], $0x40, s26, s15, $0xb8;
	[tilespmem:$0x15E00] =	vst v63  }
0xea: {  	_ =	swait.ge [sflag:s18], $0x6400  }
0xeb: {  	[sflag:s18] =	ssyncset.done $0x0  }
0xec: {  	s29 =	simm.s32 $0x0;
	[sflag:s18] =	ssyncadd.s32 $0xFFFF9C00  }
0xed: {  	v0 =	vld [tilespmem:s29+$0x12CF0]  }
0xee: {  	v1 =	vld [tilespmem:s29+$0x12C00]  }
0xef: {  	v2 =	vld [tilespmem:s29+$0x12C10]  }
0xf0: {  	v3 =	vld [tilespmem:s29+$0x12C20]  }
0xf1: {  	v4 =	vld [tilespmem:s29+$0x12C30]  }
0xf2: {  	v5 =	vld [tilespmem:s29+$0x12C40]  }
0xf3: {  	v6 =	vld [tilespmem:s29+$0x12C50]  }
0xf4: {  	v7 =	vld [tilespmem:s29+$0x12C60]  }
0xf5: {  	v8 =	vld [tilespmem:s29+$0x12C70]  }
0xf6: {  	v9 =	vld [tilespmem:s29+$0x12C80]  }
0xf7: {  	v10 =	vld [tilespmem:s29+$0x12C90]  }
0xf8: {  	v11 =	vld [tilespmem:s29+$0x12CA0]  }
0xf9: {  	v12 =	vld [tilespmem:s29+$0x12CB0]  }
0xfa: {  	v13 =	vld [tilespmem:s29+$0x12CC0]  }
0xfb: {  	v14 =	vld [tilespmem:s29+$0x12CD0]  }
0xfc: {  	v15 =	vld [tilespmem:s29+$0x12CE0]  }
0xfd: {  	[tilespmem:s29+$0x96F0] =	vst.add.f32.msk $0xffff, v0  }
0xfe: {  	[tilespmem:s29+$0x6400] =	vst.add.f32.msk $0xffff, v1  }
0xff: {  	[tilespmem:s29+$0x9600] =	vst.add.f32.msk $0xffff, v1  }
0x100: {  	[tilespmem:s29+$0x6410] =	vst.add.f32.msk $0xffff, v2  }
0x101: {  	[tilespmem:s29+$0x9610] =	vst.add.f32.msk $0xffff, v2  }
0x102: {  	[tilespmem:s29+$0x6420] =	vst.add.f32.msk $0xffff, v3  }
0x103: {  	[tilespmem:s29+$0x9620] =	vst.add.f32.msk $0xffff, v3  }
0x104: {  	[tilespmem:s29+$0x6430] =	vst.add.f32.msk $0xffff, v4  }
0x105: {  	[tilespmem:s29+$0x9630] =	vst.add.f32.msk $0xffff, v4  }
0x106: {  	[tilespmem:s29+$0x6440] =	vst.add.f32.msk $0xffff, v5  }
0x107: {  	[tilespmem:s29+$0x9640] =	vst.add.f32.msk $0xffff, v5  }
0x108: {  	[tilespmem:s29+$0x6450] =	vst.add.f32.msk $0xffff, v6  }
0x109: {  	[tilespmem:s29+$0x9650] =	vst.add.f32.msk $0xffff, v6  }
0x10a: {  	[tilespmem:s29+$0x6460] =	vst.add.f32.msk $0xffff, v7  }
0x10b: {  	[tilespmem:s29+$0x9660] =	vst.add.f32.msk $0xffff, v7  }
0x10c: {  	[tilespmem:s29+$0x6470] =	vst.add.f32.msk $0xffff, v8  }
0x10d: {  	[tilespmem:s29+$0x9670] =	vst.add.f32.msk $0xffff, v8  }
0x10e: {  	[tilespmem:s29+$0x6480] =	vst.add.f32.msk $0xffff, v9  }
0x10f: {  	[tilespmem:s29+$0x9680] =	vst.add.f32.msk $0xffff, v9  }
0x110: {  	[tilespmem:s29+$0x6490] =	vst.add.f32.msk $0xffff, v10  }
0x111: {  	[tilespmem:s29+$0x9690] =	vst.add.f32.msk $0xffff, v10  }
0x112: {  	[tilespmem:s29+$0x64A0] =	vst.add.f32.msk $0xffff, v11  }
0x113: {  	[tilespmem:s29+$0x96A0] =	vst.add.f32.msk $0xffff, v11  }
0x114: {  	[tilespmem:s29+$0x64B0] =	vst.add.f32.msk $0xffff, v12  }
0x115: {  	[tilespmem:s29+$0x96B0] =	vst.add.f32.msk $0xffff, v12  }
0x116: {  	[tilespmem:s29+$0x64C0] =	vst.add.f32.msk $0xffff, v13  }
0x117: {  	[tilespmem:s29+$0x96C0] =	vst.add.f32.msk $0xffff, v13  }
0x118: {  	[tilespmem:s29+$0x64D0] =	vst.add.f32.msk $0xffff, v14  }
0x119: {  	[tilespmem:s29+$0x96D0] =	vst.add.f32.msk $0xffff, v14  }
0x11a: {  	[tilespmem:s29+$0x64E0] =	vst.add.f32.msk $0xffff, v15  }
0x11b: {  	s30 =	simm.s32 $0x0;
	s31 =	simm.s32 $0x400;
	[tilespmem:s29+$0x96E0] =	vst.add.f32.msk $0xffff, v15  }
.LBB2_7:
0x11c: {  	s30 =	sadd.s32 $0x4, s30;
	[tilespmem:s29+$0x64F0] =	vst.add.f32.msk $0xffff, v0;
	s29 =	sshra.s32 s31, $0x2  }
0x11d: {  	v0 =	vld [tilespmem:s29+$0x12CF0];
	p0 =	slt.u32 s30, $0xC4  }
0x11e: {  	v1 =	vld [tilespmem:s29+$0x12C00]  }
0x11f: {  	v2 =	vld [tilespmem:s29+$0x12C10]  }
0x120: {  	v3 =	vld [tilespmem:s29+$0x12C20]  }
0x121: {  	v4 =	vld [tilespmem:s29+$0x12C30]  }
0x122: {  	[tilespmem:s29+$0x96F0] =	vst.add.f32.msk $0xffff, v0  }
0x123: {  	v5 =	vld [tilespmem:s29+$0x12C40]  }
0x124: {  	v6 =	vld [tilespmem:s29+$0x12C50]  }
0x125: {  	v7 =	vld [tilespmem:s29+$0x12C60]  }
0x126: {  	v8 =	vld [tilespmem:s29+$0x12C70]  }
0x127: {  	v9 =	vld [tilespmem:s29+$0x12C80]  }
0x128: {  	v10 =	vld [tilespmem:s29+$0x12C90]  }
0x129: {  	v11 =	vld [tilespmem:s29+$0x12CA0]  }
0x12a: {  	v12 =	vld [tilespmem:s29+$0x12CB0]  }
0x12b: {  	v13 =	vld [tilespmem:s29+$0x12CC0]  }
0x12c: {  	v14 =	vld [tilespmem:s29+$0x12CD0]  }
0x12d: {  	v15 =	vld [tilespmem:s29+$0x12CE0]  }
0x12e: {  	[tilespmem:s29+$0x6400] =	vst.add.f32.msk $0xffff, v1  }
0x12f: {  	[tilespmem:s29+$0x9600] =	vst.add.f32.msk $0xffff, v1  }
0x130: {  	[tilespmem:s29+$0x6410] =	vst.add.f32.msk $0xffff, v2  }
0x131: {  	[tilespmem:s29+$0x9610] =	vst.add.f32.msk $0xffff, v2  }
0x132: {  	[tilespmem:s29+$0x6420] =	vst.add.f32.msk $0xffff, v3  }
0x133: {  	[tilespmem:s29+$0x9620] =	vst.add.f32.msk $0xffff, v3  }
0x134: {  	[tilespmem:s29+$0x6430] =	vst.add.f32.msk $0xffff, v4  }
0x135: {  	[tilespmem:s29+$0x9630] =	vst.add.f32.msk $0xffff, v4  }
0x136: {  	[tilespmem:s29+$0x6440] =	vst.add.f32.msk $0xffff, v5  }
0x137: {  	[tilespmem:s29+$0x9640] =	vst.add.f32.msk $0xffff, v5  }
0x138: {  	[tilespmem:s29+$0x6450] =	vst.add.f32.msk $0xffff, v6  }
0x139: {  	[tilespmem:s29+$0x9650] =	vst.add.f32.msk $0xffff, v6  }
0x13a: {  	[tilespmem:s29+$0x6460] =	vst.add.f32.msk $0xffff, v7  }
0x13b: {  	[tilespmem:s29+$0x9660] =	vst.add.f32.msk $0xffff, v7  }
0x13c: {  	[tilespmem:s29+$0x6470] =	vst.add.f32.msk $0xffff, v8  }
0x13d: {  	[tilespmem:s29+$0x9670] =	vst.add.f32.msk $0xffff, v8  }
0x13e: {  	[tilespmem:s29+$0x6480] =	vst.add.f32.msk $0xffff, v9  }
0x13f: {  	[tilespmem:s29+$0x9680] =	vst.add.f32.msk $0xffff, v9  }
0x140: {  	[tilespmem:s29+$0x6490] =	vst.add.f32.msk $0xffff, v10  }
0x141: {  	[tilespmem:s29+$0x9690] =	vst.add.f32.msk $0xffff, v10  }
0x142: {  	[tilespmem:s29+$0x64A0] =	vst.add.f32.msk $0xffff, v11  }
0x143: {  	[tilespmem:s29+$0x96A0] =	vst.add.f32.msk $0xffff, v11  }
0x144: {  	[tilespmem:s29+$0x64B0] =	vst.add.f32.msk $0xffff, v12  }
0x145: {  	[tilespmem:s29+$0x96B0] =	vst.add.f32.msk $0xffff, v12  }
0x146: {  	[tilespmem:s29+$0x64C0] =	vst.add.f32.msk $0xffff, v13  }
.Ltmp2:
0x147: {  	[tilespmem:s29+$0x96C0] =	vst.add.f32.msk $0xffff, v13;
	(pc) =	sbr.rel @p0 .LBB2_7-.Ltmp2, $4  }
0x148: {  	[tilespmem:s29+$0x64D0] =	vst.add.f32.msk $0xffff, v14  }
0x149: {  	[tilespmem:s29+$0x96D0] =	vst.add.f32.msk $0xffff, v14  }
0x14a: {  	[tilespmem:s29+$0x64E0] =	vst.add.f32.msk $0xffff, v15  }
0x14b: {  	s31 =	sadd.s32 $0x400, s31;
	[tilespmem:s29+$0x96E0] =	vst.add.f32.msk $0xffff, v15  }
0x14c: {  	s28 =	sadd.s32 s4, s28  }
0x14d: {  	s28 =	sshll.u32 s28, $0x3  }
0x14e: {  	s28 =	sand.u32 $0x1FFFFF00, s28  }
0x14f: {  	[tilespmem:s29+$0x64F0] =	vst.add.f32.msk $0xffff, v0;
	s29 =	simm.s32 $0x0;
	s28 =	sadd.s32 s2, s28  }
0x150: {  	[hbm4b:s28+s29] =	stream.linear.scatter [tilespmem:s16], [sflag:$0x3], $0x6400, $0x38;
	[tilespmem:$0x15E00] =	vst v63  }
0x151: {  	s28 =	smul.u32 $0xC80, s25  }
0x152: {  	_ =	swait.ge [sflag:s19], $0x6400  }
0x153: {  	[sflag:s19] =	ssyncset.done $0x0;
	s28 =	sshra.s32 s28, $0x2  }
0x154: {  	[sflag:s19] =	ssyncadd.s32 $0xFFFF9C00;
	s28 =	sadd.s32 $0x320, s28  }
0x155: {  	[tilespmem:s16], [sflag:$0x1] =	stream.indirect.gather [hbm4b:s5+s15], $0x40, s28, s15, $0xb8;
	[tilespmem:$0x15E00] =	vst v63  }
0x156: {  	_ =	swait.ge [sflag:s21], $0x6400  }
0x157: {  	[sflag:s21] =	ssyncset.done $0x0  }
0x158: {  	s28 =	simm.s32 $0x0;
	[sflag:s21] =	ssyncadd.s32 $0xFFFF9C00  }
0x159: {  	v0 =	vld [tilespmem:s28+$0x12CF0]  }
0x15a: {  	v1 =	vld [tilespmem:s28+$0x12C00]  }
0x15b: {  	v2 =	vld [tilespmem:s28+$0x12C10]  }
0x15c: {  	v3 =	vld [tilespmem:s28+$0x12C20]  }
0x15d: {  	v4 =	vld [tilespmem:s28+$0x12C30]  }
0x15e: {  	v5 =	vld [tilespmem:s28+$0x12C40]  }
0x15f: {  	v6 =	vld [tilespmem:s28+$0x12C50]  }
0x160: {  	v7 =	vld [tilespmem:s28+$0x12C60]  }
0x161: {  	v8 =	vld [tilespmem:s28+$0x12C70]  }
0x162: {  	v9 =	vld [tilespmem:s28+$0x12C80]  }
0x163: {  	v10 =	vld [tilespmem:s28+$0x12C90]  }
0x164: {  	v11 =	vld [tilespmem:s28+$0x12CA0]  }
0x165: {  	v12 =	vld [tilespmem:s28+$0x12CB0]  }
0x166: {  	v13 =	vld [tilespmem:s28+$0x12CC0]  }
0x167: {  	v14 =	vld [tilespmem:s28+$0x12CD0]  }
0x168: {  	v15 =	vld [tilespmem:s28+$0x12CE0]  }
0x169: {  	[tilespmem:s28+$0xFAF0] =	vst.add.f32.msk $0xffff, v0  }
0x16a: {  	[tilespmem:s28+$0xC800] =	vst.add.f32.msk $0xffff, v1  }
0x16b: {  	[tilespmem:s28+$0xFA00] =	vst.add.f32.msk $0xffff, v1  }
0x16c: {  	[tilespmem:s28+$0xC810] =	vst.add.f32.msk $0xffff, v2  }
0x16d: {  	[tilespmem:s28+$0xFA10] =	vst.add.f32.msk $0xffff, v2  }
0x16e: {  	[tilespmem:s28+$0xC820] =	vst.add.f32.msk $0xffff, v3  }
0x16f: {  	[tilespmem:s28+$0xFA20] =	vst.add.f32.msk $0xffff, v3  }
0x170: {  	[tilespmem:s28+$0xC830] =	vst.add.f32.msk $0xffff, v4  }
0x171: {  	[tilespmem:s28+$0xFA30] =	vst.add.f32.msk $0xffff, v4  }
0x172: {  	[tilespmem:s28+$0xC840] =	vst.add.f32.msk $0xffff, v5  }
0x173: {  	[tilespmem:s28+$0xFA40] =	vst.add.f32.msk $0xffff, v5  }
0x174: {  	[tilespmem:s28+$0xC850] =	vst.add.f32.msk $0xffff, v6  }
0x175: {  	[tilespmem:s28+$0xFA50] =	vst.add.f32.msk $0xffff, v6  }
0x176: {  	[tilespmem:s28+$0xC860] =	vst.add.f32.msk $0xffff, v7  }
0x177: {  	[tilespmem:s28+$0xFA60] =	vst.add.f32.msk $0xffff, v7  }
0x178: {  	[tilespmem:s28+$0xC870] =	vst.add.f32.msk $0xffff, v8  }
0x179: {  	[tilespmem:s28+$0xFA70] =	vst.add.f32.msk $0xffff, v8  }
0x17a: {  	[tilespmem:s28+$0xC880] =	vst.add.f32.msk $0xffff, v9  }
0x17b: {  	[tilespmem:s28+$0xFA80] =	vst.add.f32.msk $0xffff, v9  }
0x17c: {  	[tilespmem:s28+$0xC890] =	vst.add.f32.msk $0xffff, v10  }
0x17d: {  	[tilespmem:s28+$0xFA90] =	vst.add.f32.msk $0xffff, v10  }
0x17e: {  	[tilespmem:s28+$0xC8A0] =	vst.add.f32.msk $0xffff, v11  }
0x17f: {  	[tilespmem:s28+$0xFAA0] =	vst.add.f32.msk $0xffff, v11  }
0x180: {  	[tilespmem:s28+$0xC8B0] =	vst.add.f32.msk $0xffff, v12  }
0x181: {  	[tilespmem:s28+$0xFAB0] =	vst.add.f32.msk $0xffff, v12  }
0x182: {  	[tilespmem:s28+$0xC8C0] =	vst.add.f32.msk $0xffff, v13  }
0x183: {  	[tilespmem:s28+$0xFAC0] =	vst.add.f32.msk $0xffff, v13  }
0x184: {  	[tilespmem:s28+$0xC8D0] =	vst.add.f32.msk $0xffff, v14  }
0x185: {  	[tilespmem:s28+$0xFAD0] =	vst.add.f32.msk $0xffff, v14  }
0x186: {  	[tilespmem:s28+$0xC8E0] =	vst.add.f32.msk $0xffff, v15  }
0x187: {  	s30 =	simm.s32 $0x400;
	s29 =	simm.s32 $0x0;
	[tilespmem:s28+$0xFAE0] =	vst.add.f32.msk $0xffff, v15  }
.LBB2_9:
0x188: {  	s29 =	sadd.s32 $0x4, s29;
	[tilespmem:s28+$0xC8F0] =	vst.add.f32.msk $0xffff, v0;
	s28 =	sshra.s32 s30, $0x2  }
0x189: {  	v0 =	vld [tilespmem:s28+$0x12CF0];
	p0 =	slt.u32 s29, $0xC4  }
0x18a: {  	v1 =	vld [tilespmem:s28+$0x12C00]  }
0x18b: {  	v2 =	vld [tilespmem:s28+$0x12C10]  }
0x18c: {  	v3 =	vld [tilespmem:s28+$0x12C20]  }
0x18d: {  	v4 =	vld [tilespmem:s28+$0x12C30]  }
0x18e: {  	[tilespmem:s28+$0xFAF0] =	vst.add.f32.msk $0xffff, v0  }
0x18f: {  	v5 =	vld [tilespmem:s28+$0x12C40]  }
0x190: {  	v6 =	vld [tilespmem:s28+$0x12C50]  }
0x191: {  	v7 =	vld [tilespmem:s28+$0x12C60]  }
0x192: {  	v8 =	vld [tilespmem:s28+$0x12C70]  }
0x193: {  	v9 =	vld [tilespmem:s28+$0x12C80]  }
0x194: {  	v10 =	vld [tilespmem:s28+$0x12C90]  }
0x195: {  	v11 =	vld [tilespmem:s28+$0x12CA0]  }
0x196: {  	v12 =	vld [tilespmem:s28+$0x12CB0]  }
0x197: {  	v13 =	vld [tilespmem:s28+$0x12CC0]  }
0x198: {  	v14 =	vld [tilespmem:s28+$0x12CD0]  }
0x199: {  	v15 =	vld [tilespmem:s28+$0x12CE0]  }
0x19a: {  	[tilespmem:s28+$0xC800] =	vst.add.f32.msk $0xffff, v1  }
0x19b: {  	[tilespmem:s28+$0xFA00] =	vst.add.f32.msk $0xffff, v1  }
0x19c: {  	[tilespmem:s28+$0xC810] =	vst.add.f32.msk $0xffff, v2  }
0x19d: {  	[tilespmem:s28+$0xFA10] =	vst.add.f32.msk $0xffff, v2  }
0x19e: {  	[tilespmem:s28+$0xC820] =	vst.add.f32.msk $0xffff, v3  }
0x19f: {  	[tilespmem:s28+$0xFA20] =	vst.add.f32.msk $0xffff, v3  }
0x1a0: {  	[tilespmem:s28+$0xC830] =	vst.add.f32.msk $0xffff, v4  }
0x1a1: {  	[tilespmem:s28+$0xFA30] =	vst.add.f32.msk $0xffff, v4  }
0x1a2: {  	[tilespmem:s28+$0xC840] =	vst.add.f32.msk $0xffff, v5  }
0x1a3: {  	[tilespmem:s28+$0xFA40] =	vst.add.f32.msk $0xffff, v5  }
0x1a4: {  	[tilespmem:s28+$0xC850] =	vst.add.f32.msk $0xffff, v6  }
0x1a5: {  	[tilespmem:s28+$0xFA50] =	vst.add.f32.msk $0xffff, v6  }
0x1a6: {  	[tilespmem:s28+$0xC860] =	vst.add.f32.msk $0xffff, v7  }
0x1a7: {  	[tilespmem:s28+$0xFA60] =	vst.add.f32.msk $0xffff, v7  }
0x1a8: {  	[tilespmem:s28+$0xC870] =	vst.add.f32.msk $0xffff, v8  }
0x1a9: {  	[tilespmem:s28+$0xFA70] =	vst.add.f32.msk $0xffff, v8  }
0x1aa: {  	[tilespmem:s28+$0xC880] =	vst.add.f32.msk $0xffff, v9  }
0x1ab: {  	[tilespmem:s28+$0xFA80] =	vst.add.f32.msk $0xffff, v9  }
0x1ac: {  	[tilespmem:s28+$0xC890] =	vst.add.f32.msk $0xffff, v10  }
0x1ad: {  	[tilespmem:s28+$0xFA90] =	vst.add.f32.msk $0xffff, v10  }
0x1ae: {  	[tilespmem:s28+$0xC8A0] =	vst.add.f32.msk $0xffff, v11  }
0x1af: {  	[tilespmem:s28+$0xFAA0] =	vst.add.f32.msk $0xffff, v11  }
0x1b0: {  	[tilespmem:s28+$0xC8B0] =	vst.add.f32.msk $0xffff, v12  }
0x1b1: {  	[tilespmem:s28+$0xFAB0] =	vst.add.f32.msk $0xffff, v12  }
0x1b2: {  	[tilespmem:s28+$0xC8C0] =	vst.add.f32.msk $0xffff, v13  }
.Ltmp3:
0x1b3: {  	[tilespmem:s28+$0xFAC0] =	vst.add.f32.msk $0xffff, v13;
	(pc) =	sbr.rel @p0 .LBB2_9-.Ltmp3, $4  }
0x1b4: {  	[tilespmem:s28+$0xC8D0] =	vst.add.f32.msk $0xffff, v14  }
0x1b5: {  	[tilespmem:s28+$0xFAD0] =	vst.add.f32.msk $0xffff, v14  }
0x1b6: {  	[tilespmem:s28+$0xC8E0] =	vst.add.f32.msk $0xffff, v15  }
0x1b7: {  	s30 =	sadd.s32 $0x400, s30;
	[tilespmem:s28+$0xFAE0] =	vst.add.f32.msk $0xffff, v15  }
0x1b8: {  	s25 =	sadd.s32 $0x1, s25  }
0x1b9: {  	p0 =	sne.s32 s25, $0x1F  }
.Ltmp4:
0x1ba: {  	s26 =	sadd.s32 s4, s26;
	(pc) =	sbr.rel @p0 .LBB2_6-.Ltmp4, $4  }
0x1bb: {  	s26 =	sshll.u32 s26, $0x3  }
0x1bc: {  	s26 =	sand.u32 $0x1FFFFF80, s26  }
0x1bd: {  	[tilespmem:s28+$0xC8F0] =	vst.add.f32.msk $0xffff, v0;
	s26 =	sadd.s32 s2, s26  }
0x1be: {  	[hbm4b:s26+s3] =	stream.linear.scatter [tilespmem:s17], [sflag:$0x4], $0x6400, $0x38;
	[tilespmem:$0x15E00] =	vst v63  }
0x1bf: {  	_ =	swait.ge [sflag:s22], $0x6400  }
0x1c0: {  	[sflag:s22] =	ssyncset.done $0x0  }
0x1c1: {  	[sflag:s22] =	ssyncadd.s32 $0xFFFF9C00  }
0x1c2: {  	[tilespmem:s17], [sflag:$0x2] =	stream.indirect.gather [hbm4b:s5+s15], $0x40, s23, s15, $0xb8;
	[tilespmem:$0x15E00] =	vst v63  }
0x1c3: {  	_ =	swait.ge [sflag:s18], $0x6400  }
0x1c4: {  	[sflag:s18] =	ssyncset.done $0x0  }
0x1c5: {  	s25 =	simm.s32 $0x0;
	[sflag:s18] =	ssyncadd.s32 $0xFFFF9C00  }
0x1c6: {  	v0 =	vld [tilespmem:s25+$0x12CF0]  }
0x1c7: {  	v1 =	vld [tilespmem:s25+$0x12C00]  }
0x1c8: {  	v2 =	vld [tilespmem:s25+$0x12C10]  }
0x1c9: {  	v3 =	vld [tilespmem:s25+$0x12C20]  }
0x1ca: {  	v4 =	vld [tilespmem:s25+$0x12C30]  }
0x1cb: {  	v5 =	vld [tilespmem:s25+$0x12C40]  }
0x1cc: {  	v6 =	vld [tilespmem:s25+$0x12C50]  }
0x1cd: {  	v7 =	vld [tilespmem:s25+$0x12C60]  }
0x1ce: {  	v8 =	vld [tilespmem:s25+$0x12C70]  }
0x1cf: {  	v9 =	vld [tilespmem:s25+$0x12C80]  }
0x1d0: {  	v10 =	vld [tilespmem:s25+$0x12C90]  }
0x1d1: {  	v11 =	vld [tilespmem:s25+$0x12CA0]  }
0x1d2: {  	v12 =	vld [tilespmem:s25+$0x12CB0]  }
0x1d3: {  	v13 =	vld [tilespmem:s25+$0x12CC0]  }
0x1d4: {  	v14 =	vld [tilespmem:s25+$0x12CD0]  }
0x1d5: {  	v15 =	vld [tilespmem:s25+$0x12CE0]  }
0x1d6: {  	[tilespmem:s25+$0x96F0] =	vst.add.f32.msk $0xffff, v0  }
0x1d7: {  	[tilespmem:s25+$0x6400] =	vst.add.f32.msk $0xffff, v1  }
0x1d8: {  	[tilespmem:s25+$0x9600] =	vst.add.f32.msk $0xffff, v1  }
0x1d9: {  	[tilespmem:s25+$0x6410] =	vst.add.f32.msk $0xffff, v2  }
0x1da: {  	[tilespmem:s25+$0x9610] =	vst.add.f32.msk $0xffff, v2  }
0x1db: {  	[tilespmem:s25+$0x6420] =	vst.add.f32.msk $0xffff, v3  }
0x1dc: {  	[tilespmem:s25+$0x9620] =	vst.add.f32.msk $0xffff, v3  }
0x1dd: {  	[tilespmem:s25+$0x6430] =	vst.add.f32.msk $0xffff, v4  }
0x1de: {  	[tilespmem:s25+$0x9630] =	vst.add.f32.msk $0xffff, v4  }
0x1df: {  	[tilespmem:s25+$0x6440] =	vst.add.f32.msk $0xffff, v5  }
0x1e0: {  	[tilespmem:s25+$0x9640] =	vst.add.f32.msk $0xffff, v5  }
0x1e1: {  	[tilespmem:s25+$0x6450] =	vst.add.f32.msk $0xffff, v6  }
0x1e2: {  	[tilespmem:s25+$0x9650] =	vst.add.f32.msk $0xffff, v6  }
0x1e3: {  	[tilespmem:s25+$0x6460] =	vst.add.f32.msk $0xffff, v7  }
0x1e4: {  	[tilespmem:s25+$0x9660] =	vst.add.f32.msk $0xffff, v7  }
0x1e5: {  	[tilespmem:s25+$0x6470] =	vst.add.f32.msk $0xffff, v8  }
0x1e6: {  	[tilespmem:s25+$0x9670] =	vst.add.f32.msk $0xffff, v8  }
0x1e7: {  	[tilespmem:s25+$0x6480] =	vst.add.f32.msk $0xffff, v9  }
0x1e8: {  	[tilespmem:s25+$0x9680] =	vst.add.f32.msk $0xffff, v9  }
0x1e9: {  	[tilespmem:s25+$0x6490] =	vst.add.f32.msk $0xffff, v10  }
0x1ea: {  	[tilespmem:s25+$0x9690] =	vst.add.f32.msk $0xffff, v10  }
0x1eb: {  	[tilespmem:s25+$0x64A0] =	vst.add.f32.msk $0xffff, v11  }
0x1ec: {  	[tilespmem:s25+$0x96A0] =	vst.add.f32.msk $0xffff, v11  }
0x1ed: {  	[tilespmem:s25+$0x64B0] =	vst.add.f32.msk $0xffff, v12  }
0x1ee: {  	[tilespmem:s25+$0x96B0] =	vst.add.f32.msk $0xffff, v12  }
0x1ef: {  	[tilespmem:s25+$0x64C0] =	vst.add.f32.msk $0xffff, v13  }
0x1f0: {  	[tilespmem:s25+$0x96C0] =	vst.add.f32.msk $0xffff, v13  }
0x1f1: {  	[tilespmem:s25+$0x64D0] =	vst.add.f32.msk $0xffff, v14  }
0x1f2: {  	[tilespmem:s25+$0x96D0] =	vst.add.f32.msk $0xffff, v14  }
0x1f3: {  	[tilespmem:s25+$0x64E0] =	vst.add.f32.msk $0xffff, v15  }
0x1f4: {  	s26 =	simm.s32 $0x0;
	s28 =	simm.s32 $0x400;
	[tilespmem:s25+$0x96E0] =	vst.add.f32.msk $0xffff, v15  }
.LBB2_12:
0x1f5: {  	s26 =	sadd.s32 $0x4, s26;
	[tilespmem:s25+$0x64F0] =	vst.add.f32.msk $0xffff, v0;
	s25 =	sshra.s32 s28, $0x2  }
0x1f6: {  	v0 =	vld [tilespmem:s25+$0x12CF0];
	p0 =	slt.u32 s26, $0xC4  }
0x1f7: {  	v1 =	vld [tilespmem:s25+$0x12C00]  }
0x1f8: {  	v2 =	vld [tilespmem:s25+$0x12C10]  }
0x1f9: {  	v3 =	vld [tilespmem:s25+$0x12C20]  }
0x1fa: {  	v4 =	vld [tilespmem:s25+$0x12C30]  }
0x1fb: {  	[tilespmem:s25+$0x96F0] =	vst.add.f32.msk $0xffff, v0  }
0x1fc: {  	v5 =	vld [tilespmem:s25+$0x12C40]  }
0x1fd: {  	v6 =	vld [tilespmem:s25+$0x12C50]  }
0x1fe: {  	v7 =	vld [tilespmem:s25+$0x12C60]  }
0x1ff: {  	v8 =	vld [tilespmem:s25+$0x12C70]  }
0x200: {  	v9 =	vld [tilespmem:s25+$0x12C80]  }
0x201: {  	v10 =	vld [tilespmem:s25+$0x12C90]  }
0x202: {  	v11 =	vld [tilespmem:s25+$0x12CA0]  }
0x203: {  	v12 =	vld [tilespmem:s25+$0x12CB0]  }
0x204: {  	v13 =	vld [tilespmem:s25+$0x12CC0]  }
0x205: {  	v14 =	vld [tilespmem:s25+$0x12CD0]  }
0x206: {  	v15 =	vld [tilespmem:s25+$0x12CE0]  }
0x207: {  	[tilespmem:s25+$0x6400] =	vst.add.f32.msk $0xffff, v1  }
0x208: {  	[tilespmem:s25+$0x9600] =	vst.add.f32.msk $0xffff, v1  }
0x209: {  	[tilespmem:s25+$0x6410] =	vst.add.f32.msk $0xffff, v2  }
0x20a: {  	[tilespmem:s25+$0x9610] =	vst.add.f32.msk $0xffff, v2  }
0x20b: {  	[tilespmem:s25+$0x6420] =	vst.add.f32.msk $0xffff, v3  }
0x20c: {  	[tilespmem:s25+$0x9620] =	vst.add.f32.msk $0xffff, v3  }
0x20d: {  	[tilespmem:s25+$0x6430] =	vst.add.f32.msk $0xffff, v4  }
0x20e: {  	[tilespmem:s25+$0x9630] =	vst.add.f32.msk $0xffff, v4  }
0x20f: {  	[tilespmem:s25+$0x6440] =	vst.add.f32.msk $0xffff, v5  }
0x210: {  	[tilespmem:s25+$0x9640] =	vst.add.f32.msk $0xffff, v5  }
0x211: {  	[tilespmem:s25+$0x6450] =	vst.add.f32.msk $0xffff, v6  }
0x212: {  	[tilespmem:s25+$0x9650] =	vst.add.f32.msk $0xffff, v6  }
0x213: {  	[tilespmem:s25+$0x6460] =	vst.add.f32.msk $0xffff, v7  }
0x214: {  	[tilespmem:s25+$0x9660] =	vst.add.f32.msk $0xffff, v7  }
0x215: {  	[tilespmem:s25+$0x6470] =	vst.add.f32.msk $0xffff, v8  }
0x216: {  	[tilespmem:s25+$0x9670] =	vst.add.f32.msk $0xffff, v8  }
0x217: {  	[tilespmem:s25+$0x6480] =	vst.add.f32.msk $0xffff, v9  }
0x218: {  	[tilespmem:s25+$0x9680] =	vst.add.f32.msk $0xffff, v9  }
0x219: {  	[tilespmem:s25+$0x6490] =	vst.add.f32.msk $0xffff, v10  }
0x21a: {  	[tilespmem:s25+$0x9690] =	vst.add.f32.msk $0xffff, v10  }
0x21b: {  	[tilespmem:s25+$0x64A0] =	vst.add.f32.msk $0xffff, v11  }
0x21c: {  	[tilespmem:s25+$0x96A0] =	vst.add.f32.msk $0xffff, v11  }
0x21d: {  	[tilespmem:s25+$0x64B0] =	vst.add.f32.msk $0xffff, v12  }
0x21e: {  	[tilespmem:s25+$0x96B0] =	vst.add.f32.msk $0xffff, v12  }
0x21f: {  	[tilespmem:s25+$0x64C0] =	vst.add.f32.msk $0xffff, v13  }
.Ltmp5:
0x220: {  	[tilespmem:s25+$0x96C0] =	vst.add.f32.msk $0xffff, v13;
	(pc) =	sbr.rel @p0 .LBB2_12-.Ltmp5, $4  }
0x221: {  	[tilespmem:s25+$0x64D0] =	vst.add.f32.msk $0xffff, v14  }
0x222: {  	[tilespmem:s25+$0x96D0] =	vst.add.f32.msk $0xffff, v14  }
0x223: {  	[tilespmem:s25+$0x64E0] =	vst.add.f32.msk $0xffff, v15  }
0x224: {  	s28 =	sadd.s32 $0x400, s28;
	[tilespmem:s25+$0x96E0] =	vst.add.f32.msk $0xffff, v15  }
0x225: {  	[tilespmem:s25+$0x64F0] =	vst.add.f32.msk $0xffff, v0;
	s31 =	simm.s32 $0x0  }
0x226: {  	[hbm4b:s10+s31] =	stream.linear.scatter [tilespmem:s16], [sflag:$0x3], $0x6400, $0x38;
	[tilespmem:$0x15E00] =	vst v63  }
0x227: {  	_ =	swait.ge [sflag:s19], $0x6400  }
0x228: {  	[sflag:s19] =	ssyncset.done $0x0  }
0x229: {  	[sflag:s19] =	ssyncadd.s32 $0xFFFF9C00  }
0x22a: {  	_ =	swait.ge [sflag:s21], $0x6400  }
0x22b: {  	[sflag:s21] =	ssyncset.done $0x0  }
0x22c: {  	s25 =	simm.s32 $0x0;
	[sflag:s21] =	ssyncadd.s32 $0xFFFF9C00  }
0x22d: {  	v0 =	vld [tilespmem:s25+$0x12CF0]  }
0x22e: {  	v1 =	vld [tilespmem:s25+$0x12C00]  }
0x22f: {  	v2 =	vld [tilespmem:s25+$0x12C10]  }
0x230: {  	v3 =	vld [tilespmem:s25+$0x12C20]  }
0x231: {  	v4 =	vld [tilespmem:s25+$0x12C30]  }
0x232: {  	v5 =	vld [tilespmem:s25+$0x12C40]  }
0x233: {  	v6 =	vld [tilespmem:s25+$0x12C50]  }
0x234: {  	v7 =	vld [tilespmem:s25+$0x12C60]  }
0x235: {  	v8 =	vld [tilespmem:s25+$0x12C70]  }
0x236: {  	v9 =	vld [tilespmem:s25+$0x12C80]  }
0x237: {  	v10 =	vld [tilespmem:s25+$0x12C90]  }
0x238: {  	v11 =	vld [tilespmem:s25+$0x12CA0]  }
0x239: {  	v12 =	vld [tilespmem:s25+$0x12CB0]  }
0x23a: {  	v13 =	vld [tilespmem:s25+$0x12CC0]  }
0x23b: {  	v14 =	vld [tilespmem:s25+$0x12CD0]  }
0x23c: {  	v15 =	vld [tilespmem:s25+$0x12CE0]  }
0x23d: {  	[tilespmem:s25+$0xFAF0] =	vst.add.f32.msk $0xffff, v0  }
0x23e: {  	[tilespmem:s25+$0xC800] =	vst.add.f32.msk $0xffff, v1  }
0x23f: {  	[tilespmem:s25+$0xFA00] =	vst.add.f32.msk $0xffff, v1  }
0x240: {  	[tilespmem:s25+$0xC810] =	vst.add.f32.msk $0xffff, v2  }
0x241: {  	[tilespmem:s25+$0xFA10] =	vst.add.f32.msk $0xffff, v2  }
0x242: {  	[tilespmem:s25+$0xC820] =	vst.add.f32.msk $0xffff, v3  }
0x243: {  	[tilespmem:s25+$0xFA20] =	vst.add.f32.msk $0xffff, v3  }
0x244: {  	[tilespmem:s25+$0xC830] =	vst.add.f32.msk $0xffff, v4  }
0x245: {  	[tilespmem:s25+$0xFA30] =	vst.add.f32.msk $0xffff, v4  }
0x246: {  	[tilespmem:s25+$0xC840] =	vst.add.f32.msk $0xffff, v5  }
0x247: {  	[tilespmem:s25+$0xFA40] =	vst.add.f32.msk $0xffff, v5  }
0x248: {  	[tilespmem:s25+$0xC850] =	vst.add.f32.msk $0xffff, v6  }
0x249: {  	[tilespmem:s25+$0xFA50] =	vst.add.f32.msk $0xffff, v6  }
0x24a: {  	[tilespmem:s25+$0xC860] =	vst.add.f32.msk $0xffff, v7  }
0x24b: {  	[tilespmem:s25+$0xFA60] =	vst.add.f32.msk $0xffff, v7  }
0x24c: {  	[tilespmem:s25+$0xC870] =	vst.add.f32.msk $0xffff, v8  }
0x24d: {  	[tilespmem:s25+$0xFA70] =	vst.add.f32.msk $0xffff, v8  }
0x24e: {  	[tilespmem:s25+$0xC880] =	vst.add.f32.msk $0xffff, v9  }
0x24f: {  	[tilespmem:s25+$0xFA80] =	vst.add.f32.msk $0xffff, v9  }
0x250: {  	[tilespmem:s25+$0xC890] =	vst.add.f32.msk $0xffff, v10  }
0x251: {  	[tilespmem:s25+$0xFA90] =	vst.add.f32.msk $0xffff, v10  }
0x252: {  	[tilespmem:s25+$0xC8A0] =	vst.add.f32.msk $0xffff, v11  }
0x253: {  	[tilespmem:s25+$0xFAA0] =	vst.add.f32.msk $0xffff, v11  }
0x254: {  	[tilespmem:s25+$0xC8B0] =	vst.add.f32.msk $0xffff, v12  }
0x255: {  	[tilespmem:s25+$0xFAB0] =	vst.add.f32.msk $0xffff, v12  }
0x256: {  	[tilespmem:s25+$0xC8C0] =	vst.add.f32.msk $0xffff, v13  }
0x257: {  	[tilespmem:s25+$0xFAC0] =	vst.add.f32.msk $0xffff, v13  }
0x258: {  	[tilespmem:s25+$0xC8D0] =	vst.add.f32.msk $0xffff, v14  }
0x259: {  	[tilespmem:s25+$0xFAD0] =	vst.add.f32.msk $0xffff, v14  }
0x25a: {  	[tilespmem:s25+$0xC8E0] =	vst.add.f32.msk $0xffff, v15  }
0x25b: {  	s26 =	simm.s32 $0x0;
	s28 =	simm.s32 $0x400;
	[tilespmem:s25+$0xFAE0] =	vst.add.f32.msk $0xffff, v15  }
.LBB2_14:
0x25c: {  	s26 =	sadd.s32 $0x4, s26;
	[tilespmem:s25+$0xC8F0] =	vst.add.f32.msk $0xffff, v0;
	s25 =	sshra.s32 s28, $0x2  }
0x25d: {  	v0 =	vld [tilespmem:s25+$0x12CF0];
	p0 =	slt.u32 s26, $0xC4  }
0x25e: {  	v1 =	vld [tilespmem:s25+$0x12C00]  }
0x25f: {  	v2 =	vld [tilespmem:s25+$0x12C10]  }
0x260: {  	v3 =	vld [tilespmem:s25+$0x12C20]  }
0x261: {  	v4 =	vld [tilespmem:s25+$0x12C30]  }
0x262: {  	[tilespmem:s25+$0xFAF0] =	vst.add.f32.msk $0xffff, v0  }
0x263: {  	v5 =	vld [tilespmem:s25+$0x12C40]  }
0x264: {  	v6 =	vld [tilespmem:s25+$0x12C50]  }
0x265: {  	v7 =	vld [tilespmem:s25+$0x12C60]  }
0x266: {  	v8 =	vld [tilespmem:s25+$0x12C70]  }
0x267: {  	v9 =	vld [tilespmem:s25+$0x12C80]  }
0x268: {  	v10 =	vld [tilespmem:s25+$0x12C90]  }
0x269: {  	v11 =	vld [tilespmem:s25+$0x12CA0]  }
0x26a: {  	v12 =	vld [tilespmem:s25+$0x12CB0]  }
0x26b: {  	v13 =	vld [tilespmem:s25+$0x12CC0]  }
0x26c: {  	v14 =	vld [tilespmem:s25+$0x12CD0]  }
0x26d: {  	v15 =	vld [tilespmem:s25+$0x12CE0]  }
0x26e: {  	[tilespmem:s25+$0xC800] =	vst.add.f32.msk $0xffff, v1  }
0x26f: {  	[tilespmem:s25+$0xFA00] =	vst.add.f32.msk $0xffff, v1  }
0x270: {  	[tilespmem:s25+$0xC810] =	vst.add.f32.msk $0xffff, v2  }
0x271: {  	[tilespmem:s25+$0xFA10] =	vst.add.f32.msk $0xffff, v2  }
0x272: {  	[tilespmem:s25+$0xC820] =	vst.add.f32.msk $0xffff, v3  }
0x273: {  	[tilespmem:s25+$0xFA20] =	vst.add.f32.msk $0xffff, v3  }
0x274: {  	[tilespmem:s25+$0xC830] =	vst.add.f32.msk $0xffff, v4  }
0x275: {  	[tilespmem:s25+$0xFA30] =	vst.add.f32.msk $0xffff, v4  }
0x276: {  	[tilespmem:s25+$0xC840] =	vst.add.f32.msk $0xffff, v5  }
0x277: {  	[tilespmem:s25+$0xFA40] =	vst.add.f32.msk $0xffff, v5  }
0x278: {  	[tilespmem:s25+$0xC850] =	vst.add.f32.msk $0xffff, v6  }
0x279: {  	[tilespmem:s25+$0xFA50] =	vst.add.f32.msk $0xffff, v6  }
0x27a: {  	[tilespmem:s25+$0xC860] =	vst.add.f32.msk $0xffff, v7  }
0x27b: {  	[tilespmem:s25+$0xFA60] =	vst.add.f32.msk $0xffff, v7  }
0x27c: {  	[tilespmem:s25+$0xC870] =	vst.add.f32.msk $0xffff, v8  }
0x27d: {  	[tilespmem:s25+$0xFA70] =	vst.add.f32.msk $0xffff, v8  }
0x27e: {  	[tilespmem:s25+$0xC880] =	vst.add.f32.msk $0xffff, v9  }
0x27f: {  	[tilespmem:s25+$0xFA80] =	vst.add.f32.msk $0xffff, v9  }
0x280: {  	[tilespmem:s25+$0xC890] =	vst.add.f32.msk $0xffff, v10  }
0x281: {  	[tilespmem:s25+$0xFA90] =	vst.add.f32.msk $0xffff, v10  }
0x282: {  	[tilespmem:s25+$0xC8A0] =	vst.add.f32.msk $0xffff, v11  }
0x283: {  	[tilespmem:s25+$0xFAA0] =	vst.add.f32.msk $0xffff, v11  }
0x284: {  	[tilespmem:s25+$0xC8B0] =	vst.add.f32.msk $0xffff, v12  }
0x285: {  	[tilespmem:s25+$0xFAB0] =	vst.add.f32.msk $0xffff, v12  }
0x286: {  	[tilespmem:s25+$0xC8C0] =	vst.add.f32.msk $0xffff, v13  }
.Ltmp6:
0x287: {  	[tilespmem:s25+$0xFAC0] =	vst.add.f32.msk $0xffff, v13;
	(pc) =	sbr.rel @p0 .LBB2_14-.Ltmp6, $4  }
0x288: {  	[tilespmem:s25+$0xC8D0] =	vst.add.f32.msk $0xffff, v14  }
0x289: {  	[tilespmem:s25+$0xFAD0] =	vst.add.f32.msk $0xffff, v14  }
0x28a: {  	[tilespmem:s25+$0xC8E0] =	vst.add.f32.msk $0xffff, v15  }
0x28b: {  	s28 =	sadd.s32 $0x400, s28;
	[tilespmem:s25+$0xFAE0] =	vst.add.f32.msk $0xffff, v15  }
0x28c: {  	s24 =	sadd.s32 $0x1, s24  }
0x28d: {  	p0 =	sne.s32 s24, s12  }
.Ltmp7:
0x28e: {  	[tilespmem:s25+$0xC8F0] =	vst.add.f32.msk $0xffff, v0;
	(pc) =	sbr.rel @p0 .LBB2_1-.Ltmp7, $4  }
0x28f: {  	[hbm4b:s11+s3] =	stream.linear.scatter [tilespmem:s17], [sflag:$0x4], $0x6400, $0x38;
	[tilespmem:$0x15E00] =	vst v63  }
0x290: {  	_ =	swait.ge [sflag:s22], $0x6400  }
0x291: {  	[sflag:s22] =	ssyncset.done $0x0  }
0x292: {  	[sflag:s22] =	ssyncadd.s32 $0xFFFF9C00  }
0x293: {  	_ =	sfence.sel $0x180000  }
0x294: {  	[bflag:$0x0] =	sbarrier.arrive $0xFFFF  }
0x295: {  	p0 =	sne.s32 s0, $0x0;
	_ =	strace $0x90000047  }
0x296: {  	s0 =	sadd.s32 @!p0 $0x100000, s1;
	[bflag:$0x2] =	sbarrier.arrive $0xFFFF  }
0x297: {  	[sflag:s0] =	ssyncadd.tile.s32 @!p0 $0x1;
	_ =	shalt  }
.Lfunc_end2:
_tile_overlayer_lowered:
.L_overlay_start_2:
0x298: {  	(tag) =	ssettag $0x2  }
0x299: {  	s0 =	rddreg [dreg:$0x0];
	s2 =	stileid.u32  }
0x29a: {  	s1 =	rddreg [dreg:$0x1];
	p0 =	sne.s32 s2, $0x0  }
0x29b: {  	s3 =	rddreg [dreg:$0x2];
	[bflag:$0x3] =	sbarrier.arrive $0xFFFF;
	s2 =	simm.s32 @!p0 $0x1C05  }
0x29c: {  	[timem:s3], [sflag:s2] =	dma.local @!p0 [hbm:s0], s1  }
0x29d: {  	s0 =	simm.s32 @!p0 $0x5  }
0x29e: {  	_ =	swait.ge @!p0 [sflag:s0], s1  }
0x29f: {  	s1 =	ssub.s32 @!p0 $0x0, s1;
	[sflag:s0] =	ssyncset.done @!p0 $0x0  }
0x2a0: {  	[sflag:s0] =	ssyncadd.s32 @!p0 s1  }
0x2a1: {  	[bflag:$0x3] =	sbarrier.arrive $0xFFFF  }
0x2a2: {  	_ =	shalt  }

// kernel: sparse-core-data-format-call.cloned.1.call-start
scs
called_computation_lowered:
.L_overlay_start_0:
0x0: {  	s2 =	sld [smem:$0x3FD9]  }
0x1: {  	s3 =	sld [smem:$0x3FFE];
	_ =	sdelay $0x1  }
0x2: {  	s1 =	srdreg.scid  }
0x3: {  	s0 =	sand.u32 $0x1, s1  }
0x4: {  	s18 =	sshll.u32 s0, $0xA;
	s2 =	sadd.s32 s3, s2  }
0x5: {  	s2 =	sadd.s32 s2, s18  }
0x6: {  	[smem:$0x3FC6] =	sst s2  }
0x7: {  	_ = 	snop  }
0x8: {  	s2 =	sld [smem:$0x3FD0];
	(tm) =	ssettm $0x1  }
0x9: {  	s19 =	sld [smem:$0x3FFB];
	_ =	sdelay $0x3  }
0xa: {  	_ =	strace s19  }
0xb: {  	s3 =	sld [smem:$0x3FFC];
	_ =	sdelay $0x3  }
0xc: {  	_ =	strace s3  }
0xd: {  	s3 =	sld [smem:$0x3FFD];
	_ =	sdelay $0x3  }
0xe: {  	_ =	strace s3  }
0xf: {  	_ =	strace $0x8FFFFFFF  }
0x10: {  	s20 =	sld [smem:$0x3FDB];
	_ =	sdelay $0x1  }
0x11: {  	s4 =	simm.s32 $_scs_section_size  }
0x12: {  	s5 =	simm.s32 $_size__tile_overlayer_lowered;
	s6 =	simm.s32 $_tile_overlayer_lowered  }
0x13: {  	s23 =	simm.s32 $0x1BFF;
	s22 =	sshll.u32 s6, $0x1;
	s3 =	sadd.s32 s4, s20  }
0x14: {  	s7 =	simm.s32 $0x0;
	s21 =	sshll.u32 s5, $0x1;
	s5 =	sadd.s32 s22, s3  }
0x15: {  	[timem:s7], [sflag:s23] =	dma.local [hbm:s5], s21  }
0x16: {  	_ =	swait.ge [sflag:s23], s21  }
0x17: {  	s4 =	ssub.s32 $0x0, s21;
	[sflag:s23] =	ssyncset.done $0x0  }
0x18: {  	[sflag:s23] =	ssyncadd.s32 s4;
	_ =	sdelay $0x1  }
0x19: {  	s24 =	simm.s32 $0x1B8B  }
0x1a: {  	_ =	swait.ge [sflag:s24], $0x1  }
0x1b: {  	[sflag:s24] =	ssyncset.done $0x0  }
0x1c: {  	s26 =	simm.s32 $0x1B8E;
	s25 =	sld [smem:$0x3FFE];
	[sflag:s24] =	ssyncadd.s32 $0xFFFFFFFF  }
0x1d: {  	s27 =	simm.s32 $execute0_lowered;
	[smem:$0x3FD2] =	sst s26  }
0x1e: {  	s5 =	sshll.u32 s27, $0x1;
	_ =	strace $0x80000049;
	[dreg:$0x1] =	wrdreg $0xFFFFFFFF  }
0x1f: {  	s28 =	simm.s32 $_size_execute0_lowered;
	s3 =	sadd.s32 s3, s5;
	[dreg:$0x0] =	wrdreg $0x0  }
0x20: {  	s5 =	sshll.u32 s28, $0x1;
	[dreg:$0x2] =	wrdreg s3  }
0x21: {  	[dreg:$0x3] =	wrdreg s5  }
0x22: {  	[dreg:$0x4] =	wrdreg $0xC0  }
0x23: {  	_ =	task [dreg:s7], $0x5FFFF  }
0x24: {  	[dreg:$0x1] =	wrdreg $0xFFFFFFFF  }
0x25: {  	[dreg:$0x0] =	wrdreg $0x60  }
0x26: {  	[dreg:$0x2] =	wrdreg s25  }
0x27: {  	[dreg:$0x3] =	wrdreg s2  }
0x28: {  	[dreg:$0x4] =	wrdreg $0x9  }
0x29: {  	_ =	task.clear_ibuf [dreg:s7], $0x5FFFF;
	_ =	strace $0x90000049  }
0x2a: {  	s29 =	simm.s32 $0x9;
	_ =	strace $0x8000004B  }
0x2b: {  	_ =	swait.ge [sflag:s29], $0x1  }
0x2c: {  	[sflag:s29] =	ssyncadd.s32 $0xFFFFFFFF  }
0x2d: {  	_ =	strace $0x9000004B  }
0x2e: {  	_ =	sfence  }
0x2f: {  	s30 =	sld [smem:$0x0];
	_ =	sdelay $0x2  }
0x30: {  	s31 =	sshll.u32 s1, $0xD;
	s1 =	sshrl.u32 s1, $0x2  }
0x31: {  	s3 =	sand.u32 $0x4000, s31;
	s1 =	sadd.s32 s1, s30  }
0x32: {  	s0 =	sor.u32 s3, s0;
	s1 =	sshll.u32 s1, $0x11  }
0x33: {  	s0 =	sor.u32 s1, s0  }
0x34: {  	s0 =	sadd.s32 $0x8F2B, s0  }
0x35: {  	[sflag:s0] =	ssyncadd.remote.s32 $0x1  }
0x36: {  	_ =	sfence.sel $0xFFFF  }
0x37: {  	[dreg:$0x0] =	wrdreg $0xFFFFFFFF;
	(pc) =	sbr.abs _section_cstart, $3  }
0x38: {  	[dreg:$0x1] =	wrdreg $0xFFFFFFFF  }
0x39: {  	_ =	task.clear_ibuf [dreg:s7], $0x2FFFF;
	_ =	strace $0x9FFFFFFF  }
0x3a: {  	(tm) =	ssettm $0x7FFFFFFF  }
0x3b: {  	_ =	shalt  }
tec
execute0_lowered:
.L_overlay_start_1:
0x0: {  	(tag) =	ssettag $0x1  }
0x1: {  	s0 =	srdreg.scid  }
0x2: {  	s1 =	sshll.u32 s0, $0x4  }
0x3: {  	s4 =	rddreg [dreg:$0x0];
	s0 =	stileid.u32;
	s1 =	sand.u32 $0x10, s1  }
0x4: {  	s2 =	rddreg [dreg:$0x1];
	s7 =	simm.s32 $0x1;
	s1 =	sor.u32 s0, s1  }
0x5: {  	s8 =	simm.s32 $0x2;
	s11 =	simm.s32 $0x0;
	s3 =	sshll.u32 s1, $0x7  }
0x6: {  	s10 =	simm.s32 $0x0;
	s4 =	sadd.s32 $0x600, s4;
	s6 =	ssub.s32 $0xC8000, s3  }
.Ltmp0:
0x7: {  	s1 =	rddreg [dreg:$0x2];
	s5 =	sand.u32 $0xF80, s6;
	(pc) =	sbr.rel .LBB1_1-.Ltmp0, $4  }
0x8: {  	_ =	strace $0x8000004A;
	s9 =	smov.u32 s3;
	p0 =	sne.s32 s5, $0x0  }
0x9: {  	s6 =	sshrl.u32 s6, $0xC;
	s5 =	simm.s32 $0x1;
	s7 =	simm.s32 @!p0 $0x0  }
0xa: {  	[sflag:s5] =	ssyncpa.u1 $0x0;
	p0 =	por $0x0, $0x0;
	s6 =	sadd.s32 s7, s6  }
0xb: {  	[sflag:s8] =	ssyncpa.u1 $0x0;
	s8 =	simm.s32 $0x640000;
	s7 =	sadd.s32 $0x1, s6  }
.LBB1_4:
0xc: {  	s14 =	sshll.u32 s11, $0x3  }
0xd: {  	s30 =	sand.u32 $0x7F, s11;
	s15 =	sand.u32 $0xFFFFFC00, s14  }
0xe: {  	s11 =	sor.u32 s30, s15  }
0xf: {  	s15 =	smulhi.u32 $0x51EB851F, s11  }
0x10: {  	s14 =	smulhi.u32 $0x51EB851F, s14  }
0x11: {  	s15 =	sshrl.u32 s15, $0x12  }
0x12: {  	s14 =	sshrl.u32 s14, $0x12;
	s15 =	smul.u32 $0xC8000, s15  }
0x13: {  	s14 =	sand.u32 $0x3F, s14  }
0x14: {  	s14 =	smul.u32 $0x19000, s14;
	s11 =	ssub.s32 s11, s15  }
0x15: {  	[tilespmem:s13+$0x810 ss:$0x81] =	vst.msk $0xffff, v2;
	s15 =	sand.u32 $0x7, s11  }
0x16: {  	[tilespmem:s13+$0x1020 ss:$0x81] =	vst.msk $0xffff, v0;
	s14 =	sadd.s32 s2, s14;
	s11 =	sshrl.u32 s11, $0x3;
	s15 =	sshll.u32 s15, $0x12  }
0x17: {  	[tilespmem:s13+$0x0 ss:$0x81] =	vst.msk $0xffff, v1;
	s11 =	sadd.s32 s11, s14;
	s31 =	sor.u32 $0x400, s15  }
0x18: {  	[hbm4b:s11+s31] =	stream.strided.scatter [tilespmem:s12], [sflag:$0x2], $0x2000, s8, s31, $0x20;
	[tilespmem:$0x8080] =	vst v63  }
.LBB1_5:
0x19: {  	s13 =	sadd.s32 $0x1000, s9  }
0x1a: {  	p2 =	sgt.s32 s13, $0xC7FFF  }
0x1b: {  	s13 =	smov.u32 @p2 s3;
	p2 =	sne.s32 s10, s7  }
.Ltmp1:
0x1c: {  	p1 =	slt.u32 s10, $0x2;
	(pc) =	sbr.rel @!p2 .LBB1_6-.Ltmp1, $4  }
0x1d: {  	s12 =	simm.s32 @!p1 $0x2  }
0x1e: {  	s14 =	sadd.s32 $0x1, s10;
	_ =	swait.ge @!p1 [sflag:s12], $0x2000  }
0x1f: {  	s11 =	smov.u32 s9;
	p0 =	por !p0, !p0;
	[sflag:s12] =	ssyncset.done @!p1 $0x0  }
0x20: {  	s10 =	smov.u32 s14;
	s9 =	smov.u32 s13;
	[sflag:s12] =	ssyncadd.s32 @!p1 $0xFFFFE000  }
.LBB1_1:
0x21: {  	p1 =	sge.u32 s10, s6  }
0x22: {  	s12 =	sand.u32 @!p1 $0x1FFFFFF, s9  }
0x23: {  	s13 =	smulhi.u32 @!p1 $0x147AE15, s12;
	_ =	sdelay $0x1  }
0x24: {  	s13 =	sshrl.u32 @!p1 s13, $0xC  }
0x25: {  	s13 =	smul.u32 @!p1 $0xC8000, s13;
	_ =	sdelay $0x1  }
0x26: {  	s31 =	sadd.s32 $0xFFFFFFFF, s10;
	s14 =	sxor.u32 @!p1 $0xFFFFFFFF, s10;
	s12 =	ssub.s32 @!p1 s12, s13  }
0x27: {  	s15 =	simm.s32 @!p1 $0x80;
	s14 =	sshll.u32 @!p1 s14, $0xD;
	s12 =	sshll.u32 @!p1 s12, $0x4  }
0x28: {  	s13 =	sand.u32 @!p1 $0x2000, s14;
	s14 =	simm.s32 @!p1 $0x40;
	s12 =	sadd.s32 @!p1 s4, s12  }
0x29: {  	[tilespmem:s13], [sflag:$0x1] =	stream.strided.gather @!p1 [hbm4b:s12+s14], $0x2000, s15, s14, $0x38;
	[tilespmem:$0x8080] =	vst v63  }
0x2a: {  	p1 =	sge.u32 s31, s6  }
.Ltmp2:
0x2b: {  	_ = 	snop;
	(pc) =	sbr.rel @p1 .LBB1_5-.Ltmp2, $1  }
0x2c: {  	_ =	sdelay $0x3  }
0x2d: {  	s12 =	simm.s32 $0x1  }
0x2e: {  	_ =	swait.ge [sflag:s5], $0x2000;
	s12 =	simm.s32 @!p0 $0x0  }
0x2f: {  	[sflag:s5] =	ssyncset.done $0x0;
	s13 =	sshll.u32 s12, $0xD  }
0x30: {  	[sflag:s5] =	ssyncadd.s32 $0xFFFFE000;
	s16 =	sor.u32 $0x20, s13  }
0x31: {  	s12 =	smul.u32 $0x8100, s12;
	v3 =	vld [tilespmem:s16+$0x10]  }
0x32: {  	s30 =	sand.u32 $0x1, s10;
	v2 =	vld [tilespmem:s16+$0xFFFFFFF0]  }
0x33: {  	s13 =	smul.u32 $0x8100, s30;
	s12 =	sshrl.u32 s12, $0x2;
	v0 =	vld [tilespmem:s16+$0x0]  }
0x34: {  	v1 =	vld [tilespmem:s16+$0xFFFFFFE0];
	s14 =	sor.u32 $0x4000, s12  }
0x35: {  	s31 =	sshrl.u32 s13, $0x2;
	s13 =	sadd.s32 $0x0, s14  }
0x36: {  	s15 =	simm.s32 $0x4;
	s16 =	sadd.s32 $0x40, s16;
	s12 =	sor.u32 $0x4000, s31;
	[tilespmem:s13+$0x1830 ss:$0x81] =	vst.msk $0xffff, v3  }
.LBB1_3:
0x37: {  	v3 =	vld [tilespmem:s16+$0x10];
	p1 =	sne.s32 s15, $0x1FC;
	[tilespmem:s13+$0x810 ss:$0x81] =	vst.msk $0xffff, v2;
	s17 =	smov.u32 s15;
	s15 =	sadd.s32 $0x4, s15  }
.Ltmp3:
0x38: {  	v2 =	vld [tilespmem:s16+$0xFFFFFFF0];
	[tilespmem:s13+$0x1020 ss:$0x81] =	vst.msk $0xffff, v0;
	(pc) =	sbr.rel @p1 .LBB1_3-.Ltmp3, $4  }
0x39: {  	v0 =	vld [tilespmem:s16+$0x0];
	[tilespmem:s13+$0x0 ss:$0x81] =	vst.msk $0xffff, v1  }
0x3a: {  	s13 =	sshra.s32 s17, $0x2;
	v1 =	vld [tilespmem:s16+$0xFFFFFFE0]  }
0x3b: {  	s13 =	sadd.s32 s13, s14  }
0x3c: {  	s16 =	sadd.s32 $0x40, s16;
	[tilespmem:s13+$0x1830 ss:$0x81] =	vst.msk $0xffff, v3  }
.Ltmp4:
0x3d: {  	_ = 	snop;
	(pc) =	sbr.rel .LBB1_4-.Ltmp4, $1  }
0x3e: {  	_ =	sdelay $0x3  }
.LBB1_6:
0x3f: {  	_ =	sfence.sel $0x180000  }
0x40: {  	s2 =	simm.s32 $0x1;
	[bflag:$0x0] =	sbarrier.arrive $0xFFFF  }
0x41: {  	s31 =	simm.s32 $0x2;
	[sflag:s2] =	ssyncpa.u1 $0x1  }
0x42: {  	[sflag:s31] =	ssyncpa.u1 $0x1  }
0x43: {  	p0 =	sne.s32 s0, $0x0;
	_ =	strace $0x9000004A  }
0x44: {  	s0 =	sadd.s32 @!p0 $0x100000, s1;
	[bflag:$0x2] =	sbarrier.arrive $0xFFFF  }
0x45: {  	[sflag:s0] =	ssyncadd.tile.s32 @!p0 $0x1;
	_ =	shalt  }
.Lfunc_end1:
_tile_overlayer_lowered:
.L_overlay_start_2:
0x46: {  	(tag) =	ssettag $0x2  }
0x47: {  	s0 =	rddreg [dreg:$0x0];
	s2 =	stileid.u32  }
0x48: {  	s1 =	rddreg [dreg:$0x1];
	p0 =	sne.s32 s2, $0x0  }
0x49: {  	s3 =	rddreg [dreg:$0x2];
	[bflag:$0x3] =	sbarrier.arrive $0xFFFF;
	s2 =	simm.s32 @!p0 $0x1C01  }
0x4a: {  	[timem:s3], [sflag:s2] =	dma.local @!p0 [hbm:s0], s1  }
0x4b: {  	s0 =	simm.s32 @!p0 $0x1  }
0x4c: {  	_ =	swait.ge @!p0 [sflag:s0], s1  }
0x4d: {  	s1 =	ssub.s32 @!p0 $0x0, s1;
	[sflag:s0] =	ssyncset.done @!p0 $0x0  }
0x4e: {  	[sflag:s0] =	ssyncadd.s32 @!p0 s1  }
0x4f: {  	[bflag:$0x3] =	sbarrier.arrive $0xFFFF  }
0x50: {  	_ =	shalt  }

</sc_bundles>
